<compile_context>
chip_gen: v7x
topology: tpu7x:2x2x1
jax: 0.10.2.dev20260603
libtpu: 0.0.44.dev20260713+nightly
codegen_flags: <defaults>
</compile_context>

<pallas_src>
import jax
import jax.numpy as jnp
from jax import lax
from jax.experimental import pallas as pl
from jax.experimental.pallas import tpu as pltpu
from jax.experimental.pallas import tpu_sc as plsc

N = 10000
E = 320000
D = 128

NC, NS = 2, 16
NW = NC * NS
NPAD = 10240
NBR = NPAD // 128

CH = 80
CPT = 128
EPAD = NW * CPT * CH
NBUF = 4
PASS_CH = 32
NPASS = CPT // PASS_CH
ROWS_PER_TILE = NPAD // NS

_MESH = plsc.VectorSubcoreMesh(
    core_axis_name="c", subcore_axis_name="s", num_cores=NC, num_subcores=NS)
_SC_PARAMS = pltpu.CompilerParams(needs_layout_passes=False)


def _zero_rows(ref, nrows, ncols):
    z16 = jnp.zeros((16,), jnp.float32)

    def body(r, _):
        for k in range(ncols // 16):
            ref[r, pl.ds(k * 16, 16)] = z16
        return 0
    lax.fori_loop(0, nrows, body, 0)


def _sc_degrees(row_hbm, col_hbm, zflat_hbm, deg_hbm, rowv, colv, h):
    c = lax.axis_index("c")
    s = lax.axis_index("s")
    wid = c * NS + s
    pltpu.sync_copy(row_hbm.at[pl.ds(wid * CPT, CPT)], rowv)
    pltpu.sync_copy(col_hbm.at[pl.ds(wid * CPT, CPT)], colv)
    pltpu.sync_copy(zflat_hbm, h)

    ones16 = jnp.ones((16,), jnp.float32)

    def hloop(j, _):
        for k in range(CH // 16):
            cv = colv[j, pl.ds(k * 16, 16)]
            plsc.addupdate_scatter(h, [cv], ones16)
            rv = rowv[j, pl.ds(k * 16, 16)]
            plsc.addupdate_scatter(h, [rv + NPAD], ones16)
        return 0
    lax.fori_loop(0, CPT, hloop, 0)

    pltpu.sync_copy(h.at[pl.ds(0, NPAD)], deg_hbm.at[wid, 0])
    pltpu.sync_copy(h.at[pl.ds(NPAD, NPAD)], deg_hbm.at[wid, 1])


_degrees = pl.kernel(
    _sc_degrees,
    out_type=jax.ShapeDtypeStruct((NW, 2, NPAD), jnp.float32),
    mesh=_MESH,
    compiler_params=_SC_PARAMS,
    scratch_types=[
        pltpu.VMEM((CPT, CH), jnp.int32),
        pltpu.VMEM((CPT, CH), jnp.int32),
        pltpu.VMEM((2 * NPAD,), jnp.float32),
    ],
)


BLK_P = 512


def _row_scale_col(deg_blk):
    d = jnp.sum(deg_blk, axis=0, keepdims=True)
    inv = jnp.where(d > 0, lax.rsqrt(d), 0.0)
    return jnp.transpose(inv)


def _tc_project(x_ref, w_ref, deg_ref, z_ref):
    inv = _row_scale_col(deg_ref[0, :, 0, :])
    y = lax.dot_general(x_ref[...], w_ref[...], (((1,), (1,)), ((), ())),
                        preferred_element_type=jnp.float32)
    z_ref[...] = y * inv


_project = pl.pallas_call(
    _tc_project,
    grid=(NPAD // BLK_P,),
    in_specs=[
        pl.BlockSpec((BLK_P, D), lambda i: (i, 0)),
        pl.BlockSpec((D, D), lambda i: (0, 0)),
        pl.BlockSpec((1, NW, 2, BLK_P), lambda i: (0, 0, 0, i)),
    ],
    out_specs=pl.BlockSpec((BLK_P, D), lambda i: (i, 0)),
    out_shape=jax.ShapeDtypeStruct((NPAD, D), jnp.float32),
)


def _sc_scatter(row_hbm, col_hbm, z_hbm, zrows_hbm, acc_hbm, rowv, colv,
                zbuf, accs, gs0, gs1, gs2, gs3, ss0, ss1, ss2, ss3):
    gs = (gs0, gs1, gs2, gs3)
    ss = (ss0, ss1, ss2, ss3)
    c = lax.axis_index("c")
    s = lax.axis_index("s")
    wid = c * NS + s

    pltpu.sync_copy(zrows_hbm, accs.at[pl.ds(s * ROWS_PER_TILE, ROWS_PER_TILE)])
    plsc.subcore_barrier()

    def gather(j, b):
        return pltpu.async_copy(z_hbm.at[colv.at[j]], zbuf.at[b], gs[b])

    def wait_gather(j, b):
        pltpu.make_async_copy(z_hbm.at[colv.at[j]], zbuf.at[b], gs[b]).wait()

    def scatter(j, b):
        return pltpu.async_copy(zbuf.at[b], accs.at[rowv.at[j]], ss[b],
                                add=True)

    def wait_scatter(j, b):
        pltpu.make_async_copy(zbuf.at[b], accs.at[rowv.at[j]], ss[b]).wait()

    for p in range(NPASS):
        base = wid * CPT + p * PASS_CH
        pltpu.sync_copy(row_hbm.at[pl.ds(base, PASS_CH)], rowv)
        pltpu.sync_copy(col_hbm.at[pl.ds(base, PASS_CH)], colv)
        for b in range(NBUF):
            gather(b, b)

        def grp(q, _):
            j0 = q * NBUF
            for b in range(NBUF):
                wait_gather(j0 + b, b)
                scatter(j0 + b, b)
            for b in range(NBUF):
                wait_scatter(j0 + b, b)
                gather(j0 + NBUF + b, b)
            return 0
        lax.fori_loop(0, PASS_CH // NBUF - 1, grp, 0)

        j0 = PASS_CH - NBUF
        for b in range(NBUF):
            wait_gather(j0 + b, b)
            scatter(j0 + b, b)
        for b in range(NBUF):
            wait_scatter(j0 + b, b)

    plsc.subcore_barrier()
    pltpu.sync_copy(accs.at[pl.ds(s * ROWS_PER_TILE, ROWS_PER_TILE)],
                    acc_hbm.at[c, pl.ds(s * ROWS_PER_TILE, ROWS_PER_TILE)])


_scatter = pl.kernel(
    _sc_scatter,
    out_type=jax.ShapeDtypeStruct((NC, NPAD, D), jnp.float32),
    mesh=_MESH,
    compiler_params=_SC_PARAMS,
    scratch_types=[
        pltpu.VMEM((PASS_CH, CH), jnp.int32),
        pltpu.VMEM((PASS_CH, CH), jnp.int32),
        pltpu.VMEM((NBUF, CH, D), jnp.float32),
        pltpu.VMEM_SHARED((NPAD, D), jnp.float32),
        pltpu.SemaphoreType.DMA,
        pltpu.SemaphoreType.DMA,
        pltpu.SemaphoreType.DMA,
        pltpu.SemaphoreType.DMA,
        pltpu.SemaphoreType.DMA,
        pltpu.SemaphoreType.DMA,
        pltpu.SemaphoreType.DMA,
        pltpu.SemaphoreType.DMA,
    ],
)


BLK_F = 512


def _tc_finalize(acc_ref, deg_ref, b_ref, o_ref):
    inv = _row_scale_col(deg_ref[0, :, 1, :])
    o_ref[...] = inv * (acc_ref[0] + acc_ref[1]) + b_ref[...]


_finalize = pl.pallas_call(
    _tc_finalize,
    grid=(NPAD // BLK_F,),
    in_specs=[
        pl.BlockSpec((NC, BLK_F, D), lambda i: (0, i, 0)),
        pl.BlockSpec((1, NW, 2, BLK_F), lambda i: (0, 0, 0, i)),
        pl.BlockSpec((1, D), lambda i: (0, 0)),
    ],
    out_specs=pl.BlockSpec((BLK_F, D), lambda i: (i, 0)),
    out_shape=jax.ShapeDtypeStruct((N, D), jnp.float32),
)


def kernel(x, edge_index, W_src, b_src, W_dst, b_dst):
    del W_dst, b_dst
    pad = EPAD - E
    sent = N + (jnp.arange(pad, dtype=jnp.int32) % (NPAD - N))
    row_p = jnp.concatenate([edge_index[0], sent]).reshape(NW * CPT, CH)
    col_p = jnp.concatenate([edge_index[1], sent]).reshape(NW * CPT, CH)
    x_p = jnp.pad(x, ((0, NPAD - N), (0, 0)))

    zflat = jnp.zeros((2 * NPAD,), jnp.float32)
    zrows = jnp.zeros((ROWS_PER_TILE, D), jnp.float32)

    deg = _degrees(row_p, col_p, zflat)
    deg4 = deg[None]
    z = _project(x_p, W_src, deg4)
    acc = _scatter(row_p, col_p, z, zrows)
    return _finalize(acc, deg4, b_src.reshape(1, D))

# --- scband reference (transcript-rebuilt; emitter-appended) ---
"""Pipeline reference for scband-dir-gcnconv-37005438222414 (READ-ONLY COPY).

The authoritative reference and input builder live on the scoring server;
editing this copy changes nothing except your own understanding.
"""

import jax, jax.numpy as jnp
import numpy as np

N = 10000
E = 320000
D_IN = 128
D_OUT = 128


def setup_inputs(seed: int = 0) -> dict:
    key = jax.random.key(seed)
    k1, k2, k3, k4, k5, k6 = jax.random.split(key, 6)
    x = jax.random.normal(k1, (N, D_IN), dtype=jnp.float32)
    edge_index = jax.random.randint(k2, (2, E), 0, N, dtype=jnp.int32)
    lin_scale = 1.0 / np.sqrt(D_IN)
    W_src = jax.random.normal(k3, (D_OUT, D_IN), dtype=jnp.float32) * lin_scale
    b_src = jax.random.normal(k4, (D_OUT,), dtype=jnp.float32) * lin_scale
    W_dst = jax.random.normal(k5, (D_OUT, D_IN), dtype=jnp.float32) * lin_scale
    b_dst = jax.random.normal(k6, (D_OUT,), dtype=jnp.float32) * lin_scale
    return {"x": x, "edge_index": edge_index, "W_src": W_src, "b_src": b_src,
            "W_dst": W_dst, "b_dst": b_dst}


def reference(x, edge_index, W_src, b_src, W_dst, b_dst):
    # Faithful translation of DirGCNConv.forward with alpha = 1.0.
    row = edge_index[0]
    col = edge_index[1]
    n = x.shape[0]
    ones = jnp.ones(row.shape[0], dtype=x.dtype)
    # A has A[row, col] = 1. sum over dim=0 -> in-degree (per column),
    # sum over dim=1 -> out-degree (per row).
    in_deg = jax.ops.segment_sum(ones, col, num_segments=n)
    out_deg = jax.ops.segment_sum(ones, row, num_segments=n)
    in_inv_sqrt = jnp.where(in_deg > 0, in_deg ** -0.5, 0.0)
    out_inv_sqrt = jnp.where(out_deg > 0, out_deg ** -0.5, 0.0)
    # Normalized edge weight: D_out^{-1/2} A D_in^{-1/2}. For A^T the
    # symmetric normalization yields the same per-edge weight (roles of
    # in/out degrees swap with the transposition of indices).
    w = out_inv_sqrt[row] * in_inv_sqrt[col]
    # A_norm @ x : out[row] += w * x[col]
    agg_src_to_dst = jax.ops.segment_sum(w[:, None] * x[col], row, num_segments=n)
    # A_norm^T @ x : out[col] += w * x[row]
    agg_dst_to_src = jax.ops.segment_sum(w[:, None] * x[row], col, num_segments=n)
    alpha = 1.0
    src_to_dst_term = agg_src_to_dst @ W_src.T + b_src
    dst_to_src_term = agg_dst_to_src @ W_dst.T + b_dst
    return alpha * src_to_dst_term + (1.0 - alpha) * dst_to_src_term

if __name__ == "__main__":
    import jax
    _d = setup_inputs()
    print(jax.jit(kernel)(*tuple(_d.values())))

</pallas_src>

<mosaic_0001>
#map = affine_map<(d0, d1) -> (0, 0)>
#map1 = affine_map<(d0, d1) -> (0)>
#map2 = affine_map<(d0, d1) -> (0, 0, 0)>
module attributes {stable_mosaic.version = 14 : i64} {
  func.func @_sc_degrees(%arg0: i32, %arg1: i32, %arg2: memref<4096x80xi32, #tpu.memory_space<hbm>>, %arg3: memref<4096x80xi32, #tpu.memory_space<hbm>>, %arg4: memref<20480xf32, #tpu.memory_space<hbm>>, %arg5: memref<32x2x10240xf32, #tpu.memory_space<hbm>>, %arg6: memref<128x80xi32, #tpu.memory_space<vmem>>, %arg7: memref<128x80xi32, #tpu.memory_space<vmem>>, %arg8: memref<20480xf32, #tpu.memory_space<vmem>>) attributes {dimension_semantics = [#tpu.dimension_semantics<core_parallel>, #tpu.dimension_semantics<subcore_parallel>], iteration_bounds = array<i64: 2, 16>, scalar_prefetch = 0 : i64, scratch_operands = 3 : i64, tpu.core_type = #tpu.core_type<sc_vector_subcore>, window_params = [{transform_indices = #map}, {transform_indices = #map}, {transform_indices = #map1}, {transform_indices = #map2}]} {
    %mul3A = arith.constant 16 : i32
    %mul3A_0 = arith.muli %arg0, %mul3A : i32
    %add3A = arith.addi %mul3A_0, %arg1 : i32
    %mul3A_1 = arith.constant 128 : i32
    %mul3A_2 = arith.muli %add3A, %mul3A_1 : i32
    "tpu.region"() ({
      %run_scoped3A_13 = tpu.sem_alloc : memref<!tpu.dma_semaphore, #tpu.memory_space<semaphore_mem>>
      %dma_start3A = arith.constant 0 : i32
      %dma_start3A_14 = tpu.memref_slice %arg2[%mul3A_2, %dma_start3A] : memref<4096x80xi32, #tpu.memory_space<hbm>> -> memref<128x80xi32, #tpu.memory_space<hbm>>
      %dma_start3A_15 = arith.constant 0 : i32
      %dma_start3A_16 = tpu.memref_slice %arg2[%mul3A_2, %dma_start3A_15] : memref<4096x80xi32, #tpu.memory_space<hbm>> -> memref<128x80xi32, #tpu.memory_space<hbm>>
      tpu.enqueue_dma source(%dma_start3A_16 : memref<128x80xi32, #tpu.memory_space<hbm>>) target(%arg6 : memref<128x80xi32, #tpu.memory_space<vmem>>) target_semaphore(%run_scoped3A_13 : memref<!tpu.dma_semaphore, #tpu.memory_space<semaphore_mem>>)
      %dma_wait3A = arith.constant 0 : i32
      %dma_wait3A_17 = tpu.memref_slice %arg2[%mul3A_2, %dma_wait3A] : memref<4096x80xi32, #tpu.memory_space<hbm>> -> memref<128x80xi32, #tpu.memory_space<hbm>>
      %dma_wait3A_18 = arith.constant 0 : i32
      %dma_wait3A_19 = tpu.memref_slice %arg2[%mul3A_2, %dma_wait3A_18] : memref<4096x80xi32, #tpu.memory_space<hbm>> -> memref<128x80xi32, #tpu.memory_space<hbm>>
      tpu.wait_dma2 semaphore(%run_scoped3A_13 : memref<!tpu.dma_semaphore, #tpu.memory_space<semaphore_mem>>) src(%dma_wait3A_19 : memref<128x80xi32, #tpu.memory_space<hbm>>) dst(%arg6 : memref<128x80xi32, #tpu.memory_space<vmem>>)
      tpu.yield
    }) : () -> ()
    %mul3A_3 = arith.constant 128 : i32
    %mul3A_4 = arith.muli %add3A, %mul3A_3 : i32
    "tpu.region"() ({
      %run_scoped3A_13 = tpu.sem_alloc : memref<!tpu.dma_semaphore, #tpu.memory_space<semaphore_mem>>
      %dma_start3A = arith.constant 0 : i32
      %dma_start3A_14 = tpu.memref_slice %arg3[%mul3A_4, %dma_start3A] : memref<4096x80xi32, #tpu.memory_space<hbm>> -> memref<128x80xi32, #tpu.memory_space<hbm>>
      %dma_start3A_15 = arith.constant 0 : i32
      %dma_start3A_16 = tpu.memref_slice %arg3[%mul3A_4, %dma_start3A_15] : memref<4096x80xi32, #tpu.memory_space<hbm>> -> memref<128x80xi32, #tpu.memory_space<hbm>>
      tpu.enqueue_dma source(%dma_start3A_16 : memref<128x80xi32, #tpu.memory_space<hbm>>) target(%arg7 : memref<128x80xi32, #tpu.memory_space<vmem>>) target_semaphore(%run_scoped3A_13 : memref<!tpu.dma_semaphore, #tpu.memory_space<semaphore_mem>>)
      %dma_wait3A = arith.constant 0 : i32
      %dma_wait3A_17 = tpu.memref_slice %arg3[%mul3A_4, %dma_wait3A] : memref<4096x80xi32, #tpu.memory_space<hbm>> -> memref<128x80xi32, #tpu.memory_space<hbm>>
      %dma_wait3A_18 = arith.constant 0 : i32
      %dma_wait3A_19 = tpu.memref_slice %arg3[%mul3A_4, %dma_wait3A_18] : memref<4096x80xi32, #tpu.memory_space<hbm>> -> memref<128x80xi32, #tpu.memory_space<hbm>>
      tpu.wait_dma2 semaphore(%run_scoped3A_13 : memref<!tpu.dma_semaphore, #tpu.memory_space<semaphore_mem>>) src(%dma_wait3A_19 : memref<128x80xi32, #tpu.memory_space<hbm>>) dst(%arg7 : memref<128x80xi32, #tpu.memory_space<vmem>>)
      tpu.yield
    }) : () -> ()
    "tpu.region"() ({
      %run_scoped3A_13 = tpu.sem_alloc : memref<!tpu.dma_semaphore, #tpu.memory_space<semaphore_mem>>
      tpu.enqueue_dma source(%arg4 : memref<20480xf32, #tpu.memory_space<hbm>>) target(%arg8 : memref<20480xf32, #tpu.memory_space<vmem>>) target_semaphore(%run_scoped3A_13 : memref<!tpu.dma_semaphore, #tpu.memory_space<semaphore_mem>>)
      tpu.wait_dma2 semaphore(%run_scoped3A_13 : memref<!tpu.dma_semaphore, #tpu.memory_space<semaphore_mem>>) src(%arg4 : memref<20480xf32, #tpu.memory_space<hbm>>) dst(%arg8 : memref<20480xf32, #tpu.memory_space<vmem>>)
      tpu.yield
    }) : () -> ()
    %broadcast_in_dim3A = arith.constant 1.000000e+00 : f32
    %broadcast_in_dim3A_5 = vector.broadcast %broadcast_in_dim3A : f32 to vector<16xf32>
    %scan3A = arith.constant 0 : i32
    %scan3A_6 = arith.constant 0 : i32
    %scan3A_7 = arith.constant 128 : i32
    %scan3A_8 = arith.addi %scan3A_6, %scan3A_7 : i32
    %scan3A_9 = arith.constant 1 : i32
    %scan3A_10 = scf.for %scan3A_13 = %scan3A_6 to %scan3A_8 step %scan3A_9 iter_args(%scan3A_14 = %scan3A) -> (i32)  : i32 {
      %get3A = arith.index_cast %scan3A_13 : i32 to index
      %get3A_15 = arith.constant 0 : index
      %get3A_16 = tpu.vector_load %arg7[%get3A, %get3A_15] {strides = array<i32>} : memref<128x80xi32, #tpu.memory_space<vmem>>, vector<16xi32>,
      tpu.vector_store_idx %arg8[%get3A_16], %broadcast_in_dim3A_5 {add = true} : memref<20480xf32, #tpu.memory_space<vmem>>[vector<16xi32>], vector<16xf32>,
      %get3A_17 = arith.index_cast %scan3A_13 : i32 to index
      %get3A_18 = arith.constant 0 : index
      %get3A_19 = tpu.vector_load %arg6[%get3A_17, %get3A_18] {strides = array<i32>} : memref<128x80xi32, #tpu.memory_space<vmem>>, vector<16xi32>,
      %add3A_20 = arith.constant 10240 : i32
      %add3A_21 = vector.broadcast %add3A_20 : i32 to vector<16xi32>
      %add3A_22 = arith.addi %get3A_19, %add3A_21 : vector<16xi32>
      tpu.vector_store_idx %arg8[%add3A_22], %broadcast_in_dim3A_5 {add = true} : memref<20480xf32, #tpu.memory_space<vmem>>[vector<16xi32>], vector<16xf32>,
      %get3A_23 = arith.index_cast %scan3A_13 : i32 to index
      %get3A_24 = arith.constant 16 : index
      %get3A_25 = tpu.vector_load %arg7[%get3A_23, %get3A_24] {strides = array<i32>} : memref<128x80xi32, #tpu.memory_space<vmem>>, vector<16xi32>,
      tpu.vector_store_idx %arg8[%get3A_25], %broadcast_in_dim3A_5 {add = true} : memref<20480xf32, #tpu.memory_space<vmem>>[vector<16xi32>], vector<16xf32>,
      %get3A_26 = arith.index_cast %scan3A_13 : i32 to index
      %get3A_27 = arith.constant 16 : index
      %get3A_28 = tpu.vector_load %arg6[%get3A_26, %get3A_27] {strides = array<i32>} : memref<128x80xi32, #tpu.memory_space<vmem>>, vector<16xi32>,
      %add3A_29 = arith.constant 10240 : i32
      %add3A_30 = vector.broadcast %add3A_29 : i32 to vector<16xi32>
      %add3A_31 = arith.addi %get3A_28, %add3A_30 : vector<16xi32>
      tpu.vector_store_idx %arg8[%add3A_31], %broadcast_in_dim3A_5 {add = true} : memref<20480xf32, #tpu.memory_space<vmem>>[vector<16xi32>], vector<16xf32>,
      %get3A_32 = arith.index_cast %scan3A_13 : i32 to index
      %get3A_33 = arith.constant 32 : index
      %get3A_34 = tpu.vector_load %arg7[%get3A_32, %get3A_33] {strides = array<i32>} : memref<128x80xi32, #tpu.memory_space<vmem>>, vector<16xi32>,
      tpu.vector_store_idx %arg8[%get3A_34], %broadcast_in_dim3A_5 {add = true} : memref<20480xf32, #tpu.memory_space<vmem>>[vector<16xi32>], vector<16xf32>,
      %get3A_35 = arith.index_cast %scan3A_13 : i32 to index
      %get3A_36 = arith.constant 32 : index
      %get3A_37 = tpu.vector_load %arg6[%get3A_35, %get3A_36] {strides = array<i32>} : memref<128x80xi32, #tpu.memory_space<vmem>>, vector<16xi32>,
      %add3A_38 = arith.constant 10240 : i32
      %add3A_39 = vector.broadcast %add3A_38 : i32 to vector<16xi32>
      %add3A_40 = arith.addi %get3A_37, %add3A_39 : vector<16xi32>
      tpu.vector_store_idx %arg8[%add3A_40], %broadcast_in_dim3A_5 {add = true} : memref<20480xf32, #tpu.memory_space<vmem>>[vector<16xi32>], vector<16xf32>,
      %get3A_41 = arith.index_cast %scan3A_13 : i32 to index
      %get3A_42 = arith.constant 48 : index
      %get3A_43 = tpu.vector_load %arg7[%get3A_41, %get3A_42] {strides = array<i32>} : memref<128x80xi32, #tpu.memory_space<vmem>>, vector<16xi32>,
      tpu.vector_store_idx %arg8[%get3A_43], %broadcast_in_dim3A_5 {add = true} : memref<20480xf32, #tpu.memory_space<vmem>>[vector<16xi32>], vector<16xf32>,
      %get3A_44 = arith.index_cast %scan3A_13 : i32 to index
      %get3A_45 = arith.constant 48 : index
      %get3A_46 = tpu.vector_load %arg6[%get3A_44, %get3A_45] {strides = array<i32>} : memref<128x80xi32, #tpu.memory_space<vmem>>, vector<16xi32>,
      %add3A_47 = arith.constant 10240 : i32
      %add3A_48 = vector.broadcast %add3A_47 : i32 to vector<16xi32>
      %add3A_49 = arith.addi %get3A_46, %add3A_48 : vector<16xi32>
      tpu.vector_store_idx %arg8[%add3A_49], %broadcast_in_dim3A_5 {add = true} : memref<20480xf32, #tpu.memory_space<vmem>>[vector<16xi32>], vector<16xf32>,
      %get3A_50 = arith.index_cast %scan3A_13 : i32 to index
      %get3A_51 = arith.constant 64 : index
      %get3A_52 = tpu.vector_load %arg7[%get3A_50, %get3A_51] {strides = array<i32>} : memref<128x80xi32, #tpu.memory_space<vmem>>, vector<16xi32>,
      tpu.vector_store_idx %arg8[%get3A_52], %broadcast_in_dim3A_5 {add = true} : memref<20480xf32, #tpu.memory_space<vmem>>[vector<16xi32>], vector<16xf32>,
      %get3A_53 = arith.index_cast %scan3A_13 : i32 to index
      %get3A_54 = arith.constant 64 : index
      %get3A_55 = tpu.vector_load %arg6[%get3A_53, %get3A_54] {strides = array<i32>} : memref<128x80xi32, #tpu.memory_space<vmem>>, vector<16xi32>,
      %add3A_56 = arith.constant 10240 : i32
      %add3A_57 = vector.broadcast %add3A_56 : i32 to vector<16xi32>
      %add3A_58 = arith.addi %get3A_55, %add3A_57 : vector<16xi32>
      tpu.vector_store_idx %arg8[%add3A_58], %broadcast_in_dim3A_5 {add = true} : memref<20480xf32, #tpu.memory_space<vmem>>[vector<16xi32>], vector<16xf32>,
      %scan3A_59 = arith.constant 0 : i32
      scf.yield %scan3A_59 : i32
    }
    %scan3A_11 = arith.constant 128 : i32
    %run_scoped3A = arith.constant 0 : i32
    "tpu.region"() ({
      %run_scoped3A_13 = tpu.sem_alloc : memref<!tpu.dma_semaphore, #tpu.memory_space<semaphore_mem>>
      %dma_start3A = arith.constant 0 : i32
      %dma_start3A_14 = tpu.memref_slice %arg8[%dma_start3A] : memref<20480xf32, #tpu.memory_space<vmem>> -> memref<10240xf32, #tpu.memory_space<vmem>>
      %dma_start3A_15 = arith.constant 0 : i32
      %dma_start3A_16 = tpu.memref_slice %arg5[%add3A, %run_scoped3A, %dma_start3A_15] : memref<32x2x10240xf32, #tpu.memory_space<hbm>> -> memref<1x1x10240xf32, #tpu.memory_space<hbm>>
      %dma_start3A_17 = tpu.memref_squeeze %dma_start3A_16 : memref<1x1x10240xf32, #tpu.memory_space<hbm>> -> memref<10240xf32, #tpu.memory_space<hbm>>
      %dma_start3A_18 = arith.constant 0 : i32
      %dma_start3A_19 = tpu.memref_slice %arg5[%add3A, %run_scoped3A, %dma_start3A_18] : memref<32x2x10240xf32, #tpu.memory_space<hbm>> -> memref<1x1x10240xf32, #tpu.memory_space<hbm>>
      %dma_start3A_20 = tpu.memref_squeeze %dma_start3A_19 : memref<1x1x10240xf32, #tpu.memory_space<hbm>> -> memref<10240xf32, #tpu.memory_space<hbm>>
      %dma_start3A_21 = arith.constant 0 : i32
      %dma_start3A_22 = tpu.memref_slice %arg8[%dma_start3A_21] : memref<20480xf32, #tpu.memory_space<vmem>> -> memref<10240xf32, #tpu.memory_space<vmem>>
      tpu.enqueue_dma source(%dma_start3A_22 : memref<10240xf32, #tpu.memory_space<vmem>>) target(%dma_start3A_20 : memref<10240xf32, #tpu.memory_space<hbm>>) target_semaphore(%run_scoped3A_13 : memref<!tpu.dma_semaphore, #tpu.memory_space<semaphore_mem>>)
      %dma_wait3A = arith.constant 0 : i32
      %dma_wait3A_23 = tpu.memref_slice %arg8[%dma_wait3A] : memref<20480xf32, #tpu.memory_space<vmem>> -> memref<10240xf32, #tpu.memory_space<vmem>>
      %dma_wait3A_24 = arith.constant 0 : i32
      %dma_wait3A_25 = tpu.memref_slice %arg5[%add3A, %run_scoped3A, %dma_wait3A_24] : memref<32x2x10240xf32, #tpu.memory_space<hbm>> -> memref<1x1x10240xf32, #tpu.memory_space<hbm>>
      %dma_wait3A_26 = tpu.memref_squeeze %dma_wait3A_25 : memref<1x1x10240xf32, #tpu.memory_space<hbm>> -> memref<10240xf32, #tpu.memory_space<hbm>>
      %dma_wait3A_27 = arith.constant 0 : i32
      %dma_wait3A_28 = tpu.memref_slice %arg5[%add3A, %run_scoped3A, %dma_wait3A_27] : memref<32x2x10240xf32, #tpu.memory_space<hbm>> -> memref<1x1x10240xf32, #tpu.memory_space<hbm>>
      %dma_wait3A_29 = tpu.memref_squeeze %dma_wait3A_28 : memref<1x1x10240xf32, #tpu.memory_space<hbm>> -> memref<10240xf32, #tpu.memory_space<hbm>>
      %dma_wait3A_30 = arith.constant 0 : i32
      %dma_wait3A_31 = tpu.memref_slice %arg8[%dma_wait3A_30] : memref<20480xf32, #tpu.memory_space<vmem>> -> memref<10240xf32, #tpu.memory_space<vmem>>
      tpu.wait_dma2 semaphore(%run_scoped3A_13 : memref<!tpu.dma_semaphore, #tpu.memory_space<semaphore_mem>>) src(%dma_wait3A_31 : memref<10240xf32, #tpu.memory_space<vmem>>) dst(%dma_wait3A_29 : memref<10240xf32, #tpu.memory_space<hbm>>)
      tpu.yield
    }) : () -> ()
    %run_scoped3A_12 = arith.constant 1 : i32
    "tpu.region"() ({
      %run_scoped3A_13 = tpu.sem_alloc : memref<!tpu.dma_semaphore, #tpu.memory_space<semaphore_mem>>
      %dma_start3A = arith.constant 10240 : i32
      %dma_start3A_14 = tpu.memref_slice %arg8[%dma_start3A] : memref<20480xf32, #tpu.memory_space<vmem>> -> memref<10240xf32, #tpu.memory_space<vmem>>
      %dma_start3A_15 = arith.constant 0 : i32
      %dma_start3A_16 = tpu.memref_slice %arg5[%add3A, %run_scoped3A_12, %dma_start3A_15] : memref<32x2x10240xf32, #tpu.memory_space<hbm>> -> memref<1x1x10240xf32, #tpu.memory_space<hbm>>
      %dma_start3A_17 = tpu.memref_squeeze %dma_start3A_16 : memref<1x1x10240xf32, #tpu.memory_space<hbm>> -> memref<10240xf32, #tpu.memory_space<hbm>>
      %dma_start3A_18 = arith.constant 0 : i32
      %dma_start3A_19 = tpu.memref_slice %arg5[%add3A, %run_scoped3A_12, %dma_start3A_18] : memref<32x2x10240xf32, #tpu.memory_space<hbm>> -> memref<1x1x10240xf32, #tpu.memory_space<hbm>>
      %dma_start3A_20 = tpu.memref_squeeze %dma_start3A_19 : memref<1x1x10240xf32, #tpu.memory_space<hbm>> -> memref<10240xf32, #tpu.memory_space<hbm>>
      %dma_start3A_21 = arith.constant 10240 : i32
      %dma_start3A_22 = tpu.memref_slice %arg8[%dma_start3A_21] : memref<20480xf32, #tpu.memory_space<vmem>> -> memref<10240xf32, #tpu.memory_space<vmem>>
      tpu.enqueue_dma source(%dma_start3A_22 : memref<10240xf32, #tpu.memory_space<vmem>>) target(%dma_start3A_20 : memref<10240xf32, #tpu.memory_space<hbm>>) target_semaphore(%run_scoped3A_13 : memref<!tpu.dma_semaphore, #tpu.memory_space<semaphore_mem>>)
      %dma_wait3A = arith.constant 10240 : i32
      %dma_wait3A_23 = tpu.memref_slice %arg8[%dma_wait3A] : memref<20480xf32, #tpu.memory_space<vmem>> -> memref<10240xf32, #tpu.memory_space<vmem>>
      %dma_wait3A_24 = arith.constant 0 : i32
      %dma_wait3A_25 = tpu.memref_slice %arg5[%add3A, %run_scoped3A_12, %dma_wait3A_24] : memref<32x2x10240xf32, #tpu.memory_space<hbm>> -> memref<1x1x10240xf32, #tpu.memory_space<hbm>>
      %dma_wait3A_26 = tpu.memref_squeeze %dma_wait3A_25 : memref<1x1x10240xf32, #tpu.memory_space<hbm>> -> memref<10240xf32, #tpu.memory_space<hbm>>
      %dma_wait3A_27 = arith.constant 0 : i32
      %dma_wait3A_28 = tpu.memref_slice %arg5[%add3A, %run_scoped3A_12, %dma_wait3A_27] : memref<32x2x10240xf32, #tpu.memory_space<hbm>> -> memref<1x1x10240xf32, #tpu.memory_space<hbm>>
      %dma_wait3A_29 = tpu.memref_squeeze %dma_wait3A_28 : memref<1x1x10240xf32, #tpu.memory_space<hbm>> -> memref<10240xf32, #tpu.memory_space<hbm>>
      %dma_wait3A_30 = arith.constant 10240 : i32
      %dma_wait3A_31 = tpu.memref_slice %arg8[%dma_wait3A_30] : memref<20480xf32, #tpu.memory_space<vmem>> -> memref<10240xf32, #tpu.memory_space<vmem>>
      tpu.wait_dma2 semaphore(%run_scoped3A_13 : memref<!tpu.dma_semaphore, #tpu.memory_space<semaphore_mem>>) src(%dma_wait3A_31 : memref<10240xf32, #tpu.memory_space<vmem>>) dst(%dma_wait3A_29 : memref<10240xf32, #tpu.memory_space<hbm>>)
      tpu.yield
    }) : () -> ()
    return
  }
}

#map = affine_map<(d0, d1) -> (0, 0)>
#map1 = affine_map<(d0, d1) -> (0, 0, 0)>
module attributes {stable_mosaic.version = 14 : i64} {
  func.func @_sc_scatter(%arg0: i32, %arg1: i32, %arg2: memref<4096x80xi32, #tpu.memory_space<hbm>>, %arg3: memref<4096x80xi32, #tpu.memory_space<hbm>>, %arg4: memref<10240x128xf32, #tpu.memory_space<hbm>>, %arg5: memref<640x128xf32, #tpu.memory_space<hbm>>, %arg6: memref<2x10240x128xf32, #tpu.memory_space<hbm>>, %arg7: memref<32x80xi32, #tpu.memory_space<vmem>>, %arg8: memref<32x80xi32, #tpu.memory_space<vmem>>, %arg9: memref<4x80x128xf32, #tpu.memory_space<vmem>>, %arg10: memref<10240x128xf32, #tpu.memory_space<vmem_shared>>, %arg11: memref<!tpu.dma_semaphore, #tpu.memory_space<semaphore_mem>>, %arg12: memref<!tpu.dma_semaphore, #tpu.memory_space<semaphore_mem>>, %arg13: memref<!tpu.dma_semaphore, #tpu.memory_space<semaphore_mem>>, %arg14: memref<!tpu.dma_semaphore, #tpu.memory_space<semaphore_mem>>, %arg15: memref<!tpu.dma_semaphore, #tpu.memory_space<semaphore_mem>>, %arg16: memref<!tpu.dma_semaphore, #tpu.memory_space<semaphore_mem>>, %arg17: memref<!tpu.dma_semaphore, #tpu.memory_space<semaphore_mem>>, %arg18: memref<!tpu.dma_semaphore, #tpu.memory_space<semaphore_mem>>) attributes {dimension_semantics = [#tpu.dimension_semantics<core_parallel>, #tpu.dimension_semantics<subcore_parallel>], iteration_bounds = array<i64: 2, 16>, scalar_prefetch = 0 : i64, scratch_operands = 12 : i64, tpu.core_type = #tpu.core_type<sc_vector_subcore>, window_params = [{transform_indices = #map}, {transform_indices = #map}, {transform_indices = #map}, {transform_indices = #map}, {transform_indices = #map1}]} {
    %mul3A = arith.constant 16 : i32
    %mul3A_0 = arith.muli %arg0, %mul3A : i32
    %add3A = arith.addi %mul3A_0, %arg1 : i32
    %mul3A_1 = arith.constant 640 : i32
    %mul3A_2 = arith.muli %arg1, %mul3A_1 : i32
    "tpu.region"() ({
      %run_scoped3A = tpu.sem_alloc : memref<!tpu.dma_semaphore, #tpu.memory_space<semaphore_mem>>
      %dma_start3A_817 = arith.constant 0 : i32
      %dma_start3A_818 = tpu.memref_slice %arg10[%mul3A_2, %dma_start3A_817] : memref<10240x128xf32, #tpu.memory_space<vmem_shared>> -> memref<640x128xf32, #tpu.memory_space<vmem_shared>>
      tpu.enqueue_dma source(%arg5 : memref<640x128xf32, #tpu.memory_space<hbm>>) target(%dma_start3A_818 : memref<640x128xf32, #tpu.memory_space<vmem_shared>>) target_semaphore(%run_scoped3A : memref<!tpu.dma_semaphore, #tpu.memory_space<semaphore_mem>>)
      %dma_wait3A_819 = arith.constant 0 : i32
      %dma_wait3A_820 = tpu.memref_slice %arg10[%mul3A_2, %dma_wait3A_819] : memref<10240x128xf32, #tpu.memory_space<vmem_shared>> -> memref<640x128xf32, #tpu.memory_space<vmem_shared>>
      tpu.wait_dma2 semaphore(%run_scoped3A : memref<!tpu.dma_semaphore, #tpu.memory_space<semaphore_mem>>) src(%arg5 : memref<640x128xf32, #tpu.memory_space<hbm>>) dst(%dma_wait3A_820 : memref<640x128xf32, #tpu.memory_space<vmem_shared>>)
      tpu.yield
    }) : () -> ()
    %barrier3A = arith.constant 0 : index
    tpu.barrier barrier_id(%barrier3A)
    %mul3A_3 = arith.constant 128 : i32
    %mul3A_4 = arith.muli %add3A, %mul3A_3 : i32
    %add3A_5 = arith.constant 0 : i32
    %add3A_6 = arith.addi %mul3A_4, %add3A_5 : i32
    "tpu.region"() ({
      %run_scoped3A = tpu.sem_alloc : memref<!tpu.dma_semaphore, #tpu.memory_space<semaphore_mem>>
      %dma_start3A_817 = arith.constant 0 : i32
      %dma_start3A_818 = tpu.memref_slice %arg2[%add3A_6, %dma_start3A_817] : memref<4096x80xi32, #tpu.memory_space<hbm>> -> memref<32x80xi32, #tpu.memory_space<hbm>>
      %dma_start3A_819 = arith.constant 0 : i32
      %dma_start3A_820 = tpu.memref_slice %arg2[%add3A_6, %dma_start3A_819] : memref<4096x80xi32, #tpu.memory_space<hbm>> -> memref<32x80xi32, #tpu.memory_space<hbm>>
      tpu.enqueue_dma source(%dma_start3A_820 : memref<32x80xi32, #tpu.memory_space<hbm>>) target(%arg7 : memref<32x80xi32, #tpu.memory_space<vmem>>) target_semaphore(%run_scoped3A : memref<!tpu.dma_semaphore, #tpu.memory_space<semaphore_mem>>)
      %dma_wait3A_821 = arith.constant 0 : i32
      %dma_wait3A_822 = tpu.memref_slice %arg2[%add3A_6, %dma_wait3A_821] : memref<4096x80xi32, #tpu.memory_space<hbm>> -> memref<32x80xi32, #tpu.memory_space<hbm>>
      %dma_wait3A_823 = arith.constant 0 : i32
      %dma_wait3A_824 = tpu.memref_slice %arg2[%add3A_6, %dma_wait3A_823] : memref<4096x80xi32, #tpu.memory_space<hbm>> -> memref<32x80xi32, #tpu.memory_space<hbm>>
      tpu.wait_dma2 semaphore(%run_scoped3A : memref<!tpu.dma_semaphore, #tpu.memory_space<semaphore_mem>>) src(%dma_wait3A_824 : memref<32x80xi32, #tpu.memory_space<hbm>>) dst(%arg7 : memref<32x80xi32, #tpu.memory_space<vmem>>)
      tpu.yield
    }) : () -> ()
    "tpu.region"() ({
      %run_scoped3A = tpu.sem_alloc : memref<!tpu.dma_semaphore, #tpu.memory_space<semaphore_mem>>
      %dma_start3A_817 = arith.constant 0 : i32
      %dma_start3A_818 = tpu.memref_slice %arg3[%add3A_6, %dma_start3A_817] : memref<4096x80xi32, #tpu.memory_space<hbm>> -> memref<32x80xi32, #tpu.memory_space<hbm>>
      %dma_start3A_819 = arith.constant 0 : i32
      %dma_start3A_820 = tpu.memref_slice %arg3[%add3A_6, %dma_start3A_819] : memref<4096x80xi32, #tpu.memory_space<hbm>> -> memref<32x80xi32, #tpu.memory_space<hbm>>
      tpu.enqueue_dma source(%dma_start3A_820 : memref<32x80xi32, #tpu.memory_space<hbm>>) target(%arg8 : memref<32x80xi32, #tpu.memory_space<vmem>>) target_semaphore(%run_scoped3A : memref<!tpu.dma_semaphore, #tpu.memory_space<semaphore_mem>>)
      %dma_wait3A_821 = arith.constant 0 : i32
      %dma_wait3A_822 = tpu.memref_slice %arg3[%add3A_6, %dma_wait3A_821] : memref<4096x80xi32, #tpu.memory_space<hbm>> -> memref<32x80xi32, #tpu.memory_space<hbm>>
      %dma_wait3A_823 = arith.constant 0 : i32
      %dma_wait3A_824 = tpu.memref_slice %arg3[%add3A_6, %dma_wait3A_823] : memref<4096x80xi32, #tpu.memory_space<hbm>> -> memref<32x80xi32, #tpu.memory_space<hbm>>
      tpu.wait_dma2 semaphore(%run_scoped3A : memref<!tpu.dma_semaphore, #tpu.memory_space<semaphore_mem>>) src(%dma_wait3A_824 : memref<32x80xi32, #tpu.memory_space<hbm>>) dst(%arg8 : memref<32x80xi32, #tpu.memory_space<vmem>>)
      tpu.yield
    }) : () -> ()
    %dma_start3A = arith.constant 0 : i32
    %dma_start3A_7 = arith.constant 0 : i32
    %dma_start3A_8 = arith.constant 0 : i32
    %dma_start3A_9 = arith.constant 0 : i32
    %dma_start3A_10 = tpu.memref_slice %arg9[%dma_start3A_7, %dma_start3A_8, %dma_start3A_9] : memref<4x80x128xf32, #tpu.memory_space<vmem>> -> memref<1x80x128xf32, #tpu.memory_space<vmem>>
    %dma_start3A_11 = tpu.memref_squeeze %dma_start3A_10 : memref<1x80x128xf32, #tpu.memory_space<vmem>> -> memref<80x128xf32, #tpu.memory_space<vmem>>
    %dma_start3A_12 = arith.constant 0 : i32
    %dma_start3A_13 = tpu.memref_slice %arg8[%dma_start3A, %dma_start3A_12] : memref<32x80xi32, #tpu.memory_space<vmem>> -> memref<1x80xi32, #tpu.memory_space<vmem>>
    %dma_start3A_14 = tpu.memref_squeeze %dma_start3A_13 : memref<1x80xi32, #tpu.memory_space<vmem>> -> memref<80xi32, #tpu.memory_space<vmem>>
    %dma_start3A_15 = arith.constant 0 : i32
    %dma_start3A_16 = arith.constant 0 : i32
    %dma_start3A_17 = tpu.memref_slice %arg4[%dma_start3A_15, %dma_start3A_16] : memref<10240x128xf32, #tpu.memory_space<hbm>> -> memref<10240x128xf32, #tpu.memory_space<hbm>>
    tpu.enqueue_indirect_dma source(%dma_start3A_17 : memref<10240x128xf32, #tpu.memory_space<hbm>>) target(%dma_start3A_11 : memref<80x128xf32, #tpu.memory_space<vmem>>) offsets(%dma_start3A_14 : memref<80xi32, #tpu.memory_space<vmem>>) semaphore(%arg11 : memref<!tpu.dma_semaphore, #tpu.memory_space<semaphore_mem>>)
    %dma_start3A_18 = arith.constant 1 : i32
    %dma_start3A_19 = arith.constant 1 : i32
    %dma_start3A_20 = arith.constant 0 : i32
    %dma_start3A_21 = arith.constant 0 : i32
    %dma_start3A_22 = tpu.memref_slice %arg9[%dma_start3A_19, %dma_start3A_20, %dma_start3A_21] : memref<4x80x128xf32, #tpu.memory_space<vmem>> -> memref<1x80x128xf32, #tpu.memory_space<vmem>>
    %dma_start3A_23 = tpu.memref_squeeze %dma_start3A_22 : memref<1x80x128xf32, #tpu.memory_space<vmem>> -> memref<80x128xf32, #tpu.memory_space<vmem>>
    %dma_start3A_24 = arith.constant 0 : i32
    %dma_start3A_25 = tpu.memref_slice %arg8[%dma_start3A_18, %dma_start3A_24] : memref<32x80xi32, #tpu.memory_space<vmem>> -> memref<1x80xi32, #tpu.memory_space<vmem>>
    %dma_start3A_26 = tpu.memref_squeeze %dma_start3A_25 : memref<1x80xi32, #tpu.memory_space<vmem>> -> memref<80xi32, #tpu.memory_space<vmem>>
    %dma_start3A_27 = arith.constant 0 : i32
    %dma_start3A_28 = arith.constant 0 : i32
    %dma_start3A_29 = tpu.memref_slice %arg4[%dma_start3A_27, %dma_start3A_28] : memref<10240x128xf32, #tpu.memory_space<hbm>> -> memref<10240x128xf32, #tpu.memory_space<hbm>>
    tpu.enqueue_indirect_dma source(%dma_start3A_29 : memref<10240x128xf32, #tpu.memory_space<hbm>>) target(%dma_start3A_23 : memref<80x128xf32, #tpu.memory_space<vmem>>) offsets(%dma_start3A_26 : memref<80xi32, #tpu.memory_space<vmem>>) semaphore(%arg12 : memref<!tpu.dma_semaphore, #tpu.memory_space<semaphore_mem>>)
    %dma_start3A_30 = arith.constant 2 : i32
    %dma_start3A_31 = arith.constant 2 : i32
    %dma_start3A_32 = arith.constant 0 : i32
    %dma_start3A_33 = arith.constant 0 : i32
    %dma_start3A_34 = tpu.memref_slice %arg9[%dma_start3A_31, %dma_start3A_32, %dma_start3A_33] : memref<4x80x128xf32, #tpu.memory_space<vmem>> -> memref<1x80x128xf32, #tpu.memory_space<vmem>>
    %dma_start3A_35 = tpu.memref_squeeze %dma_start3A_34 : memref<1x80x128xf32, #tpu.memory_space<vmem>> -> memref<80x128xf32, #tpu.memory_space<vmem>>
    %dma_start3A_36 = arith.constant 0 : i32
    %dma_start3A_37 = tpu.memref_slice %arg8[%dma_start3A_30, %dma_start3A_36] : memref<32x80xi32, #tpu.memory_space<vmem>> -> memref<1x80xi32, #tpu.memory_space<vmem>>
    %dma_start3A_38 = tpu.memref_squeeze %dma_start3A_37 : memref<1x80xi32, #tpu.memory_space<vmem>> -> memref<80xi32, #tpu.memory_space<vmem>>
    %dma_start3A_39 = arith.constant 0 : i32
    %dma_start3A_40 = arith.constant 0 : i32
    %dma_start3A_41 = tpu.memref_slice %arg4[%dma_start3A_39, %dma_start3A_40] : memref<10240x128xf32, #tpu.memory_space<hbm>> -> memref<10240x128xf32, #tpu.memory_space<hbm>>
    tpu.enqueue_indirect_dma source(%dma_start3A_41 : memref<10240x128xf32, #tpu.memory_space<hbm>>) target(%dma_start3A_35 : memref<80x128xf32, #tpu.memory_space<vmem>>) offsets(%dma_start3A_38 : memref<80xi32, #tpu.memory_space<vmem>>) semaphore(%arg13 : memref<!tpu.dma_semaphore, #tpu.memory_space<semaphore_mem>>)
    %dma_start3A_42 = arith.constant 3 : i32
    %dma_start3A_43 = arith.constant 3 : i32
    %dma_start3A_44 = arith.constant 0 : i32
    %dma_start3A_45 = arith.constant 0 : i32
    %dma_start3A_46 = tpu.memref_slice %arg9[%dma_start3A_43, %dma_start3A_44, %dma_start3A_45] : memref<4x80x128xf32, #tpu.memory_space<vmem>> -> memref<1x80x128xf32, #tpu.memory_space<vmem>>
    %dma_start3A_47 = tpu.memref_squeeze %dma_start3A_46 : memref<1x80x128xf32, #tpu.memory_space<vmem>> -> memref<80x128xf32, #tpu.memory_space<vmem>>
    %dma_start3A_48 = arith.constant 0 : i32
    %dma_start3A_49 = tpu.memref_slice %arg8[%dma_start3A_42, %dma_start3A_48] : memref<32x80xi32, #tpu.memory_space<vmem>> -> memref<1x80xi32, #tpu.memory_space<vmem>>
    %dma_start3A_50 = tpu.memref_squeeze %dma_start3A_49 : memref<1x80xi32, #tpu.memory_space<vmem>> -> memref<80xi32, #tpu.memory_space<vmem>>
    %dma_start3A_51 = arith.constant 0 : i32
    %dma_start3A_52 = arith.constant 0 : i32
    %dma_start3A_53 = tpu.memref_slice %arg4[%dma_start3A_51, %dma_start3A_52] : memref<10240x128xf32, #tpu.memory_space<hbm>> -> memref<10240x128xf32, #tpu.memory_space<hbm>>
    tpu.enqueue_indirect_dma source(%dma_start3A_53 : memref<10240x128xf32, #tpu.memory_space<hbm>>) target(%dma_start3A_47 : memref<80x128xf32, #tpu.memory_space<vmem>>) offsets(%dma_start3A_50 : memref<80xi32, #tpu.memory_space<vmem>>) semaphore(%arg14 : memref<!tpu.dma_semaphore, #tpu.memory_space<semaphore_mem>>)
    %scan3A = arith.constant 0 : i32
    %scan3A_54 = arith.constant 0 : i32
    %scan3A_55 = arith.constant 7 : i32
    %scan3A_56 = arith.addi %scan3A_54, %scan3A_55 : i32
    %scan3A_57 = arith.constant 1 : i32
    %scan3A_58 = scf.for %scan3A_817 = %scan3A_54 to %scan3A_56 step %scan3A_57 iter_args(%scan3A_818 = %scan3A) -> (i32)  : i32 {
      %mul3A_819 = arith.constant 4 : i32
      %mul3A_820 = arith.muli %scan3A_817, %mul3A_819 : i32
      %add3A_821 = arith.constant 0 : i32
      %add3A_822 = arith.addi %mul3A_820, %add3A_821 : i32
      %dma_wait3A_823 = arith.constant 0 : i32
      %dma_wait3A_824 = arith.constant 0 : i32
      %dma_wait3A_825 = arith.constant 0 : i32
      %dma_wait3A_826 = tpu.memref_slice %arg9[%dma_wait3A_823, %dma_wait3A_824, %dma_wait3A_825] : memref<4x80x128xf32, #tpu.memory_space<vmem>> -> memref<1x80x128xf32, #tpu.memory_space<vmem>>
      %dma_wait3A_827 = tpu.memref_squeeze %dma_wait3A_826 : memref<1x80x128xf32, #tpu.memory_space<vmem>> -> memref<80x128xf32, #tpu.memory_space<vmem>>
      %dma_wait3A_828 = arith.constant 0 : i32
      %dma_wait3A_829 = tpu.memref_slice %arg8[%add3A_822, %dma_wait3A_828] : memref<32x80xi32, #tpu.memory_space<vmem>> -> memref<1x80xi32, #tpu.memory_space<vmem>>
      %dma_wait3A_830 = tpu.memref_squeeze %dma_wait3A_829 : memref<1x80xi32, #tpu.memory_space<vmem>> -> memref<80xi32, #tpu.memory_space<vmem>>
      %dma_wait3A_831 = arith.constant 0 : i32
      %dma_wait3A_832 = arith.constant 0 : i32
      %dma_wait3A_833 = tpu.memref_slice %arg4[%dma_wait3A_831, %dma_wait3A_832] : memref<10240x128xf32, #tpu.memory_space<hbm>> -> memref<10240x128xf32, #tpu.memory_space<hbm>>
      tpu.wait_indirect_dma semaphore(%arg11 : memref<!tpu.dma_semaphore, #tpu.memory_space<semaphore_mem>>) src(%dma_wait3A_833 : memref<10240x128xf32, #tpu.memory_space<hbm>>) dst(%dma_wait3A_827 : memref<80x128xf32, #tpu.memory_space<vmem>>)
      %add3A_834 = arith.constant 0 : i32
      %add3A_835 = arith.addi %mul3A_820, %add3A_834 : i32
      %dma_start3A_836 = arith.constant 0 : i32
      %dma_start3A_837 = arith.constant 0 : i32
      %dma_start3A_838 = arith.constant 0 : i32
      %dma_start3A_839 = tpu.memref_slice %arg9[%dma_start3A_836, %dma_start3A_837, %dma_start3A_838] : memref<4x80x128xf32, #tpu.memory_space<vmem>> -> memref<1x80x128xf32, #tpu.memory_space<vmem>>
      %dma_start3A_840 = tpu.memref_squeeze %dma_start3A_839 : memref<1x80x128xf32, #tpu.memory_space<vmem>> -> memref<80x128xf32, #tpu.memory_space<vmem>>
      %dma_start3A_841 = arith.constant 0 : i32
      %dma_start3A_842 = tpu.memref_slice %arg7[%add3A_835, %dma_start3A_841] : memref<32x80xi32, #tpu.memory_space<vmem>> -> memref<1x80xi32, #tpu.memory_space<vmem>>
      %dma_start3A_843 = tpu.memref_squeeze %dma_start3A_842 : memref<1x80xi32, #tpu.memory_space<vmem>> -> memref<80xi32, #tpu.memory_space<vmem>>
      %dma_start3A_844 = arith.constant 0 : i32
      %dma_start3A_845 = arith.constant 0 : i32
      %dma_start3A_846 = tpu.memref_slice %arg10[%dma_start3A_844, %dma_start3A_845] : memref<10240x128xf32, #tpu.memory_space<vmem_shared>> -> memref<10240x128xf32, #tpu.memory_space<vmem_shared>>
      tpu.enqueue_indirect_dma source(%dma_start3A_840 : memref<80x128xf32, #tpu.memory_space<vmem>>) target(%dma_start3A_846 : memref<10240x128xf32, #tpu.memory_space<vmem_shared>>) offsets(%dma_start3A_843 : memref<80xi32, #tpu.memory_space<vmem>>) semaphore(%arg15 : memref<!tpu.dma_semaphore, #tpu.memory_space<semaphore_mem>>) {add = true}
      %add3A_847 = arith.constant 1 : i32
      %add3A_848 = arith.addi %mul3A_820, %add3A_847 : i32
      %dma_wait3A_849 = arith.constant 1 : i32
      %dma_wait3A_850 = arith.constant 0 : i32
      %dma_wait3A_851 = arith.constant 0 : i32
      %dma_wait3A_852 = tpu.memref_slice %arg9[%dma_wait3A_849, %dma_wait3A_850, %dma_wait3A_851] : memref<4x80x128xf32, #tpu.memory_space<vmem>> -> memref<1x80x128xf32, #tpu.memory_space<vmem>>
      %dma_wait3A_853 = tpu.memref_squeeze %dma_wait3A_852 : memref<1x80x128xf32, #tpu.memory_space<vmem>> -> memref<80x128xf32, #tpu.memory_space<vmem>>
      %dma_wait3A_854 = arith.constant 0 : i32
      %dma_wait3A_855 = tpu.memref_slice %arg8[%add3A_848, %dma_wait3A_854] : memref<32x80xi32, #tpu.memory_space<vmem>> -> memref<1x80xi32, #tpu.memory_space<vmem>>
      %dma_wait3A_856 = tpu.memref_squeeze %dma_wait3A_855 : memref<1x80xi32, #tpu.memory_space<vmem>> -> memref<80xi32, #tpu.memory_space<vmem>>
      %dma_wait3A_857 = arith.constant 0 : i32
      %dma_wait3A_858 = arith.constant 0 : i32
      %dma_wait3A_859 = tpu.memref_slice %arg4[%dma_wait3A_857, %dma_wait3A_858] : memref<10240x128xf32, #tpu.memory_space<hbm>> -> memref<10240x128xf32, #tpu.memory_space<hbm>>
      tpu.wait_indirect_dma semaphore(%arg12 : memref<!tpu.dma_semaphore, #tpu.memory_space<semaphore_mem>>) src(%dma_wait3A_859 : memref<10240x128xf32, #tpu.memory_space<hbm>>) dst(%dma_wait3A_853 : memref<80x128xf32, #tpu.memory_space<vmem>>)
      %add3A_860 = arith.constant 1 : i32
      %add3A_861 = arith.addi %mul3A_820, %add3A_860 : i32
      %dma_start3A_862 = arith.constant 1 : i32
      %dma_start3A_863 = arith.constant 0 : i32
      %dma_start3A_864 = arith.constant 0 : i32
      %dma_start3A_865 = tpu.memref_slice %arg9[%dma_start3A_862, %dma_start3A_863, %dma_start3A_864] : memref<4x80x128xf32, #tpu.memory_space<vmem>> -> memref<1x80x128xf32, #tpu.memory_space<vmem>>
      %dma_start3A_866 = tpu.memref_squeeze %dma_start3A_865 : memref<1x80x128xf32, #tpu.memory_space<vmem>> -> memref<80x128xf32, #tpu.memory_space<vmem>>
      %dma_start3A_867 = arith.constant 0 : i32
      %dma_start3A_868 = tpu.memref_slice %arg7[%add3A_861, %dma_start3A_867] : memref<32x80xi32, #tpu.memory_space<vmem>> -> memref<1x80xi32, #tpu.memory_space<vmem>>
      %dma_start3A_869 = tpu.memref_squeeze %dma_start3A_868 : memref<1x80xi32, #tpu.memory_space<vmem>> -> memref<80xi32, #tpu.memory_space<vmem>>
      %dma_start3A_870 = arith.constant 0 : i32
      %dma_start3A_871 = arith.constant 0 : i32
      %dma_start3A_872 = tpu.memref_slice %arg10[%dma_start3A_870, %dma_start3A_871] : memref<10240x128xf32, #tpu.memory_space<vmem_shared>> -> memref<10240x128xf32, #tpu.memory_space<vmem_shared>>
      tpu.enqueue_indirect_dma source(%dma_start3A_866 : memref<80x128xf32, #tpu.memory_space<vmem>>) target(%dma_start3A_872 : memref<10240x128xf32, #tpu.memory_space<vmem_shared>>) offsets(%dma_start3A_869 : memref<80xi32, #tpu.memory_space<vmem>>) semaphore(%arg16 : memref<!tpu.dma_semaphore, #tpu.memory_space<semaphore_mem>>) {add = true}
      %add3A_873 = arith.constant 2 : i32
      %add3A_874 = arith.addi %mul3A_820, %add3A_873 : i32
      %dma_wait3A_875 = arith.constant 2 : i32
      %dma_wait3A_876 = arith.constant 0 : i32
      %dma_wait3A_877 = arith.constant 0 : i32
      %dma_wait3A_878 = tpu.memref_slice %arg9[%dma_wait3A_875, %dma_wait3A_876, %dma_wait3A_877] : memref<4x80x128xf32, #tpu.memory_space<vmem>> -> memref<1x80x128xf32, #tpu.memory_space<vmem>>
      %dma_wait3A_879 = tpu.memref_squeeze %dma_wait3A_878 : memref<1x80x128xf32, #tpu.memory_space<vmem>> -> memref<80x128xf32, #tpu.memory_space<vmem>>
      %dma_wait3A_880 = arith.constant 0 : i32
      %dma_wait3A_881 = tpu.memref_slice %arg8[%add3A_874, %dma_wait3A_880] : memref<32x80xi32, #tpu.memory_space<vmem>> -> memref<1x80xi32, #tpu.memory_space<vmem>>
      %dma_wait3A_882 = tpu.memref_squeeze %dma_wait3A_881 : memref<1x80xi32, #tpu.memory_space<vmem>> -> memref<80xi32, #tpu.memory_space<vmem>>
      %dma_wait3A_883 = arith.constant 0 : i32
      %dma_wait3A_884 = arith.constant 0 : i32
      %dma_wait3A_885 = tpu.memref_slice %arg4[%dma_wait3A_883, %dma_wait3A_884] : memref<10240x128xf32, #tpu.memory_space<hbm>> -> memref<10240x128xf32, #tpu.memory_space<hbm>>
      tpu.wait_indirect_dma semaphore(%arg13 : memref<!tpu.dma_semaphore, #tpu.memory_space<semaphore_mem>>) src(%dma_wait3A_885 : memref<10240x128xf32, #tpu.memory_space<hbm>>) dst(%dma_wait3A_879 : memref<80x128xf32, #tpu.memory_space<vmem>>)
      %add3A_886 = arith.constant 2 : i32
      %add3A_887 = arith.addi %mul3A_820, %add3A_886 : i32
      %dma_start3A_888 = arith.constant 2 : i32
      %dma_start3A_889 = arith.constant 0 : i32
      %dma_start3A_890 = arith.constant 0 : i32
      %dma_start3A_891 = tpu.memref_slice %arg9[%dma_start3A_888, %dma_start3A_889, %dma_start3A_890] : memref<4x80x128xf32, #tpu.memory_space<vmem>> -> memref<1x80x128xf32, #tpu.memory_space<vmem>>
      %dma_start3A_892 = tpu.memref_squeeze %dma_start3A_891 : memref<1x80x128xf32, #tpu.memory_space<vmem>> -> memref<80x128xf32, #tpu.memory_space<vmem>>
      %dma_start3A_893 = arith.constant 0 : i32
      %dma_start3A_894 = tpu.memref_slice %arg7[%add3A_887, %dma_start3A_893] : memref<32x80xi32, #tpu.memory_space<vmem>> -> memref<1x80xi32, #tpu.memory_space<vmem>>
      %dma_start3A_895 = tpu.memref_squeeze %dma_start3A_894 : memref<1x80xi32, #tpu.memory_space<vmem>> -> memref<80xi32, #tpu.memory_space<vmem>>
      %dma_start3A_896 = arith.constant 0 : i32
      %dma_start3A_897 = arith.constant 0 : i32
      %dma_start3A_898 = tpu.memref_slice %arg10[%dma_start3A_896, %dma_start3A_897] : memref<10240x128xf32, #tpu.memory_space<vmem_shared>> -> memref<10240x128xf32, #tpu.memory_space<vmem_shared>>
      tpu.enqueue_indirect_dma source(%dma_start3A_892 : memref<80x128xf32, #tpu.memory_space<vmem>>) target(%dma_start3A_898 : memref<10240x128xf32, #tpu.memory_space<vmem_shared>>) offsets(%dma_start3A_895 : memref<80xi32, #tpu.memory_space<vmem>>) semaphore(%arg17 : memref<!tpu.dma_semaphore, #tpu.memory_space<semaphore_mem>>) {add = true}
      %add3A_899 = arith.constant 3 : i32
      %add3A_900 = arith.addi %mul3A_820, %add3A_899 : i32
      %dma_wait3A_901 = arith.constant 3 : i32
      %dma_wait3A_902 = arith.constant 0 : i32
      %dma_wait3A_903 = arith.constant 0 : i32
      %dma_wait3A_904 = tpu.memref_slice %arg9[%dma_wait3A_901, %dma_wait3A_902, %dma_wait3A_903] : memref<4x80x128xf32, #tpu.memory_space<vmem>> -> memref<1x80x128xf32, #tpu.memory_space<vmem>>
      %dma_wait3A_905 = tpu.memref_squeeze %dma_wait3A_904 : memref<1x80x128xf32, #tpu.memory_space<vmem>> -> memref<80x128xf32, #tpu.memory_space<vmem>>
      %dma_wait3A_906 = arith.constant 0 : i32
      %dma_wait3A_907 = tpu.memref_slice %arg8[%add3A_900, %dma_wait3A_906] : memref<32x80xi32, #tpu.memory_space<vmem>> -> memref<1x80xi32, #tpu.memory_space<vmem>>
      %dma_wait3A_908 = tpu.memref_squeeze %dma_wait3A_907 : memref<1x80xi32, #tpu.memory_space<vmem>> -> memref<80xi32, #tpu.memory_space<vmem>>
      %dma_wait3A_909 = arith.constant 0 : i32
      %dma_wait3A_910 = arith.constant 0 : i32
      %dma_wait3A_911 = tpu.memref_slice %arg4[%dma_wait3A_909, %dma_wait3A_910] : memref<10240x128xf32, #tpu.memory_space<hbm>> -> memref<10240x128xf32, #tpu.memory_space<hbm>>
      tpu.wait_indirect_dma semaphore(%arg14 : memref<!tpu.dma_semaphore, #tpu.memory_space<semaphore_mem>>) src(%dma_wait3A_911 : memref<10240x128xf32, #tpu.memory_space<hbm>>) dst(%dma_wait3A_905 : memref<80x128xf32, #tpu.memory_space<vmem>>)
      %add3A_912 = arith.constant 3 : i32
      %add3A_913 = arith.addi %mul3A_820, %add3A_912 : i32
      %dma_start3A_914 = arith.constant 3 : i32
      %dma_start3A_915 = arith.constant 0 : i32
      %dma_start3A_916 = arith.constant 0 : i32
      %dma_start3A_917 = tpu.memref_slice %arg9[%dma_start3A_914, %dma_start3A_915, %dma_start3A_916] : memref<4x80x128xf32, #tpu.memory_space<vmem>> -> memref<1x80x128xf32, #tpu.memory_space<vmem>>
      %dma_start3A_918 = tpu.memref_squeeze %dma_start3A_917 : memref<1x80x128xf32, #tpu.memory_space<vmem>> -> memref<80x128xf32, #tpu.memory_space<vmem>>
      %dma_start3A_919 = arith.constant 0 : i32
      %dma_start3A_920 = tpu.memref_slice %arg7[%add3A_913, %dma_start3A_919] : memref<32x80xi32, #tpu.memory_space<vmem>> -> memref<1x80xi32, #tpu.memory_space<vmem>>
      %dma_start3A_921 = tpu.memref_squeeze %dma_start3A_920 : memref<1x80xi32, #tpu.memory_space<vmem>> -> memref<80xi32, #tpu.memory_space<vmem>>
      %dma_start3A_922 = arith.constant 0 : i32
      %dma_start3A_923 = arith.constant 0 : i32
      %dma_start3A_924 = tpu.memref_slice %arg10[%dma_start3A_922, %dma_start3A_923] : memref<10240x128xf32, #tpu.memory_space<vmem_shared>> -> memref<10240x128xf32, #tpu.memory_space<vmem_shared>>
      tpu.enqueue_indirect_dma source(%dma_start3A_918 : memref<80x128xf32, #tpu.memory_space<vmem>>) target(%dma_start3A_924 : memref<10240x128xf32, #tpu.memory_space<vmem_shared>>) offsets(%dma_start3A_921 : memref<80xi32, #tpu.memory_space<vmem>>) semaphore(%arg18 : memref<!tpu.dma_semaphore, #tpu.memory_space<semaphore_mem>>) {add = true}
      %add3A_925 = arith.constant 0 : i32
      %add3A_926 = arith.addi %mul3A_820, %add3A_925 : i32
      %dma_wait3A_927 = arith.constant 0 : i32
      %dma_wait3A_928 = arith.constant 0 : i32
      %dma_wait3A_929 = arith.constant 0 : i32
      %dma_wait3A_930 = tpu.memref_slice %arg9[%dma_wait3A_927, %dma_wait3A_928, %dma_wait3A_929] : memref<4x80x128xf32, #tpu.memory_space<vmem>> -> memref<1x80x128xf32, #tpu.memory_space<vmem>>
      %dma_wait3A_931 = tpu.memref_squeeze %dma_wait3A_930 : memref<1x80x128xf32, #tpu.memory_space<vmem>> -> memref<80x128xf32, #tpu.memory_space<vmem>>
      %dma_wait3A_932 = arith.constant 0 : i32
      %dma_wait3A_933 = tpu.memref_slice %arg7[%add3A_926, %dma_wait3A_932] : memref<32x80xi32, #tpu.memory_space<vmem>> -> memref<1x80xi32, #tpu.memory_space<vmem>>
      %dma_wait3A_934 = tpu.memref_squeeze %dma_wait3A_933 : memref<1x80xi32, #tpu.memory_space<vmem>> -> memref<80xi32, #tpu.memory_space<vmem>>
      %dma_wait3A_935 = arith.constant 0 : i32
      %dma_wait3A_936 = arith.constant 0 : i32
      %dma_wait3A_937 = tpu.memref_slice %arg10[%dma_wait3A_935, %dma_wait3A_936] : memref<10240x128xf32, #tpu.memory_space<vmem_shared>> -> memref<10240x128xf32, #tpu.memory_space<vmem_shared>>
      tpu.wait_indirect_dma semaphore(%arg15 : memref<!tpu.dma_semaphore, #tpu.memory_space<semaphore_mem>>) src(%dma_wait3A_931 : memref<80x128xf32, #tpu.memory_space<vmem>>) dst(%dma_wait3A_937 : memref<10240x128xf32, #tpu.memory_space<vmem_shared>>)
      %add3A_938 = arith.constant 4 : i32
      %add3A_939 = arith.addi %mul3A_820, %add3A_938 : i32
      %add3A_940 = arith.constant 0 : i32
      %add3A_941 = arith.addi %add3A_939, %add3A_940 : i32
      %dma_start3A_942 = arith.constant 0 : i32
      %dma_start3A_943 = arith.constant 0 : i32
      %dma_start3A_944 = arith.constant 0 : i32
      %dma_start3A_945 = tpu.memref_slice %arg9[%dma_start3A_942, %dma_start3A_943, %dma_start3A_944] : memref<4x80x128xf32, #tpu.memory_space<vmem>> -> memref<1x80x128xf32, #tpu.memory_space<vmem>>
      %dma_start3A_946 = tpu.memref_squeeze %dma_start3A_945 : memref<1x80x128xf32, #tpu.memory_space<vmem>> -> memref<80x128xf32, #tpu.memory_space<vmem>>
      %dma_start3A_947 = arith.constant 0 : i32
      %dma_start3A_948 = tpu.memref_slice %arg8[%add3A_941, %dma_start3A_947] : memref<32x80xi32, #tpu.memory_space<vmem>> -> memref<1x80xi32, #tpu.memory_space<vmem>>
      %dma_start3A_949 = tpu.memref_squeeze %dma_start3A_948 : memref<1x80xi32, #tpu.memory_space<vmem>> -> memref<80xi32, #tpu.memory_space<vmem>>
      %dma_start3A_950 = arith.constant 0 : i32
      %dma_start3A_951 = arith.constant 0 : i32
      %dma_start3A_952 = tpu.memref_slice %arg4[%dma_start3A_950, %dma_start3A_951] : memref<10240x128xf32, #tpu.memory_space<hbm>> -> memref<10240x128xf32, #tpu.memory_space<hbm>>
      tpu.enqueue_indirect_dma source(%dma_start3A_952 : memref<10240x128xf32, #tpu.memory_space<hbm>>) target(%dma_start3A_946 : memref<80x128xf32, #tpu.memory_space<vmem>>) offsets(%dma_start3A_949 : memref<80xi32, #tpu.memory_space<vmem>>) semaphore(%arg11 : memref<!tpu.dma_semaphore, #tpu.memory_space<semaphore_mem>>)
      %add3A_953 = arith.constant 1 : i32
      %add3A_954 = arith.addi %mul3A_820, %add3A_953 : i32
      %dma_wait3A_955 = arith.constant 1 : i32
      %dma_wait3A_956 = arith.constant 0 : i32
      %dma_wait3A_957 = arith.constant 0 : i32
      %dma_wait3A_958 = tpu.memref_slice %arg9[%dma_wait3A_955, %dma_wait3A_956, %dma_wait3A_957] : memref<4x80x128xf32, #tpu.memory_space<vmem>> -> memref<1x80x128xf32, #tpu.memory_space<vmem>>
      %dma_wait3A_959 = tpu.memref_squeeze %dma_wait3A_958 : memref<1x80x128xf32, #tpu.memory_space<vmem>> -> memref<80x128xf32, #tpu.memory_space<vmem>>
      %dma_wait3A_960 = arith.constant 0 : i32
      %dma_wait3A_961 = tpu.memref_slice %arg7[%add3A_954, %dma_wait3A_960] : memref<32x80xi32, #tpu.memory_space<vmem>> -> memref<1x80xi32, #tpu.memory_space<vmem>>
      %dma_wait3A_962 = tpu.memref_squeeze %dma_wait3A_961 : memref<1x80xi32, #tpu.memory_space<vmem>> -> memref<80xi32, #tpu.memory_space<vmem>>
      %dma_wait3A_963 = arith.constant 0 : i32
      %dma_wait3A_964 = arith.constant 0 : i32
      %dma_wait3A_965 = tpu.memref_slice %arg10[%dma_wait3A_963, %dma_wait3A_964] : memref<10240x128xf32, #tpu.memory_space<vmem_shared>> -> memref<10240x128xf32, #tpu.memory_space<vmem_shared>>
      tpu.wait_indirect_dma semaphore(%arg16 : memref<!tpu.dma_semaphore, #tpu.memory_space<semaphore_mem>>) src(%dma_wait3A_959 : memref<80x128xf32, #tpu.memory_space<vmem>>) dst(%dma_wait3A_965 : memref<10240x128xf32, #tpu.memory_space<vmem_shared>>)
      %add3A_966 = arith.constant 4 : i32
      %add3A_967 = arith.addi %mul3A_820, %add3A_966 : i32
      %add3A_968 = arith.constant 1 : i32
      %add3A_969 = arith.addi %add3A_967, %add3A_968 : i32
      %dma_start3A_970 = arith.constant 1 : i32
      %dma_start3A_971 = arith.constant 0 : i32
      %dma_start3A_972 = arith.constant 0 : i32
      %dma_start3A_973 = tpu.memref_slice %arg9[%dma_start3A_970, %dma_start3A_971, %dma_start3A_972] : memref<4x80x128xf32, #tpu.memory_space<vmem>> -> memref<1x80x128xf32, #tpu.memory_space<vmem>>
      %dma_start3A_974 = tpu.memref_squeeze %dma_start3A_973 : memref<1x80x128xf32, #tpu.memory_space<vmem>> -> memref<80x128xf32, #tpu.memory_space<vmem>>
      %dma_start3A_975 = arith.constant 0 : i32
      %dma_start3A_976 = tpu.memref_slice %arg8[%add3A_969, %dma_start3A_975] : memref<32x80xi32, #tpu.memory_space<vmem>> -> memref<1x80xi32, #tpu.memory_space<vmem>>
      %dma_start3A_977 = tpu.memref_squeeze %dma_start3A_976 : memref<1x80xi32, #tpu.memory_space<vmem>> -> memref<80xi32, #tpu.memory_space<vmem>>
      %dma_start3A_978 = arith.constant 0 : i32
      %dma_start3A_979 = arith.constant 0 : i32
      %dma_start3A_980 = tpu.memref_slice %arg4[%dma_start3A_978, %dma_start3A_979] : memref<10240x128xf32, #tpu.memory_space<hbm>> -> memref<10240x128xf32, #tpu.memory_space<hbm>>
      tpu.enqueue_indirect_dma source(%dma_start3A_980 : memref<10240x128xf32, #tpu.memory_space<hbm>>) target(%dma_start3A_974 : memref<80x128xf32, #tpu.memory_space<vmem>>) offsets(%dma_start3A_977 : memref<80xi32, #tpu.memory_space<vmem>>) semaphore(%arg12 : memref<!tpu.dma_semaphore, #tpu.memory_space<semaphore_mem>>)
      %add3A_981 = arith.constant 2 : i32
      %add3A_982 = arith.addi %mul3A_820, %add3A_981 : i32
      %dma_wait3A_983 = arith.constant 2 : i32
      %dma_wait3A_984 = arith.constant 0 : i32
      %dma_wait3A_985 = arith.constant 0 : i32
      %dma_wait3A_986 = tpu.memref_slice %arg9[%dma_wait3A_983, %dma_wait3A_984, %dma_wait3A_985] : memref<4x80x128xf32, #tpu.memory_space<vmem>> -> memref<1x80x128xf32, #tpu.memory_space<vmem>>
      %dma_wait3A_987 = tpu.memref_squeeze %dma_wait3A_986 : memref<1x80x128xf32, #tpu.memory_space<vmem>> -> memref<80x128xf32, #tpu.memory_space<vmem>>
      %dma_wait3A_988 = arith.constant 0 : i32
      %dma_wait3A_989 = tpu.memref_slice %arg7[%add3A_982, %dma_wait3A_988] : memref<32x80xi32, #tpu.memory_space<vmem>> -> memref<1x80xi32, #tpu.memory_space<vmem>>
      %dma_wait3A_990 = tpu.memref_squeeze %dma_wait3A_989 : memref<1x80xi32, #tpu.memory_space<vmem>> -> memref<80xi32, #tpu.memory_space<vmem>>
      %dma_wait3A_991 = arith.constant 0 : i32
      %dma_wait3A_992 = arith.constant 0 : i32
      %dma_wait3A_993 = tpu.memref_slice %arg10[%dma_wait3A_991, %dma_wait3A_992] : memref<10240x128xf32, #tpu.memory_space<vmem_shared>> -> memref<10240x128xf32, #tpu.memory_space<vmem_shared>>
      tpu.wait_indirect_dma semaphore(%arg17 : memref<!tpu.dma_semaphore, #tpu.memory_space<semaphore_mem>>) src(%dma_wait3A_987 : memref<80x128xf32, #tpu.memory_space<vmem>>) dst(%dma_wait3A_993 : memref<10240x128xf32, #tpu.memory_space<vmem_shared>>)
      %add3A_994 = arith.constant 4 : i32
      %add3A_995 = arith.addi %mul3A_820, %add3A_994 : i32
      %add3A_996 = arith.constant 2 : i32
      %add3A_997 = arith.addi %add3A_995, %add3A_996 : i32
      %dma_start3A_998 = arith.constant 2 : i32
      %dma_start3A_999 = arith.constant 0 : i32
      %dma_start3A_1000 = arith.constant 0 : i32
      %dma_start3A_1001 = tpu.memref_slice %arg9[%dma_start3A_998, %dma_start3A_999, %dma_start3A_1000] : memref<4x80x128xf32, #tpu.memory_space<vmem>> -> memref<1x80x128xf32, #tpu.memory_space<vmem>>
      %dma_start3A_1002 = tpu.memref_squeeze %dma_start3A_1001 : memref<1x80x128xf32, #tpu.memory_space<vmem>> -> memref<80x128xf32, #tpu.memory_space<vmem>>
      %dma_start3A_1003 = arith.constant 0 : i32
      %dma_start3A_1004 = tpu.memref_slice %arg8[%add3A_997, %dma_start3A_1003] : memref<32x80xi32, #tpu.memory_space<vmem>> -> memref<1x80xi32, #tpu.memory_space<vmem>>
      %dma_start3A_1005 = tpu.memref_squeeze %dma_start3A_1004 : memref<1x80xi32, #tpu.memory_space<vmem>> -> memref<80xi32, #tpu.memory_space<vmem>>
      %dma_start3A_1006 = arith.constant 0 : i32
      %dma_start3A_1007 = arith.constant 0 : i32
      %dma_start3A_1008 = tpu.memref_slice %arg4[%dma_start3A_1006, %dma_start3A_1007] : memref<10240x128xf32, #tpu.memory_space<hbm>> -> memref<10240x128xf32, #tpu.memory_space<hbm>>
      tpu.enqueue_indirect_dma source(%dma_start3A_1008 : memref<10240x128xf32, #tpu.memory_space<hbm>>) target(%dma_start3A_1002 : memref<80x128xf32, #tpu.memory_space<vmem>>) offsets(%dma_start3A_1005 : memref<80xi32, #tpu.memory_space<vmem>>) semaphore(%arg13 : memref<!tpu.dma_semaphore, #tpu.memory_space<semaphore_mem>>)
      %add3A_1009 = arith.constant 3 : i32
      %add3A_1010 = arith.addi %mul3A_820, %add3A_1009 : i32
      %dma_wait3A_1011 = arith.constant 3 : i32
      %dma_wait3A_1012 = arith.constant 0 : i32
      %dma_wait3A_1013 = arith.constant 0 : i32
      %dma_wait3A_1014 = tpu.memref_slice %arg9[%dma_wait3A_1011, %dma_wait3A_1012, %dma_wait3A_1013] : memref<4x80x128xf32, #tpu.memory_space<vmem>> -> memref<1x80x128xf32, #tpu.memory_space<vmem>>
      %dma_wait3A_1015 = tpu.memref_squeeze %dma_wait3A_1014 : memref<1x80x128xf32, #tpu.memory_space<vmem>> -> memref<80x128xf32, #tpu.memory_space<vmem>>
      %dma_wait3A_1016 = arith.constant 0 : i32
      %dma_wait3A_1017 = tpu.memref_slice %arg7[%add3A_1010, %dma_wait3A_1016] : memref<32x80xi32, #tpu.memory_space<vmem>> -> memref<1x80xi32, #tpu.memory_space<vmem>>
      %dma_wait3A_1018 = tpu.memref_squeeze %dma_wait3A_1017 : memref<1x80xi32, #tpu.memory_space<vmem>> -> memref<80xi32, #tpu.memory_space<vmem>>
      %dma_wait3A_1019 = arith.constant 0 : i32
      %dma_wait3A_1020 = arith.constant 0 : i32
      %dma_wait3A_1021 = tpu.memref_slice %arg10[%dma_wait3A_1019, %dma_wait3A_1020] : memref<10240x128xf32, #tpu.memory_space<vmem_shared>> -> memref<10240x128xf32, #tpu.memory_space<vmem_shared>>
      tpu.wait_indirect_dma semaphore(%arg18 : memref<!tpu.dma_semaphore, #tpu.memory_space<semaphore_mem>>) src(%dma_wait3A_1015 : memref<80x128xf32, #tpu.memory_space<vmem>>) dst(%dma_wait3A_1021 : memref<10240x128xf32, #tpu.memory_space<vmem_shared>>)
      %add3A_1022 = arith.constant 4 : i32
      %add3A_1023 = arith.addi %mul3A_820, %add3A_1022 : i32
      %add3A_1024 = arith.constant 3 : i32
      %add3A_1025 = arith.addi %add3A_1023, %add3A_1024 : i32
      %dma_start3A_1026 = arith.constant 3 : i32
      %dma_start3A_1027 = arith.constant 0 : i32
      %dma_start3A_1028 = arith.constant 0 : i32
      %dma_start3A_1029 = tpu.memref_slice %arg9[%dma_start3A_1026, %dma_start3A_1027, %dma_start3A_1028] : memref<4x80x128xf32, #tpu.memory_space<vmem>> -> memref<1x80x128xf32, #tpu.memory_space<vmem>>
      %dma_start3A_1030 = tpu.memref_squeeze %dma_start3A_1029 : memref<1x80x128xf32, #tpu.memory_space<vmem>> -> memref<80x128xf32, #tpu.memory_space<vmem>>
      %dma_start3A_1031 = arith.constant 0 : i32
      %dma_start3A_1032 = tpu.memref_slice %arg8[%add3A_1025, %dma_start3A_1031] : memref<32x80xi32, #tpu.memory_space<vmem>> -> memref<1x80xi32, #tpu.memory_space<vmem>>
      %dma_start3A_1033 = tpu.memref_squeeze %dma_start3A_1032 : memref<1x80xi32, #tpu.memory_space<vmem>> -> memref<80xi32, #tpu.memory_space<vmem>>
      %dma_start3A_1034 = arith.constant 0 : i32
      %dma_start3A_1035 = arith.constant 0 : i32
      %dma_start3A_1036 = tpu.memref_slice %arg4[%dma_start3A_1034, %dma_start3A_1035] : memref<10240x128xf32, #tpu.memory_space<hbm>> -> memref<10240x128xf32, #tpu.memory_space<hbm>>
      tpu.enqueue_indirect_dma source(%dma_start3A_1036 : memref<10240x128xf32, #tpu.memory_space<hbm>>) target(%dma_start3A_1030 : memref<80x128xf32, #tpu.memory_space<vmem>>) offsets(%dma_start3A_1033 : memref<80xi32, #tpu.memory_space<vmem>>) semaphore(%arg14 : memref<!tpu.dma_semaphore, #tpu.memory_space<semaphore_mem>>)
      %scan3A_1037 = arith.constant 0 : i32
      scf.yield %scan3A_1037 : i32
    }
    %scan3A_59 = arith.constant 7 : i32
    %dma_wait3A = arith.constant 28 : i32
    %dma_wait3A_60 = arith.constant 0 : i32
    %dma_wait3A_61 = arith.constant 0 : i32
    %dma_wait3A_62 = arith.constant 0 : i32
    %dma_wait3A_63 = tpu.memref_slice %arg9[%dma_wait3A_60, %dma_wait3A_61, %dma_wait3A_62] : memref<4x80x128xf32, #tpu.memory_space<vmem>> -> memref<1x80x128xf32, #tpu.memory_space<vmem>>
    %dma_wait3A_64 = tpu.memref_squeeze %dma_wait3A_63 : memref<1x80x128xf32, #tpu.memory_space<vmem>> -> memref<80x128xf32, #tpu.memory_space<vmem>>
    %dma_wait3A_65 = arith.constant 0 : i32
    %dma_wait3A_66 = tpu.memref_slice %arg8[%dma_wait3A, %dma_wait3A_65] : memref<32x80xi32, #tpu.memory_space<vmem>> -> memref<1x80xi32, #tpu.memory_space<vmem>>
    %dma_wait3A_67 = tpu.memref_squeeze %dma_wait3A_66 : memref<1x80xi32, #tpu.memory_space<vmem>> -> memref<80xi32, #tpu.memory_space<vmem>>
    %dma_wait3A_68 = arith.constant 0 : i32
    %dma_wait3A_69 = arith.constant 0 : i32
    %dma_wait3A_70 = tpu.memref_slice %arg4[%dma_wait3A_68, %dma_wait3A_69] : memref<10240x128xf32, #tpu.memory_space<hbm>> -> memref<10240x128xf32, #tpu.memory_space<hbm>>
    tpu.wait_indirect_dma semaphore(%arg11 : memref<!tpu.dma_semaphore, #tpu.memory_space<semaphore_mem>>) src(%dma_wait3A_70 : memref<10240x128xf32, #tpu.memory_space<hbm>>) dst(%dma_wait3A_64 : memref<80x128xf32, #tpu.memory_space<vmem>>)
    %dma_start3A_71 = arith.constant 0 : i32
    %dma_start3A_72 = arith.constant 28 : i32
    %dma_start3A_73 = arith.constant 0 : i32
    %dma_start3A_74 = arith.constant 0 : i32
    %dma_start3A_75 = tpu.memref_slice %arg9[%dma_start3A_71, %dma_start3A_73, %dma_start3A_74] : memref<4x80x128xf32, #tpu.memory_space<vmem>> -> memref<1x80x128xf32, #tpu.memory_space<vmem>>
    %dma_start3A_76 = tpu.memref_squeeze %dma_start3A_75 : memref<1x80x128xf32, #tpu.memory_space<vmem>> -> memref<80x128xf32, #tpu.memory_space<vmem>>
    %dma_start3A_77 = arith.constant 0 : i32
    %dma_start3A_78 = tpu.memref_slice %arg7[%dma_start3A_72, %dma_start3A_77] : memref<32x80xi32, #tpu.memory_space<vmem>> -> memref<1x80xi32, #tpu.memory_space<vmem>>
    %dma_start3A_79 = tpu.memref_squeeze %dma_start3A_78 : memref<1x80xi32, #tpu.memory_space<vmem>> -> memref<80xi32, #tpu.memory_space<vmem>>
    %dma_start3A_80 = arith.constant 0 : i32
    %dma_start3A_81 = arith.constant 0 : i32
    %dma_start3A_82 = tpu.memref_slice %arg10[%dma_start3A_80, %dma_start3A_81] : memref<10240x128xf32, #tpu.memory_space<vmem_shared>> -> memref<10240x128xf32, #tpu.memory_space<vmem_shared>>
    tpu.enqueue_indirect_dma source(%dma_start3A_76 : memref<80x128xf32, #tpu.memory_space<vmem>>) target(%dma_start3A_82 : memref<10240x128xf32, #tpu.memory_space<vmem_shared>>) offsets(%dma_start3A_79 : memref<80xi32, #tpu.memory_space<vmem>>) semaphore(%arg15 : memref<!tpu.dma_semaphore, #tpu.memory_space<semaphore_mem>>) {add = true}
    %dma_wait3A_83 = arith.constant 29 : i32
    %dma_wait3A_84 = arith.constant 1 : i32
    %dma_wait3A_85 = arith.constant 0 : i32
    %dma_wait3A_86 = arith.constant 0 : i32
    %dma_wait3A_87 = tpu.memref_slice %arg9[%dma_wait3A_84, %dma_wait3A_85, %dma_wait3A_86] : memref<4x80x128xf32, #tpu.memory_space<vmem>> -> memref<1x80x128xf32, #tpu.memory_space<vmem>>
    %dma_wait3A_88 = tpu.memref_squeeze %dma_wait3A_87 : memref<1x80x128xf32, #tpu.memory_space<vmem>> -> memref<80x128xf32, #tpu.memory_space<vmem>>
    %dma_wait3A_89 = arith.constant 0 : i32
    %dma_wait3A_90 = tpu.memref_slice %arg8[%dma_wait3A_83, %dma_wait3A_89] : memref<32x80xi32, #tpu.memory_space<vmem>> -> memref<1x80xi32, #tpu.memory_space<vmem>>
    %dma_wait3A_91 = tpu.memref_squeeze %dma_wait3A_90 : memref<1x80xi32, #tpu.memory_space<vmem>> -> memref<80xi32, #tpu.memory_space<vmem>>
    %dma_wait3A_92 = arith.constant 0 : i32
    %dma_wait3A_93 = arith.constant 0 : i32
    %dma_wait3A_94 = tpu.memref_slice %arg4[%dma_wait3A_92, %dma_wait3A_93] : memref<10240x128xf32, #tpu.memory_space<hbm>> -> memref<10240x128xf32, #tpu.memory_space<hbm>>
    tpu.wait_indirect_dma semaphore(%arg12 : memref<!tpu.dma_semaphore, #tpu.memory_space<semaphore_mem>>) src(%dma_wait3A_94 : memref<10240x128xf32, #tpu.memory_space<hbm>>) dst(%dma_wait3A_88 : memref<80x128xf32, #tpu.memory_space<vmem>>)
    %dma_start3A_95 = arith.constant 1 : i32
    %dma_start3A_96 = arith.constant 29 : i32
    %dma_start3A_97 = arith.constant 0 : i32
    %dma_start3A_98 = arith.constant 0 : i32
    %dma_start3A_99 = tpu.memref_slice %arg9[%dma_start3A_95, %dma_start3A_97, %dma_start3A_98] : memref<4x80x128xf32, #tpu.memory_space<vmem>> -> memref<1x80x128xf32, #tpu.memory_space<vmem>>
    %dma_start3A_100 = tpu.memref_squeeze %dma_start3A_99 : memref<1x80x128xf32, #tpu.memory_space<vmem>> -> memref<80x128xf32, #tpu.memory_space<vmem>>
    %dma_start3A_101 = arith.constant 0 : i32
    %dma_start3A_102 = tpu.memref_slice %arg7[%dma_start3A_96, %dma_start3A_101] : memref<32x80xi32, #tpu.memory_space<vmem>> -> memref<1x80xi32, #tpu.memory_space<vmem>>
    %dma_start3A_103 = tpu.memref_squeeze %dma_start3A_102 : memref<1x80xi32, #tpu.memory_space<vmem>> -> memref<80xi32, #tpu.memory_space<vmem>>
    %dma_start3A_104 = arith.constant 0 : i32
    %dma_start3A_105 = arith.constant 0 : i32
    %dma_start3A_106 = tpu.memref_slice %arg10[%dma_start3A_104, %dma_start3A_105] : memref<10240x128xf32, #tpu.memory_space<vmem_shared>> -> memref<10240x128xf32, #tpu.memory_space<vmem_shared>>
    tpu.enqueue_indirect_dma source(%dma_start3A_100 : memref<80x128xf32, #tpu.memory_space<vmem>>) target(%dma_start3A_106 : memref<10240x128xf32, #tpu.memory_space<vmem_shared>>) offsets(%dma_start3A_103 : memref<80xi32, #tpu.memory_space<vmem>>) semaphore(%arg16 : memref<!tpu.dma_semaphore, #tpu.memory_space<semaphore_mem>>) {add = true}
    %dma_wait3A_107 = arith.constant 30 : i32
    %dma_wait3A_108 = arith.constant 2 : i32
    %dma_wait3A_109 = arith.constant 0 : i32
    %dma_wait3A_110 = arith.constant 0 : i32
    %dma_wait3A_111 = tpu.memref_slice %arg9[%dma_wait3A_108, %dma_wait3A_109, %dma_wait3A_110] : memref<4x80x128xf32, #tpu.memory_space<vmem>> -> memref<1x80x128xf32, #tpu.memory_space<vmem>>
    %dma_wait3A_112 = tpu.memref_squeeze %dma_wait3A_111 : memref<1x80x128xf32, #tpu.memory_space<vmem>> -> memref<80x128xf32, #tpu.memory_space<vmem>>
    %dma_wait3A_113 = arith.constant 0 : i32
    %dma_wait3A_114 = tpu.memref_slice %arg8[%dma_wait3A_107, %dma_wait3A_113] : memref<32x80xi32, #tpu.memory_space<vmem>> -> memref<1x80xi32, #tpu.memory_space<vmem>>
    %dma_wait3A_115 = tpu.memref_squeeze %dma_wait3A_114 : memref<1x80xi32, #tpu.memory_space<vmem>> -> memref<80xi32, #tpu.memory_space<vmem>>
    %dma_wait3A_116 = arith.constant 0 : i32
    %dma_wait3A_117 = arith.constant 0 : i32
    %dma_wait3A_118 = tpu.memref_slice %arg4[%dma_wait3A_116, %dma_wait3A_117] : memref<10240x128xf32, #tpu.memory_space<hbm>> -> memref<10240x128xf32, #tpu.memory_space<hbm>>
    tpu.wait_indirect_dma semaphore(%arg13 : memref<!tpu.dma_semaphore, #tpu.memory_space<semaphore_mem>>) src(%dma_wait3A_118 : memref<10240x128xf32, #tpu.memory_space<hbm>>) dst(%dma_wait3A_112 : memref<80x128xf32, #tpu.memory_space<vmem>>)
    %dma_start3A_119 = arith.constant 2 : i32
    %dma_start3A_120 = arith.constant 30 : i32
    %dma_start3A_121 = arith.constant 0 : i32
    %dma_start3A_122 = arith.constant 0 : i32
    %dma_start3A_123 = tpu.memref_slice %arg9[%dma_start3A_119, %dma_start3A_121, %dma_start3A_122] : memref<4x80x128xf32, #tpu.memory_space<vmem>> -> memref<1x80x128xf32, #tpu.memory_space<vmem>>
    %dma_start3A_124 = tpu.memref_squeeze %dma_start3A_123 : memref<1x80x128xf32, #tpu.memory_space<vmem>> -> memref<80x128xf32, #tpu.memory_space<vmem>>
    %dma_start3A_125 = arith.constant 0 : i32
    %dma_start3A_126 = tpu.memref_slice %arg7[%dma_start3A_120, %dma_start3A_125] : memref<32x80xi32, #tpu.memory_space<vmem>> -> memref<1x80xi32, #tpu.memory_space<vmem>>
    %dma_start3A_127 = tpu.memref_squeeze %dma_start3A_126 : memref<1x80xi32, #tpu.memory_space<vmem>> -> memref<80xi32, #tpu.memory_space<vmem>>
    %dma_start3A_128 = arith.constant 0 : i32
    %dma_start3A_129 = arith.constant 0 : i32
    %dma_start3A_130 = tpu.memref_slice %arg10[%dma_start3A_128, %dma_start3A_129] : memref<10240x128xf32, #tpu.memory_space<vmem_shared>> -> memref<10240x128xf32, #tpu.memory_space<vmem_shared>>
    tpu.enqueue_indirect_dma source(%dma_start3A_124 : memref<80x128xf32, #tpu.memory_space<vmem>>) target(%dma_start3A_130 : memref<10240x128xf32, #tpu.memory_space<vmem_shared>>) offsets(%dma_start3A_127 : memref<80xi32, #tpu.memory_space<vmem>>) semaphore(%arg17 : memref<!tpu.dma_semaphore, #tpu.memory_space<semaphore_mem>>) {add = true}
    %dma_wait3A_131 = arith.constant 31 : i32
    %dma_wait3A_132 = arith.constant 3 : i32
    %dma_wait3A_133 = arith.constant 0 : i32
    %dma_wait3A_134 = arith.constant 0 : i32
    %dma_wait3A_135 = tpu.memref_slice %arg9[%dma_wait3A_132, %dma_wait3A_133, %dma_wait3A_134] : memref<4x80x128xf32, #tpu.memory_space<vmem>> -> memref<1x80x128xf32, #tpu.memory_space<vmem>>
    %dma_wait3A_136 = tpu.memref_squeeze %dma_wait3A_135 : memref<1x80x128xf32, #tpu.memory_space<vmem>> -> memref<80x128xf32, #tpu.memory_space<vmem>>
    %dma_wait3A_137 = arith.constant 0 : i32
    %dma_wait3A_138 = tpu.memref_slice %arg8[%dma_wait3A_131, %dma_wait3A_137] : memref<32x80xi32, #tpu.memory_space<vmem>> -> memref<1x80xi32, #tpu.memory_space<vmem>>
    %dma_wait3A_139 = tpu.memref_squeeze %dma_wait3A_138 : memref<1x80xi32, #tpu.memory_space<vmem>> -> memref<80xi32, #tpu.memory_space<vmem>>
    %dma_wait3A_140 = arith.constant 0 : i32
    %dma_wait3A_141 = arith.constant 0 : i32
    %dma_wait3A_142 = tpu.memref_slice %arg4[%dma_wait3A_140, %dma_wait3A_141] : memref<10240x128xf32, #tpu.memory_space<hbm>> -> memref<10240x128xf32, #tpu.memory_space<hbm>>
    tpu.wait_indirect_dma semaphore(%arg14 : memref<!tpu.dma_semaphore, #tpu.memory_space<semaphore_mem>>) src(%dma_wait3A_142 : memref<10240x128xf32, #tpu.memory_space<hbm>>) dst(%dma_wait3A_136 : memref<80x128xf32, #tpu.memory_space<vmem>>)
    %dma_start3A_143 = arith.constant 3 : i32
    %dma_start3A_144 = arith.constant 31 : i32
    %dma_start3A_145 = arith.constant 0 : i32
    %dma_start3A_146 = arith.constant 0 : i32
    %dma_start3A_147 = tpu.memref_slice %arg9[%dma_start3A_143, %dma_start3A_145, %dma_start3A_146] : memref<4x80x128xf32, #tpu.memory_space<vmem>> -> memref<1x80x128xf32, #tpu.memory_space<vmem>>
    %dma_start3A_148 = tpu.memref_squeeze %dma_start3A_147 : memref<1x80x128xf32, #tpu.memory_space<vmem>> -> memref<80x128xf32, #tpu.memory_space<vmem>>
    %dma_start3A_149 = arith.constant 0 : i32
    %dma_start3A_150 = tpu.memref_slice %arg7[%dma_start3A_144, %dma_start3A_149] : memref<32x80xi32, #tpu.memory_space<vmem>> -> memref<1x80xi32, #tpu.memory_space<vmem>>
    %dma_start3A_151 = tpu.memref_squeeze %dma_start3A_150 : memref<1x80xi32, #tpu.memory_space<vmem>> -> memref<80xi32, #tpu.memory_space<vmem>>
    %dma_start3A_152 = arith.constant 0 : i32
    %dma_start3A_153 = arith.constant 0 : i32
    %dma_start3A_154 = tpu.memref_slice %arg10[%dma_start3A_152, %dma_start3A_153] : memref<10240x128xf32, #tpu.memory_space<vmem_shared>> -> memref<10240x128xf32, #tpu.memory_space<vmem_shared>>
    tpu.enqueue_indirect_dma source(%dma_start3A_148 : memref<80x128xf32, #tpu.memory_space<vmem>>) target(%dma_start3A_154 : memref<10240x128xf32, #tpu.memory_space<vmem_shared>>) offsets(%dma_start3A_151 : memref<80xi32, #tpu.memory_space<vmem>>) semaphore(%arg18 : memref<!tpu.dma_semaphore, #tpu.memory_space<semaphore_mem>>) {add = true}
    %dma_wait3A_155 = arith.constant 0 : i32
    %dma_wait3A_156 = arith.constant 28 : i32
    %dma_wait3A_157 = arith.constant 0 : i32
    %dma_wait3A_158 = arith.constant 0 : i32
    %dma_wait3A_159 = tpu.memref_slice %arg9[%dma_wait3A_155, %dma_wait3A_157, %dma_wait3A_158] : memref<4x80x128xf32, #tpu.memory_space<vmem>> -> memref<1x80x128xf32, #tpu.memory_space<vmem>>
    %dma_wait3A_160 = tpu.memref_squeeze %dma_wait3A_159 : memref<1x80x128xf32, #tpu.memory_space<vmem>> -> memref<80x128xf32, #tpu.memory_space<vmem>>
    %dma_wait3A_161 = arith.constant 0 : i32
    %dma_wait3A_162 = tpu.memref_slice %arg7[%dma_wait3A_156, %dma_wait3A_161] : memref<32x80xi32, #tpu.memory_space<vmem>> -> memref<1x80xi32, #tpu.memory_space<vmem>>
    %dma_wait3A_163 = tpu.memref_squeeze %dma_wait3A_162 : memref<1x80xi32, #tpu.memory_space<vmem>> -> memref<80xi32, #tpu.memory_space<vmem>>
    %dma_wait3A_164 = arith.constant 0 : i32
    %dma_wait3A_165 = arith.constant 0 : i32
    %dma_wait3A_166 = tpu.memref_slice %arg10[%dma_wait3A_164, %dma_wait3A_165] : memref<10240x128xf32, #tpu.memory_space<vmem_shared>> -> memref<10240x128xf32, #tpu.memory_space<vmem_shared>>
    tpu.wait_indirect_dma semaphore(%arg15 : memref<!tpu.dma_semaphore, #tpu.memory_space<semaphore_mem>>) src(%dma_wait3A_160 : memref<80x128xf32, #tpu.memory_space<vmem>>) dst(%dma_wait3A_166 : memref<10240x128xf32, #tpu.memory_space<vmem_shared>>)
    %dma_wait3A_167 = arith.constant 1 : i32
    %dma_wait3A_168 = arith.constant 29 : i32
    %dma_wait3A_169 = arith.constant 0 : i32
    %dma_wait3A_170 = arith.constant 0 : i32
    %dma_wait3A_171 = tpu.memref_slice %arg9[%dma_wait3A_167, %dma_wait3A_169, %dma_wait3A_170] : memref<4x80x128xf32, #tpu.memory_space<vmem>> -> memref<1x80x128xf32, #tpu.memory_space<vmem>>
    %dma_wait3A_172 = tpu.memref_squeeze %dma_wait3A_171 : memref<1x80x128xf32, #tpu.memory_space<vmem>> -> memref<80x128xf32, #tpu.memory_space<vmem>>
    %dma_wait3A_173 = arith.constant 0 : i32
    %dma_wait3A_174 = tpu.memref_slice %arg7[%dma_wait3A_168, %dma_wait3A_173] : memref<32x80xi32, #tpu.memory_space<vmem>> -> memref<1x80xi32, #tpu.memory_space<vmem>>
    %dma_wait3A_175 = tpu.memref_squeeze %dma_wait3A_174 : memref<1x80xi32, #tpu.memory_space<vmem>> -> memref<80xi32, #tpu.memory_space<vmem>>
    %dma_wait3A_176 = arith.constant 0 : i32
    %dma_wait3A_177 = arith.constant 0 : i32
    %dma_wait3A_178 = tpu.memref_slice %arg10[%dma_wait3A_176, %dma_wait3A_177] : memref<10240x128xf32, #tpu.memory_space<vmem_shared>> -> memref<10240x128xf32, #tpu.memory_space<vmem_shared>>
    tpu.wait_indirect_dma semaphore(%arg16 : memref<!tpu.dma_semaphore, #tpu.memory_space<semaphore_mem>>) src(%dma_wait3A_172 : memref<80x128xf32, #tpu.memory_space<vmem>>) dst(%dma_wait3A_178 : memref<10240x128xf32, #tpu.memory_space<vmem_shared>>)
    %dma_wait3A_179 = arith.constant 2 : i32
    %dma_wait3A_180 = arith.constant 30 : i32
    %dma_wait3A_181 = arith.constant 0 : i32
    %dma_wait3A_182 = arith.constant 0 : i32
    %dma_wait3A_183 = tpu.memref_slice %arg9[%dma_wait3A_179, %dma_wait3A_181, %dma_wait3A_182] : memref<4x80x128xf32, #tpu.memory_space<vmem>> -> memref<1x80x128xf32, #tpu.memory_space<vmem>>
    %dma_wait3A_184 = tpu.memref_squeeze %dma_wait3A_183 : memref<1x80x128xf32, #tpu.memory_space<vmem>> -> memref<80x128xf32, #tpu.memory_space<vmem>>
    %dma_wait3A_185 = arith.constant 0 : i32
    %dma_wait3A_186 = tpu.memref_slice %arg7[%dma_wait3A_180, %dma_wait3A_185] : memref<32x80xi32, #tpu.memory_space<vmem>> -> memref<1x80xi32, #tpu.memory_space<vmem>>
    %dma_wait3A_187 = tpu.memref_squeeze %dma_wait3A_186 : memref<1x80xi32, #tpu.memory_space<vmem>> -> memref<80xi32, #tpu.memory_space<vmem>>
    %dma_wait3A_188 = arith.constant 0 : i32
    %dma_wait3A_189 = arith.constant 0 : i32
    %dma_wait3A_190 = tpu.memref_slice %arg10[%dma_wait3A_188, %dma_wait3A_189] : memref<10240x128xf32, #tpu.memory_space<vmem_shared>> -> memref<10240x128xf32, #tpu.memory_space<vmem_shared>>
    tpu.wait_indirect_dma semaphore(%arg17 : memref<!tpu.dma_semaphore, #tpu.memory_space<semaphore_mem>>) src(%dma_wait3A_184 : memref<80x128xf32, #tpu.memory_space<vmem>>) dst(%dma_wait3A_190 : memref<10240x128xf32, #tpu.memory_space<vmem_shared>>)
    %dma_wait3A_191 = arith.constant 3 : i32
    %dma_wait3A_192 = arith.constant 31 : i32
    %dma_wait3A_193 = arith.constant 0 : i32
    %dma_wait3A_194 = arith.constant 0 : i32
    %dma_wait3A_195 = tpu.memref_slice %arg9[%dma_wait3A_191, %dma_wait3A_193, %dma_wait3A_194] : memref<4x80x128xf32, #tpu.memory_space<vmem>> -> memref<1x80x128xf32, #tpu.memory_space<vmem>>
    %dma_wait3A_196 = tpu.memref_squeeze %dma_wait3A_195 : memref<1x80x128xf32, #tpu.memory_space<vmem>> -> memref<80x128xf32, #tpu.memory_space<vmem>>
    %dma_wait3A_197 = arith.constant 0 : i32
    %dma_wait3A_198 = tpu.memref_slice %arg7[%dma_wait3A_192, %dma_wait3A_197] : memref<32x80xi32, #tpu.memory_space<vmem>> -> memref<1x80xi32, #tpu.memory_space<vmem>>
    %dma_wait3A_199 = tpu.memref_squeeze %dma_wait3A_198 : memref<1x80xi32, #tpu.memory_space<vmem>> -> memref<80xi32, #tpu.memory_space<vmem>>
    %dma_wait3A_200 = arith.constant 0 : i32
    %dma_wait3A_201 = arith.constant 0 : i32
    %dma_wait3A_202 = tpu.memref_slice %arg10[%dma_wait3A_200, %dma_wait3A_201] : memref<10240x128xf32, #tpu.memory_space<vmem_shared>> -> memref<10240x128xf32, #tpu.memory_space<vmem_shared>>
    tpu.wait_indirect_dma semaphore(%arg18 : memref<!tpu.dma_semaphore, #tpu.memory_space<semaphore_mem>>) src(%dma_wait3A_196 : memref<80x128xf32, #tpu.memory_space<vmem>>) dst(%dma_wait3A_202 : memref<10240x128xf32, #tpu.memory_space<vmem_shared>>)
    %mul3A_203 = arith.constant 128 : i32
    %mul3A_204 = arith.muli %add3A, %mul3A_203 : i32
    %add3A_205 = arith.constant 32 : i32
    %add3A_206 = arith.addi %mul3A_204, %add3A_205 : i32
    "tpu.region"() ({
      %run_scoped3A = tpu.sem_alloc : memref<!tpu.dma_semaphore, #tpu.memory_space<semaphore_mem>>
      %dma_start3A_817 = arith.constant 0 : i32
      %dma_start3A_818 = tpu.memref_slice %arg2[%add3A_206, %dma_start3A_817] : memref<4096x80xi32, #tpu.memory_space<hbm>> -> memref<32x80xi32, #tpu.memory_space<hbm>>
      %dma_start3A_819 = arith.constant 0 : i32
      %dma_start3A_820 = tpu.memref_slice %arg2[%add3A_206, %dma_start3A_819] : memref<4096x80xi32, #tpu.memory_space<hbm>> -> memref<32x80xi32, #tpu.memory_space<hbm>>
      tpu.enqueue_dma source(%dma_start3A_820 : memref<32x80xi32, #tpu.memory_space<hbm>>) target(%arg7 : memref<32x80xi32, #tpu.memory_space<vmem>>) target_semaphore(%run_scoped3A : memref<!tpu.dma_semaphore, #tpu.memory_space<semaphore_mem>>)
      %dma_wait3A_821 = arith.constant 0 : i32
      %dma_wait3A_822 = tpu.memref_slice %arg2[%add3A_206, %dma_wait3A_821] : memref<4096x80xi32, #tpu.memory_space<hbm>> -> memref<32x80xi32, #tpu.memory_space<hbm>>
      %dma_wait3A_823 = arith.constant 0 : i32
      %dma_wait3A_824 = tpu.memref_slice %arg2[%add3A_206, %dma_wait3A_823] : memref<4096x80xi32, #tpu.memory_space<hbm>> -> memref<32x80xi32, #tpu.memory_space<hbm>>
      tpu.wait_dma2 semaphore(%run_scoped3A : memref<!tpu.dma_semaphore, #tpu.memory_space<semaphore_mem>>) src(%dma_wait3A_824 : memref<32x80xi32, #tpu.memory_space<hbm>>) dst(%arg7 : memref<32x80xi32, #tpu.memory_space<vmem>>)
      tpu.yield
    }) : () -> ()
    "tpu.region"() ({
      %run_scoped3A = tpu.sem_alloc : memref<!tpu.dma_semaphore, #tpu.memory_space<semaphore_mem>>
      %dma_start3A_817 = arith.constant 0 : i32
      %dma_start3A_818 = tpu.memref_slice %arg3[%add3A_206, %dma_start3A_817] : memref<4096x80xi32, #tpu.memory_space<hbm>> -> memref<32x80xi32, #tpu.memory_space<hbm>>
      %dma_start3A_819 = arith.constant 0 : i32
      %dma_start3A_820 = tpu.memref_slice %arg3[%add3A_206, %dma_start3A_819] : memref<4096x80xi32, #tpu.memory_space<hbm>> -> memref<32x80xi32, #tpu.memory_space<hbm>>
      tpu.enqueue_dma source(%dma_start3A_820 : memref<32x80xi32, #tpu.memory_space<hbm>>) target(%arg8 : memref<32x80xi32, #tpu.memory_space<vmem>>) target_semaphore(%run_scoped3A : memref<!tpu.dma_semaphore, #tpu.memory_space<semaphore_mem>>)
      %dma_wait3A_821 = arith.constant 0 : i32
      %dma_wait3A_822 = tpu.memref_slice %arg3[%add3A_206, %dma_wait3A_821] : memref<4096x80xi32, #tpu.memory_space<hbm>> -> memref<32x80xi32, #tpu.memory_space<hbm>>
      %dma_wait3A_823 = arith.constant 0 : i32
      %dma_wait3A_824 = tpu.memref_slice %arg3[%add3A_206, %dma_wait3A_823] : memref<4096x80xi32, #tpu.memory_space<hbm>> -> memref<32x80xi32, #tpu.memory_space<hbm>>
      tpu.wait_dma2 semaphore(%run_scoped3A : memref<!tpu.dma_semaphore, #tpu.memory_space<semaphore_mem>>) src(%dma_wait3A_824 : memref<32x80xi32, #tpu.memory_space<hbm>>) dst(%arg8 : memref<32x80xi32, #tpu.memory_space<vmem>>)
      tpu.yield
    }) : () -> ()
    %dma_start3A_207 = arith.constant 0 : i32
    %dma_start3A_208 = arith.constant 0 : i32
    %dma_start3A_209 = arith.constant 0 : i32
    %dma_start3A_210 = arith.constant 0 : i32
    %dma_start3A_211 = tpu.memref_slice %arg9[%dma_start3A_208, %dma_start3A_209, %dma_start3A_210] : memref<4x80x128xf32, #tpu.memory_space<vmem>> -> memref<1x80x128xf32, #tpu.memory_space<vmem>>
    %dma_start3A_212 = tpu.memref_squeeze %dma_start3A_211 : memref<1x80x128xf32, #tpu.memory_space<vmem>> -> memref<80x128xf32, #tpu.memory_space<vmem>>
    %dma_start3A_213 = arith.constant 0 : i32
    %dma_start3A_214 = tpu.memref_slice %arg8[%dma_start3A_207, %dma_start3A_213] : memref<32x80xi32, #tpu.memory_space<vmem>> -> memref<1x80xi32, #tpu.memory_space<vmem>>
    %dma_start3A_215 = tpu.memref_squeeze %dma_start3A_214 : memref<1x80xi32, #tpu.memory_space<vmem>> -> memref<80xi32, #tpu.memory_space<vmem>>
    %dma_start3A_216 = arith.constant 0 : i32
    %dma_start3A_217 = arith.constant 0 : i32
    %dma_start3A_218 = tpu.memref_slice %arg4[%dma_start3A_216, %dma_start3A_217] : memref<10240x128xf32, #tpu.memory_space<hbm>> -> memref<10240x128xf32, #tpu.memory_space<hbm>>
    tpu.enqueue_indirect_dma source(%dma_start3A_218 : memref<10240x128xf32, #tpu.memory_space<hbm>>) target(%dma_start3A_212 : memref<80x128xf32, #tpu.memory_space<vmem>>) offsets(%dma_start3A_215 : memref<80xi32, #tpu.memory_space<vmem>>) semaphore(%arg11 : memref<!tpu.dma_semaphore, #tpu.memory_space<semaphore_mem>>)
    %dma_start3A_219 = arith.constant 1 : i32
    %dma_start3A_220 = arith.constant 1 : i32
    %dma_start3A_221 = arith.constant 0 : i32
    %dma_start3A_222 = arith.constant 0 : i32
    %dma_start3A_223 = tpu.memref_slice %arg9[%dma_start3A_220, %dma_start3A_221, %dma_start3A_222] : memref<4x80x128xf32, #tpu.memory_space<vmem>> -> memref<1x80x128xf32, #tpu.memory_space<vmem>>
    %dma_start3A_224 = tpu.memref_squeeze %dma_start3A_223 : memref<1x80x128xf32, #tpu.memory_space<vmem>> -> memref<80x128xf32, #tpu.memory_space<vmem>>
    %dma_start3A_225 = arith.constant 0 : i32
    %dma_start3A_226 = tpu.memref_slice %arg8[%dma_start3A_219, %dma_start3A_225] : memref<32x80xi32, #tpu.memory_space<vmem>> -> memref<1x80xi32, #tpu.memory_space<vmem>>
    %dma_start3A_227 = tpu.memref_squeeze %dma_start3A_226 : memref<1x80xi32, #tpu.memory_space<vmem>> -> memref<80xi32, #tpu.memory_space<vmem>>
    %dma_start3A_228 = arith.constant 0 : i32
    %dma_start3A_229 = arith.constant 0 : i32
    %dma_start3A_230 = tpu.memref_slice %arg4[%dma_start3A_228, %dma_start3A_229] : memref<10240x128xf32, #tpu.memory_space<hbm>> -> memref<10240x128xf32, #tpu.memory_space<hbm>>
    tpu.enqueue_indirect_dma source(%dma_start3A_230 : memref<10240x128xf32, #tpu.memory_space<hbm>>) target(%dma_start3A_224 : memref<80x128xf32, #tpu.memory_space<vmem>>) offsets(%dma_start3A_227 : memref<80xi32, #tpu.memory_space<vmem>>) semaphore(%arg12 : memref<!tpu.dma_semaphore, #tpu.memory_space<semaphore_mem>>)
    %dma_start3A_231 = arith.constant 2 : i32
    %dma_start3A_232 = arith.constant 2 : i32
    %dma_start3A_233 = arith.constant 0 : i32
    %dma_start3A_234 = arith.constant 0 : i32
    %dma_start3A_235 = tpu.memref_slice %arg9[%dma_start3A_232, %dma_start3A_233, %dma_start3A_234] : memref<4x80x128xf32, #tpu.memory_space<vmem>> -> memref<1x80x128xf32, #tpu.memory_space<vmem>>
    %dma_start3A_236 = tpu.memref_squeeze %dma_start3A_235 : memref<1x80x128xf32, #tpu.memory_space<vmem>> -> memref<80x128xf32, #tpu.memory_space<vmem>>
    %dma_start3A_237 = arith.constant 0 : i32
    %dma_start3A_238 = tpu.memref_slice %arg8[%dma_start3A_231, %dma_start3A_237] : memref<32x80xi32, #tpu.memory_space<vmem>> -> memref<1x80xi32, #tpu.memory_space<vmem>>
    %dma_start3A_239 = tpu.memref_squeeze %dma_start3A_238 : memref<1x80xi32, #tpu.memory_space<vmem>> -> memref<80xi32, #tpu.memory_space<vmem>>
    %dma_start3A_240 = arith.constant 0 : i32
    %dma_start3A_241 = arith.constant 0 : i32
    %dma_start3A_242 = tpu.memref_slice %arg4[%dma_start3A_240, %dma_start3A_241] : memref<10240x128xf32, #tpu.memory_space<hbm>> -> memref<10240x128xf32, #tpu.memory_space<hbm>>
    tpu.enqueue_indirect_dma source(%dma_start3A_242 : memref<10240x128xf32, #tpu.memory_space<hbm>>) target(%dma_start3A_236 : memref<80x128xf32, #tpu.memory_space<vmem>>) offsets(%dma_start3A_239 : memref<80xi32, #tpu.memory_space<vmem>>) semaphore(%arg13 : memref<!tpu.dma_semaphore, #tpu.memory_space<semaphore_mem>>)
    %dma_start3A_243 = arith.constant 3 : i32
    %dma_start3A_244 = arith.constant 3 : i32
    %dma_start3A_245 = arith.constant 0 : i32
    %dma_start3A_246 = arith.constant 0 : i32
    %dma_start3A_247 = tpu.memref_slice %arg9[%dma_start3A_244, %dma_start3A_245, %dma_start3A_246] : memref<4x80x128xf32, #tpu.memory_space<vmem>> -> memref<1x80x128xf32, #tpu.memory_space<vmem>>
    %dma_start3A_248 = tpu.memref_squeeze %dma_start3A_247 : memref<1x80x128xf32, #tpu.memory_space<vmem>> -> memref<80x128xf32, #tpu.memory_space<vmem>>
    %dma_start3A_249 = arith.constant 0 : i32
    %dma_start3A_250 = tpu.memref_slice %arg8[%dma_start3A_243, %dma_start3A_249] : memref<32x80xi32, #tpu.memory_space<vmem>> -> memref<1x80xi32, #tpu.memory_space<vmem>>
    %dma_start3A_251 = tpu.memref_squeeze %dma_start3A_250 : memref<1x80xi32, #tpu.memory_space<vmem>> -> memref<80xi32, #tpu.memory_space<vmem>>
    %dma_start3A_252 = arith.constant 0 : i32
    %dma_start3A_253 = arith.constant 0 : i32
    %dma_start3A_254 = tpu.memref_slice %arg4[%dma_start3A_252, %dma_start3A_253] : memref<10240x128xf32, #tpu.memory_space<hbm>> -> memref<10240x128xf32, #tpu.memory_space<hbm>>
    tpu.enqueue_indirect_dma source(%dma_start3A_254 : memref<10240x128xf32, #tpu.memory_space<hbm>>) target(%dma_start3A_248 : memref<80x128xf32, #tpu.memory_space<vmem>>) offsets(%dma_start3A_251 : memref<80xi32, #tpu.memory_space<vmem>>) semaphore(%arg14 : memref<!tpu.dma_semaphore, #tpu.memory_space<semaphore_mem>>)
    %scan3A_255 = arith.constant 0 : i32
    %scan3A_256 = arith.constant 0 : i32
    %scan3A_257 = arith.constant 7 : i32
    %scan3A_258 = arith.addi %scan3A_256, %scan3A_257 : i32
    %scan3A_259 = arith.constant 1 : i32
    %scan3A_260 = scf.for %scan3A_817 = %scan3A_256 to %scan3A_258 step %scan3A_259 iter_args(%scan3A_818 = %scan3A_255) -> (i32)  : i32 {
      %mul3A_819 = arith.constant 4 : i32
      %mul3A_820 = arith.muli %scan3A_817, %mul3A_819 : i32
      %add3A_821 = arith.constant 0 : i32
      %add3A_822 = arith.addi %mul3A_820, %add3A_821 : i32
      %dma_wait3A_823 = arith.constant 0 : i32
      %dma_wait3A_824 = arith.constant 0 : i32
      %dma_wait3A_825 = arith.constant 0 : i32
      %dma_wait3A_826 = tpu.memref_slice %arg9[%dma_wait3A_823, %dma_wait3A_824, %dma_wait3A_825] : memref<4x80x128xf32, #tpu.memory_space<vmem>> -> memref<1x80x128xf32, #tpu.memory_space<vmem>>
      %dma_wait3A_827 = tpu.memref_squeeze %dma_wait3A_826 : memref<1x80x128xf32, #tpu.memory_space<vmem>> -> memref<80x128xf32, #tpu.memory_space<vmem>>
      %dma_wait3A_828 = arith.constant 0 : i32
      %dma_wait3A_829 = tpu.memref_slice %arg8[%add3A_822, %dma_wait3A_828] : memref<32x80xi32, #tpu.memory_space<vmem>> -> memref<1x80xi32, #tpu.memory_space<vmem>>
      %dma_wait3A_830 = tpu.memref_squeeze %dma_wait3A_829 : memref<1x80xi32, #tpu.memory_space<vmem>> -> memref<80xi32, #tpu.memory_space<vmem>>
      %dma_wait3A_831 = arith.constant 0 : i32
      %dma_wait3A_832 = arith.constant 0 : i32
      %dma_wait3A_833 = tpu.memref_slice %arg4[%dma_wait3A_831, %dma_wait3A_832] : memref<10240x128xf32, #tpu.memory_space<hbm>> -> memref<10240x128xf32, #tpu.memory_space<hbm>>
      tpu.wait_indirect_dma semaphore(%arg11 : memref<!tpu.dma_semaphore, #tpu.memory_space<semaphore_mem>>) src(%dma_wait3A_833 : memref<10240x128xf32, #tpu.memory_space<hbm>>) dst(%dma_wait3A_827 : memref<80x128xf32, #tpu.memory_space<vmem>>)
      %add3A_834 = arith.constant 0 : i32
      %add3A_835 = arith.addi %mul3A_820, %add3A_834 : i32
      %dma_start3A_836 = arith.constant 0 : i32
      %dma_start3A_837 = arith.constant 0 : i32
      %dma_start3A_838 = arith.constant 0 : i32
      %dma_start3A_839 = tpu.memref_slice %arg9[%dma_start3A_836, %dma_start3A_837, %dma_start3A_838] : memref<4x80x128xf32, #tpu.memory_space<vmem>> -> memref<1x80x128xf32, #tpu.memory_space<vmem>>
      %dma_start3A_840 = tpu.memref_squeeze %dma_start3A_839 : memref<1x80x128xf32, #tpu.memory_space<vmem>> -> memref<80x128xf32, #tpu.memory_space<vmem>>
      %dma_start3A_841 = arith.constant 0 : i32
      %dma_start3A_842 = tpu.memref_slice %arg7[%add3A_835, %dma_start3A_841] : memref<32x80xi32, #tpu.memory_space<vmem>> -> memref<1x80xi32, #tpu.memory_space<vmem>>
      %dma_start3A_843 = tpu.memref_squeeze %dma_start3A_842 : memref<1x80xi32, #tpu.memory_space<vmem>> -> memref<80xi32, #tpu.memory_space<vmem>>
      %dma_start3A_844 = arith.constant 0 : i32
      %dma_start3A_845 = arith.constant 0 : i32
      %dma_start3A_846 = tpu.memref_slice %arg10[%dma_start3A_844, %dma_start3A_845] : memref<10240x128xf32, #tpu.memory_space<vmem_shared>> -> memref<10240x128xf32, #tpu.memory_space<vmem_shared>>
      tpu.enqueue_indirect_dma source(%dma_start3A_840 : memref<80x128xf32, #tpu.memory_space<vmem>>) target(%dma_start3A_846 : memref<10240x128xf32, #tpu.memory_space<vmem_shared>>) offsets(%dma_start3A_843 : memref<80xi32, #tpu.memory_space<vmem>>) semaphore(%arg15 : memref<!tpu.dma_semaphore, #tpu.memory_space<semaphore_mem>>) {add = true}
      %add3A_847 = arith.constant 1 : i32
      %add3A_848 = arith.addi %mul3A_820, %add3A_847 : i32
      %dma_wait3A_849 = arith.constant 1 : i32
      %dma_wait3A_850 = arith.constant 0 : i32
      %dma_wait3A_851 = arith.constant 0 : i32
      %dma_wait3A_852 = tpu.memref_slice %arg9[%dma_wait3A_849, %dma_wait3A_850, %dma_wait3A_851] : memref<4x80x128xf32, #tpu.memory_space<vmem>> -> memref<1x80x128xf32, #tpu.memory_space<vmem>>
      %dma_wait3A_853 = tpu.memref_squeeze %dma_wait3A_852 : memref<1x80x128xf32, #tpu.memory_space<vmem>> -> memref<80x128xf32, #tpu.memory_space<vmem>>
      %dma_wait3A_854 = arith.constant 0 : i32
      %dma_wait3A_855 = tpu.memref_slice %arg8[%add3A_848, %dma_wait3A_854] : memref<32x80xi32, #tpu.memory_space<vmem>> -> memref<1x80xi32, #tpu.memory_space<vmem>>
      %dma_wait3A_856 = tpu.memref_squeeze %dma_wait3A_855 : memref<1x80xi32, #tpu.memory_space<vmem>> -> memref<80xi32, #tpu.memory_space<vmem>>
      %dma_wait3A_857 = arith.constant 0 : i32
      %dma_wait3A_858 = arith.constant 0 : i32
      %dma_wait3A_859 = tpu.memref_slice %arg4[%dma_wait3A_857, %dma_wait3A_858] : memref<10240x128xf32, #tpu.memory_space<hbm>> -> memref<10240x128xf32, #tpu.memory_space<hbm>>
      tpu.wait_indirect_dma semaphore(%arg12 : memref<!tpu.dma_semaphore, #tpu.memory_space<semaphore_mem>>) src(%dma_wait3A_859 : memref<10240x128xf32, #tpu.memory_space<hbm>>) dst(%dma_wait3A_853 : memref<80x128xf32, #tpu.memory_space<vmem>>)
      %add3A_860 = arith.constant 1 : i32
      %add3A_861 = arith.addi %mul3A_820, %add3A_860 : i32
      %dma_start3A_862 = arith.constant 1 : i32
      %dma_start3A_863 = arith.constant 0 : i32
      %dma_start3A_864 = arith.constant 0 : i32
      %dma_start3A_865 = tpu.memref_slice %arg9[%dma_start3A_862, %dma_start3A_863, %dma_start3A_864] : memref<4x80x128xf32, #tpu.memory_space<vmem>> -> memref<1x80x128xf32, #tpu.memory_space<vmem>>
      %dma_start3A_866 = tpu.memref_squeeze %dma_start3A_865 : memref<1x80x128xf32, #tpu.memory_space<vmem>> -> memref<80x128xf32, #tpu.memory_space<vmem>>
      %dma_start3A_867 = arith.constant 0 : i32
      %dma_start3A_868 = tpu.memref_slice %arg7[%add3A_861, %dma_start3A_867] : memref<32x80xi32, #tpu.memory_space<vmem>> -> memref<1x80xi32, #tpu.memory_space<vmem>>
      %dma_start3A_869 = tpu.memref_squeeze %dma_start3A_868 : memref<1x80xi32, #tpu.memory_space<vmem>> -> memref<80xi32, #tpu.memory_space<vmem>>
      %dma_start3A_870 = arith.constant 0 : i32
      %dma_start3A_871 = arith.constant 0 : i32
      %dma_start3A_872 = tpu.memref_slice %arg10[%dma_start3A_870, %dma_start3A_871] : memref<10240x128xf32, #tpu.memory_space<vmem_shared>> -> memref<10240x128xf32, #tpu.memory_space<vmem_shared>>
      tpu.enqueue_indirect_dma source(%dma_start3A_866 : memref<80x128xf32, #tpu.memory_space<vmem>>) target(%dma_start3A_872 : memref<10240x128xf32, #tpu.memory_space<vmem_shared>>) offsets(%dma_start3A_869 : memref<80xi32, #tpu.memory_space<vmem>>) semaphore(%arg16 : memref<!tpu.dma_semaphore, #tpu.memory_space<semaphore_mem>>) {add = true}
      %add3A_873 = arith.constant 2 : i32
      %add3A_874 = arith.addi %mul3A_820, %add3A_873 : i32
      %dma_wait3A_875 = arith.constant 2 : i32
      %dma_wait3A_876 = arith.constant 0 : i32
      %dma_wait3A_877 = arith.constant 0 : i32
      %dma_wait3A_878 = tpu.memref_slice %arg9[%dma_wait3A_875, %dma_wait3A_876, %dma_wait3A_877] : memref<4x80x128xf32, #tpu.memory_space<vmem>> -> memref<1x80x128xf32, #tpu.memory_space<vmem>>
      %dma_wait3A_879 = tpu.memref_squeeze %dma_wait3A_878 : memref<1x80x128xf32, #tpu.memory_space<vmem>> -> memref<80x128xf32, #tpu.memory_space<vmem>>
      %dma_wait3A_880 = arith.constant 0 : i32
      %dma_wait3A_881 = tpu.memref_slice %arg8[%add3A_874, %dma_wait3A_880] : memref<32x80xi32, #tpu.memory_space<vmem>> -> memref<1x80xi32, #tpu.memory_space<vmem>>
      %dma_wait3A_882 = tpu.memref_squeeze %dma_wait3A_881 : memref<1x80xi32, #tpu.memory_space<vmem>> -> memref<80xi32, #tpu.memory_space<vmem>>
      %dma_wait3A_883 = arith.constant 0 : i32
      %dma_wait3A_884 = arith.constant 0 : i32
      %dma_wait3A_885 = tpu.memref_slice %arg4[%dma_wait3A_883, %dma_wait3A_884] : memref<10240x128xf32, #tpu.memory_space<hbm>> -> memref<10240x128xf32, #tpu.memory_space<hbm>>
      tpu.wait_indirect_dma semaphore(%arg13 : memref<!tpu.dma_semaphore, #tpu.memory_space<semaphore_mem>>) src(%dma_wait3A_885 : memref<10240x128xf32, #tpu.memory_space<hbm>>) dst(%dma_wait3A_879 : memref<80x128xf32, #tpu.memory_space<vmem>>)
      %add3A_886 = arith.constant 2 : i32
      %add3A_887 = arith.addi %mul3A_820, %add3A_886 : i32
      %dma_start3A_888 = arith.constant 2 : i32
      %dma_start3A_889 = arith.constant 0 : i32
      %dma_start3A_890 = arith.constant 0 : i32
      %dma_start3A_891 = tpu.memref_slice %arg9[%dma_start3A_888, %dma_start3A_889, %dma_start3A_890] : memref<4x80x128xf32, #tpu.memory_space<vmem>> -> memref<1x80x128xf32, #tpu.memory_space<vmem>>
      %dma_start3A_892 = tpu.memref_squeeze %dma_start3A_891 : memref<1x80x128xf32, #tpu.memory_space<vmem>> -> memref<80x128xf32, #tpu.memory_space<vmem>>
      %dma_start3A_893 = arith.constant 0 : i32
      %dma_start3A_894 = tpu.memref_slice %arg7[%add3A_887, %dma_start3A_893] : memref<32x80xi32, #tpu.memory_space<vmem>> -> memref<1x80xi32, #tpu.memory_space<vmem>>
      %dma_start3A_895 = tpu.memref_squeeze %dma_start3A_894 : memref<1x80xi32, #tpu.memory_space<vmem>> -> memref<80xi32, #tpu.memory_space<vmem>>
      %dma_start3A_896 = arith.constant 0 : i32
      %dma_start3A_897 = arith.constant 0 : i32
      %dma_start3A_898 = tpu.memref_slice %arg10[%dma_start3A_896, %dma_start3A_897] : memref<10240x128xf32, #tpu.memory_space<vmem_shared>> -> memref<10240x128xf32, #tpu.memory_space<vmem_shared>>
      tpu.enqueue_indirect_dma source(%dma_start3A_892 : memref<80x128xf32, #tpu.memory_space<vmem>>) target(%dma_start3A_898 : memref<10240x128xf32, #tpu.memory_space<vmem_shared>>) offsets(%dma_start3A_895 : memref<80xi32, #tpu.memory_space<vmem>>) semaphore(%arg17 : memref<!tpu.dma_semaphore, #tpu.memory_space<semaphore_mem>>) {add = true}
      %add3A_899 = arith.constant 3 : i32
      %add3A_900 = arith.addi %mul3A_820, %add3A_899 : i32
      %dma_wait3A_901 = arith.constant 3 : i32
      %dma_wait3A_902 = arith.constant 0 : i32
      %dma_wait3A_903 = arith.constant 0 : i32
      %dma_wait3A_904 = tpu.memref_slice %arg9[%dma_wait3A_901, %dma_wait3A_902, %dma_wait3A_903] : memref<4x80x128xf32, #tpu.memory_space<vmem>> -> memref<1x80x128xf32, #tpu.memory_space<vmem>>
      %dma_wait3A_905 = tpu.memref_squeeze %dma_wait3A_904 : memref<1x80x128xf32, #tpu.memory_space<vmem>> -> memref<80x128xf32, #tpu.memory_space<vmem>>
      %dma_wait3A_906 = arith.constant 0 : i32
      %dma_wait3A_907 = tpu.memref_slice %arg8[%add3A_900, %dma_wait3A_906] : memref<32x80xi32, #tpu.memory_space<vmem>> -> memref<1x80xi32, #tpu.memory_space<vmem>>
      %dma_wait3A_908 = tpu.memref_squeeze %dma_wait3A_907 : memref<1x80xi32, #tpu.memory_space<vmem>> -> memref<80xi32, #tpu.memory_space<vmem>>
      %dma_wait3A_909 = arith.constant 0 : i32
      %dma_wait3A_910 = arith.constant 0 : i32
      %dma_wait3A_911 = tpu.memref_slice %arg4[%dma_wait3A_909, %dma_wait3A_910] : memref<10240x128xf32, #tpu.memory_space<hbm>> -> memref<10240x128xf32, #tpu.memory_space<hbm>>
      tpu.wait_indirect_dma semaphore(%arg14 : memref<!tpu.dma_semaphore, #tpu.memory_space<semaphore_mem>>) src(%dma_wait3A_911 : memref<10240x128xf32, #tpu.memory_space<hbm>>) dst(%dma_wait3A_905 : memref<80x128xf32, #tpu.memory_space<vmem>>)
      %add3A_912 = arith.constant 3 : i32
      %add3A_913 = arith.addi %mul3A_820, %add3A_912 : i32
      %dma_start3A_914 = arith.constant 3 : i32
      %dma_start3A_915 = arith.constant 0 : i32
      %dma_start3A_916 = arith.constant 0 : i32
      %dma_start3A_917 = tpu.memref_slice %arg9[%dma_start3A_914, %dma_start3A_915, %dma_start3A_916] : memref<4x80x128xf32, #tpu.memory_space<vmem>> -> memref<1x80x128xf32, #tpu.memory_space<vmem>>
      %dma_start3A_918 = tpu.memref_squeeze %dma_start3A_917 : memref<1x80x128xf32, #tpu.memory_space<vmem>> -> memref<80x128xf32, #tpu.memory_space<vmem>>
      %dma_start3A_919 = arith.constant 0 : i32
      %dma_start3A_920 = tpu.memref_slice %arg7[%add3A_913, %dma_start3A_919] : memref<32x80xi32, #tpu.memory_space<vmem>> -> memref<1x80xi32, #tpu.memory_space<vmem>>
      %dma_start3A_921 = tpu.memref_squeeze %dma_start3A_920 : memref<1x80xi32, #tpu.memory_space<vmem>> -> memref<80xi32, #tpu.memory_space<vmem>>
      %dma_start3A_922 = arith.constant 0 : i32
      %dma_start3A_923 = arith.constant 0 : i32
      %dma_start3A_924 = tpu.memref_slice %arg10[%dma_start3A_922, %dma_start3A_923] : memref<10240x128xf32, #tpu.memory_space<vmem_shared>> -> memref<10240x128xf32, #tpu.memory_space<vmem_shared>>
      tpu.enqueue_indirect_dma source(%dma_start3A_918 : memref<80x128xf32, #tpu.memory_space<vmem>>) target(%dma_start3A_924 : memref<10240x128xf32, #tpu.memory_space<vmem_shared>>) offsets(%dma_start3A_921 : memref<80xi32, #tpu.memory_space<vmem>>) semaphore(%arg18 : memref<!tpu.dma_semaphore, #tpu.memory_space<semaphore_mem>>) {add = true}
      %add3A_925 = arith.constant 0 : i32
      %add3A_926 = arith.addi %mul3A_820, %add3A_925 : i32
      %dma_wait3A_927 = arith.constant 0 : i32
      %dma_wait3A_928 = arith.constant 0 : i32
      %dma_wait3A_929 = arith.constant 0 : i32
      %dma_wait3A_930 = tpu.memref_slice %arg9[%dma_wait3A_927, %dma_wait3A_928, %dma_wait3A_929] : memref<4x80x128xf32, #tpu.memory_space<vmem>> -> memref<1x80x128xf32, #tpu.memory_space<vmem>>
      %dma_wait3A_931 = tpu.memref_squeeze %dma_wait3A_930 : memref<1x80x128xf32, #tpu.memory_space<vmem>> -> memref<80x128xf32, #tpu.memory_space<vmem>>
      %dma_wait3A_932 = arith.constant 0 : i32
      %dma_wait3A_933 = tpu.memref_slice %arg7[%add3A_926, %dma_wait3A_932] : memref<32x80xi32, #tpu.memory_space<vmem>> -> memref<1x80xi32, #tpu.memory_space<vmem>>
      %dma_wait3A_934 = tpu.memref_squeeze %dma_wait3A_933 : memref<1x80xi32, #tpu.memory_space<vmem>> -> memref<80xi32, #tpu.memory_space<vmem>>
      %dma_wait3A_935 = arith.constant 0 : i32
      %dma_wait3A_936 = arith.constant 0 : i32
      %dma_wait3A_937 = tpu.memref_slice %arg10[%dma_wait3A_935, %dma_wait3A_936] : memref<10240x128xf32, #tpu.memory_space<vmem_shared>> -> memref<10240x128xf32, #tpu.memory_space<vmem_shared>>
      tpu.wait_indirect_dma semaphore(%arg15 : memref<!tpu.dma_semaphore, #tpu.memory_space<semaphore_mem>>) src(%dma_wait3A_931 : memref<80x128xf32, #tpu.memory_space<vmem>>) dst(%dma_wait3A_937 : memref<10240x128xf32, #tpu.memory_space<vmem_shared>>)
      %add3A_938 = arith.constant 4 : i32
      %add3A_939 = arith.addi %mul3A_820, %add3A_938 : i32
      %add3A_940 = arith.constant 0 : i32
      %add3A_941 = arith.addi %add3A_939, %add3A_940 : i32
      %dma_start3A_942 = arith.constant 0 : i32
      %dma_start3A_943 = arith.constant 0 : i32
      %dma_start3A_944 = arith.constant 0 : i32
      %dma_start3A_945 = tpu.memref_slice %arg9[%dma_start3A_942, %dma_start3A_943, %dma_start3A_944] : memref<4x80x128xf32, #tpu.memory_space<vmem>> -> memref<1x80x128xf32, #tpu.memory_space<vmem>>
      %dma_start3A_946 = tpu.memref_squeeze %dma_start3A_945 : memref<1x80x128xf32, #tpu.memory_space<vmem>> -> memref<80x128xf32, #tpu.memory_space<vmem>>
      %dma_start3A_947 = arith.constant 0 : i32
      %dma_start3A_948 = tpu.memref_slice %arg8[%add3A_941, %dma_start3A_947] : memref<32x80xi32, #tpu.memory_space<vmem>> -> memref<1x80xi32, #tpu.memory_space<vmem>>
      %dma_start3A_949 = tpu.memref_squeeze %dma_start3A_948 : memref<1x80xi32, #tpu.memory_space<vmem>> -> memref<80xi32, #tpu.memory_space<vmem>>
      %dma_start3A_950 = arith.constant 0 : i32
      %dma_start3A_951 = arith.constant 0 : i32
      %dma_start3A_952 = tpu.memref_slice %arg4[%dma_start3A_950, %dma_start3A_951] : memref<10240x128xf32, #tpu.memory_space<hbm>> -> memref<10240x128xf32, #tpu.memory_space<hbm>>
      tpu.enqueue_indirect_dma source(%dma_start3A_952 : memref<10240x128xf32, #tpu.memory_space<hbm>>) target(%dma_start3A_946 : memref<80x128xf32, #tpu.memory_space<vmem>>) offsets(%dma_start3A_949 : memref<80xi32, #tpu.memory_space<vmem>>) semaphore(%arg11 : memref<!tpu.dma_semaphore, #tpu.memory_space<semaphore_mem>>)
      %add3A_953 = arith.constant 1 : i32
      %add3A_954 = arith.addi %mul3A_820, %add3A_953 : i32
      %dma_wait3A_955 = arith.constant 1 : i32
      %dma_wait3A_956 = arith.constant 0 : i32
      %dma_wait3A_957 = arith.constant 0 : i32
      %dma_wait3A_958 = tpu.memref_slice %arg9[%dma_wait3A_955, %dma_wait3A_956, %dma_wait3A_957] : memref<4x80x128xf32, #tpu.memory_space<vmem>> -> memref<1x80x128xf32, #tpu.memory_space<vmem>>
      %dma_wait3A_959 = tpu.memref_squeeze %dma_wait3A_958 : memref<1x80x128xf32, #tpu.memory_space<vmem>> -> memref<80x128xf32, #tpu.memory_space<vmem>>
      %dma_wait3A_960 = arith.constant 0 : i32
      %dma_wait3A_961 = tpu.memref_slice %arg7[%add3A_954, %dma_wait3A_960] : memref<32x80xi32, #tpu.memory_space<vmem>> -> memref<1x80xi32, #tpu.memory_space<vmem>>
      %dma_wait3A_962 = tpu.memref_squeeze %dma_wait3A_961 : memref<1x80xi32, #tpu.memory_space<vmem>> -> memref<80xi32, #tpu.memory_space<vmem>>
      %dma_wait3A_963 = arith.constant 0 : i32
      %dma_wait3A_964 = arith.constant 0 : i32
      %dma_wait3A_965 = tpu.memref_slice %arg10[%dma_wait3A_963, %dma_wait3A_964] : memref<10240x128xf32, #tpu.memory_space<vmem_shared>> -> memref<10240x128xf32, #tpu.memory_space<vmem_shared>>
      tpu.wait_indirect_dma semaphore(%arg16 : memref<!tpu.dma_semaphore, #tpu.memory_space<semaphore_mem>>) src(%dma_wait3A_959 : memref<80x128xf32, #tpu.memory_space<vmem>>) dst(%dma_wait3A_965 : memref<10240x128xf32, #tpu.memory_space<vmem_shared>>)
      %add3A_966 = arith.constant 4 : i32
      %add3A_967 = arith.addi %mul3A_820, %add3A_966 : i32
      %add3A_968 = arith.constant 1 : i32
      %add3A_969 = arith.addi %add3A_967, %add3A_968 : i32
      %dma_start3A_970 = arith.constant 1 : i32
      %dma_start3A_971 = arith.constant 0 : i32
      %dma_start3A_972 = arith.constant 0 : i32
      %dma_start3A_973 = tpu.memref_slice %arg9[%dma_start3A_970, %dma_start3A_971, %dma_start3A_972] : memref<4x80x128xf32, #tpu.memory_space<vmem>> -> memref<1x80x128xf32, #tpu.memory_space<vmem>>
      %dma_start3A_974 = tpu.memref_squeeze %dma_start3A_973 : memref<1x80x128xf32, #tpu.memory_space<vmem>> -> memref<80x128xf32, #tpu.memory_space<vmem>>
      %dma_start3A_975 = arith.constant 0 : i32
      %dma_start3A_976 = tpu.memref_slice %arg8[%add3A_969, %dma_start3A_975] : memref<32x80xi32, #tpu.memory_space<vmem>> -> memref<1x80xi32, #tpu.memory_space<vmem>>
      %dma_start3A_977 = tpu.memref_squeeze %dma_start3A_976 : memref<1x80xi32, #tpu.memory_space<vmem>> -> memref<80xi32, #tpu.memory_space<vmem>>
      %dma_start3A_978 = arith.constant 0 : i32
      %dma_start3A_979 = arith.constant 0 : i32
      %dma_start3A_980 = tpu.memref_slice %arg4[%dma_start3A_978, %dma_start3A_979] : memref<10240x128xf32, #tpu.memory_space<hbm>> -> memref<10240x128xf32, #tpu.memory_space<hbm>>
      tpu.enqueue_indirect_dma source(%dma_start3A_980 : memref<10240x128xf32, #tpu.memory_space<hbm>>) target(%dma_start3A_974 : memref<80x128xf32, #tpu.memory_space<vmem>>) offsets(%dma_start3A_977 : memref<80xi32, #tpu.memory_space<vmem>>) semaphore(%arg12 : memref<!tpu.dma_semaphore, #tpu.memory_space<semaphore_mem>>)
      %add3A_981 = arith.constant 2 : i32
      %add3A_982 = arith.addi %mul3A_820, %add3A_981 : i32
      %dma_wait3A_983 = arith.constant 2 : i32
      %dma_wait3A_984 = arith.constant 0 : i32
      %dma_wait3A_985 = arith.constant 0 : i32
      %dma_wait3A_986 = tpu.memref_slice %arg9[%dma_wait3A_983, %dma_wait3A_984, %dma_wait3A_985] : memref<4x80x128xf32, #tpu.memory_space<vmem>> -> memref<1x80x128xf32, #tpu.memory_space<vmem>>
      %dma_wait3A_987 = tpu.memref_squeeze %dma_wait3A_986 : memref<1x80x128xf32, #tpu.memory_space<vmem>> -> memref<80x128xf32, #tpu.memory_space<vmem>>
      %dma_wait3A_988 = arith.constant 0 : i32
      %dma_wait3A_989 = tpu.memref_slice %arg7[%add3A_982, %dma_wait3A_988] : memref<32x80xi32, #tpu.memory_space<vmem>> -> memref<1x80xi32, #tpu.memory_space<vmem>>
      %dma_wait3A_990 = tpu.memref_squeeze %dma_wait3A_989 : memref<1x80xi32, #tpu.memory_space<vmem>> -> memref<80xi32, #tpu.memory_space<vmem>>
      %dma_wait3A_991 = arith.constant 0 : i32
      %dma_wait3A_992 = arith.constant 0 : i32
      %dma_wait3A_993 = tpu.memref_slice %arg10[%dma_wait3A_991, %dma_wait3A_992] : memref<10240x128xf32, #tpu.memory_space<vmem_shared>> -> memref<10240x128xf32, #tpu.memory_space<vmem_shared>>
      tpu.wait_indirect_dma semaphore(%arg17 : memref<!tpu.dma_semaphore, #tpu.memory_space<semaphore_mem>>) src(%dma_wait3A_987 : memref<80x128xf32, #tpu.memory_space<vmem>>) dst(%dma_wait3A_993 : memref<10240x128xf32, #tpu.memory_space<vmem_shared>>)
      %add3A_994 = arith.constant 4 : i32
      %add3A_995 = arith.addi %mul3A_820, %add3A_994 : i32
      %add3A_996 = arith.constant 2 : i32
      %add3A_997 = arith.addi %add3A_995, %add3A_996 : i32
      %dma_start3A_998 = arith.constant 2 : i32
      %dma_start3A_999 = arith.constant 0 : i32
      %dma_start3A_1000 = arith.constant 0 : i32
      %dma_start3A_1001 = tpu.memref_slice %arg9[%dma_start3A_998, %dma_start3A_999, %dma_start3A_1000] : memref<4x80x128xf32, #tpu.memory_space<vmem>> -> memref<1x80x128xf32, #tpu.memory_space<vmem>>
      %dma_start3A_1002 = tpu.memref_squeeze %dma_start3A_1001 : memref<1x80x128xf32, #tpu.memory_space<vmem>> -> memref<80x128xf32, #tpu.memory_space<vmem>>
      %dma_start3A_1003 = arith.constant 0 : i32
      %dma_start3A_1004 = tpu.memref_slice %arg8[%add3A_997, %dma_start3A_1003] : memref<32x80xi32, #tpu.memory_space<vmem>> -> memref<1x80xi32, #tpu.memory_space<vmem>>
      %dma_start3A_1005 = tpu.memref_squeeze %dma_start3A_1004 : memref<1x80xi32, #tpu.memory_space<vmem>> -> memref<80xi32, #tpu.memory_space<vmem>>
      %dma_start3A_1006 = arith.constant 0 : i32
      %dma_start3A_1007 = arith.constant 0 : i32
      %dma_start3A_1008 = tpu.memref_slice %arg4[%dma_start3A_1006, %dma_start3A_1007] : memref<10240x128xf32, #tpu.memory_space<hbm>> -> memref<10240x128xf32, #tpu.memory_space<hbm>>
      tpu.enqueue_indirect_dma source(%dma_start3A_1008 : memref<10240x128xf32, #tpu.memory_space<hbm>>) target(%dma_start3A_1002 : memref<80x128xf32, #tpu.memory_space<vmem>>) offsets(%dma_start3A_1005 : memref<80xi32, #tpu.memory_space<vmem>>) semaphore(%arg13 : memref<!tpu.dma_semaphore, #tpu.memory_space<semaphore_mem>>)
      %add3A_1009 = arith.constant 3 : i32
      %add3A_1010 = arith.addi %mul3A_820, %add3A_1009 : i32
      %dma_wait3A_1011 = arith.constant 3 : i32
      %dma_wait3A_1012 = arith.constant 0 : i32
      %dma_wait3A_1013 = arith.constant 0 : i32
      %dma_wait3A_1014 = tpu.memref_slice %arg9[%dma_wait3A_1011, %dma_wait3A_1012, %dma_wait3A_1013] : memref<4x80x128xf32, #tpu.memory_space<vmem>> -> memref<1x80x128xf32, #tpu.memory_space<vmem>>
      %dma_wait3A_1015 = tpu.memref_squeeze %dma_wait3A_1014 : memref<1x80x128xf32, #tpu.memory_space<vmem>> -> memref<80x128xf32, #tpu.memory_space<vmem>>
      %dma_wait3A_1016 = arith.constant 0 : i32
      %dma_wait3A_1017 = tpu.memref_slice %arg7[%add3A_1010, %dma_wait3A_1016] : memref<32x80xi32, #tpu.memory_space<vmem>> -> memref<1x80xi32, #tpu.memory_space<vmem>>
      %dma_wait3A_1018 = tpu.memref_squeeze %dma_wait3A_1017 : memref<1x80xi32, #tpu.memory_space<vmem>> -> memref<80xi32, #tpu.memory_space<vmem>>
      %dma_wait3A_1019 = arith.constant 0 : i32
      %dma_wait3A_1020 = arith.constant 0 : i32
      %dma_wait3A_1021 = tpu.memref_slice %arg10[%dma_wait3A_1019, %dma_wait3A_1020] : memref<10240x128xf32, #tpu.memory_space<vmem_shared>> -> memref<10240x128xf32, #tpu.memory_space<vmem_shared>>
      tpu.wait_indirect_dma semaphore(%arg18 : memref<!tpu.dma_semaphore, #tpu.memory_space<semaphore_mem>>) src(%dma_wait3A_1015 : memref<80x128xf32, #tpu.memory_space<vmem>>) dst(%dma_wait3A_1021 : memref<10240x128xf32, #tpu.memory_space<vmem_shared>>)
      %add3A_1022 = arith.constant 4 : i32
      %add3A_1023 = arith.addi %mul3A_820, %add3A_1022 : i32
      %add3A_1024 = arith.constant 3 : i32
      %add3A_1025 = arith.addi %add3A_1023, %add3A_1024 : i32
      %dma_start3A_1026 = arith.constant 3 : i32
      %dma_start3A_1027 = arith.constant 0 : i32
      %dma_start3A_1028 = arith.constant 0 : i32
      %dma_start3A_1029 = tpu.memref_slice %arg9[%dma_start3A_1026, %dma_start3A_1027, %dma_start3A_1028] : memref<4x80x128xf32, #tpu.memory_space<vmem>> -> memref<1x80x128xf32, #tpu.memory_space<vmem>>
      %dma_start3A_1030 = tpu.memref_squeeze %dma_start3A_1029 : memref<1x80x128xf32, #tpu.memory_space<vmem>> -> memref<80x128xf32, #tpu.memory_space<vmem>>
      %dma_start3A_1031 = arith.constant 0 : i32
      %dma_start3A_1032 = tpu.memref_slice %arg8[%add3A_1025, %dma_start3A_1031] : memref<32x80xi32, #tpu.memory_space<vmem>> -> memref<1x80xi32, #tpu.memory_space<vmem>>
      %dma_start3A_1033 = tpu.memref_squeeze %dma_start3A_1032 : memref<1x80xi32, #tpu.memory_space<vmem>> -> memref<80xi32, #tpu.memory_space<vmem>>
      %dma_start3A_1034 = arith.constant 0 : i32
      %dma_start3A_1035 = arith.constant 0 : i32
      %dma_start3A_1036 = tpu.memref_slice %arg4[%dma_start3A_1034, %dma_start3A_1035] : memref<10240x128xf32, #tpu.memory_space<hbm>> -> memref<10240x128xf32, #tpu.memory_space<hbm>>
      tpu.enqueue_indirect_dma source(%dma_start3A_1036 : memref<10240x128xf32, #tpu.memory_space<hbm>>) target(%dma_start3A_1030 : memref<80x128xf32, #tpu.memory_space<vmem>>) offsets(%dma_start3A_1033 : memref<80xi32, #tpu.memory_space<vmem>>) semaphore(%arg14 : memref<!tpu.dma_semaphore, #tpu.memory_space<semaphore_mem>>)
      %scan3A_1037 = arith.constant 0 : i32
      scf.yield %scan3A_1037 : i32
    }
    %scan3A_261 = arith.constant 7 : i32
    %dma_wait3A_262 = arith.constant 28 : i32
    %dma_wait3A_263 = arith.constant 0 : i32
    %dma_wait3A_264 = arith.constant 0 : i32
    %dma_wait3A_265 = arith.constant 0 : i32
    %dma_wait3A_266 = tpu.memref_slice %arg9[%dma_wait3A_263, %dma_wait3A_264, %dma_wait3A_265] : memref<4x80x128xf32, #tpu.memory_space<vmem>> -> memref<1x80x128xf32, #tpu.memory_space<vmem>>
    %dma_wait3A_267 = tpu.memref_squeeze %dma_wait3A_266 : memref<1x80x128xf32, #tpu.memory_space<vmem>> -> memref<80x128xf32, #tpu.memory_space<vmem>>
    %dma_wait3A_268 = arith.constant 0 : i32
    %dma_wait3A_269 = tpu.memref_slice %arg8[%dma_wait3A_262, %dma_wait3A_268] : memref<32x80xi32, #tpu.memory_space<vmem>> -> memref<1x80xi32, #tpu.memory_space<vmem>>
    %dma_wait3A_270 = tpu.memref_squeeze %dma_wait3A_269 : memref<1x80xi32, #tpu.memory_space<vmem>> -> memref<80xi32, #tpu.memory_space<vmem>>
    %dma_wait3A_271 = arith.constant 0 : i32
    %dma_wait3A_272 = arith.constant 0 : i32
    %dma_wait3A_273 = tpu.memref_slice %arg4[%dma_wait3A_271, %dma_wait3A_272] : memref<10240x128xf32, #tpu.memory_space<hbm>> -> memref<10240x128xf32, #tpu.memory_space<hbm>>
    tpu.wait_indirect_dma semaphore(%arg11 : memref<!tpu.dma_semaphore, #tpu.memory_space<semaphore_mem>>) src(%dma_wait3A_273 : memref<10240x128xf32, #tpu.memory_space<hbm>>) dst(%dma_wait3A_267 : memref<80x128xf32, #tpu.memory_space<vmem>>)
    %dma_start3A_274 = arith.constant 0 : i32
    %dma_start3A_275 = arith.constant 28 : i32
    %dma_start3A_276 = arith.constant 0 : i32
    %dma_start3A_277 = arith.constant 0 : i32
    %dma_start3A_278 = tpu.memref_slice %arg9[%dma_start3A_274, %dma_start3A_276, %dma_start3A_277] : memref<4x80x128xf32, #tpu.memory_space<vmem>> -> memref<1x80x128xf32, #tpu.memory_space<vmem>>
    %dma_start3A_279 = tpu.memref_squeeze %dma_start3A_278 : memref<1x80x128xf32, #tpu.memory_space<vmem>> -> memref<80x128xf32, #tpu.memory_space<vmem>>
    %dma_start3A_280 = arith.constant 0 : i32
    %dma_start3A_281 = tpu.memref_slice %arg7[%dma_start3A_275, %dma_start3A_280] : memref<32x80xi32, #tpu.memory_space<vmem>> -> memref<1x80xi32, #tpu.memory_space<vmem>>
    %dma_start3A_282 = tpu.memref_squeeze %dma_start3A_281 : memref<1x80xi32, #tpu.memory_space<vmem>> -> memref<80xi32, #tpu.memory_space<vmem>>
    %dma_start3A_283 = arith.constant 0 : i32
    %dma_start3A_284 = arith.constant 0 : i32
    %dma_start3A_285 = tpu.memref_slice %arg10[%dma_start3A_283, %dma_start3A_284] : memref<10240x128xf32, #tpu.memory_space<vmem_shared>> -> memref<10240x128xf32, #tpu.memory_space<vmem_shared>>
    tpu.enqueue_indirect_dma source(%dma_start3A_279 : memref<80x128xf32, #tpu.memory_space<vmem>>) target(%dma_start3A_285 : memref<10240x128xf32, #tpu.memory_space<vmem_shared>>) offsets(%dma_start3A_282 : memref<80xi32, #tpu.memory_space<vmem>>) semaphore(%arg15 : memref<!tpu.dma_semaphore, #tpu.memory_space<semaphore_mem>>) {add = true}
    %dma_wait3A_286 = arith.constant 29 : i32
    %dma_wait3A_287 = arith.constant 1 : i32
    %dma_wait3A_288 = arith.constant 0 : i32
    %dma_wait3A_289 = arith.constant 0 : i32
    %dma_wait3A_290 = tpu.memref_slice %arg9[%dma_wait3A_287, %dma_wait3A_288, %dma_wait3A_289] : memref<4x80x128xf32, #tpu.memory_space<vmem>> -> memref<1x80x128xf32, #tpu.memory_space<vmem>>
    %dma_wait3A_291 = tpu.memref_squeeze %dma_wait3A_290 : memref<1x80x128xf32, #tpu.memory_space<vmem>> -> memref<80x128xf32, #tpu.memory_space<vmem>>
    %dma_wait3A_292 = arith.constant 0 : i32
    %dma_wait3A_293 = tpu.memref_slice %arg8[%dma_wait3A_286, %dma_wait3A_292] : memref<32x80xi32, #tpu.memory_space<vmem>> -> memref<1x80xi32, #tpu.memory_space<vmem>>
    %dma_wait3A_294 = tpu.memref_squeeze %dma_wait3A_293 : memref<1x80xi32, #tpu.memory_space<vmem>> -> memref<80xi32, #tpu.memory_space<vmem>>
    %dma_wait3A_295 = arith.constant 0 : i32
    %dma_wait3A_296 = arith.constant 0 : i32
    %dma_wait3A_297 = tpu.memref_slice %arg4[%dma_wait3A_295, %dma_wait3A_296] : memref<10240x128xf32, #tpu.memory_space<hbm>> -> memref<10240x128xf32, #tpu.memory_space<hbm>>
    tpu.wait_indirect_dma semaphore(%arg12 : memref<!tpu.dma_semaphore, #tpu.memory_space<semaphore_mem>>) src(%dma_wait3A_297 : memref<10240x128xf32, #tpu.memory_space<hbm>>) dst(%dma_wait3A_291 : memref<80x128xf32, #tpu.memory_space<vmem>>)
    %dma_start3A_298 = arith.constant 1 : i32
    %dma_start3A_299 = arith.constant 29 : i32
    %dma_start3A_300 = arith.constant 0 : i32
    %dma_start3A_301 = arith.constant 0 : i32
    %dma_start3A_302 = tpu.memref_slice %arg9[%dma_start3A_298, %dma_start3A_300, %dma_start3A_301] : memref<4x80x128xf32, #tpu.memory_space<vmem>> -> memref<1x80x128xf32, #tpu.memory_space<vmem>>
    %dma_start3A_303 = tpu.memref_squeeze %dma_start3A_302 : memref<1x80x128xf32, #tpu.memory_space<vmem>> -> memref<80x128xf32, #tpu.memory_space<vmem>>
    %dma_start3A_304 = arith.constant 0 : i32
    %dma_start3A_305 = tpu.memref_slice %arg7[%dma_start3A_299, %dma_start3A_304] : memref<32x80xi32, #tpu.memory_space<vmem>> -> memref<1x80xi32, #tpu.memory_space<vmem>>
    %dma_start3A_306 = tpu.memref_squeeze %dma_start3A_305 : memref<1x80xi32, #tpu.memory_space<vmem>> -> memref<80xi32, #tpu.memory_space<vmem>>
    %dma_start3A_307 = arith.constant 0 : i32
    %dma_start3A_308 = arith.constant 0 : i32
    %dma_start3A_309 = tpu.memref_slice %arg10[%dma_start3A_307, %dma_start3A_308] : memref<10240x128xf32, #tpu.memory_space<vmem_shared>> -> memref<10240x128xf32, #tpu.memory_space<vmem_shared>>
    tpu.enqueue_indirect_dma source(%dma_start3A_303 : memref<80x128xf32, #tpu.memory_space<vmem>>) target(%dma_start3A_309 : memref<10240x128xf32, #tpu.memory_space<vmem_shared>>) offsets(%dma_start3A_306 : memref<80xi32, #tpu.memory_space<vmem>>) semaphore(%arg16 : memref<!tpu.dma_semaphore, #tpu.memory_space<semaphore_mem>>) {add = true}
    %dma_wait3A_310 = arith.constant 30 : i32
    %dma_wait3A_311 = arith.constant 2 : i32
    %dma_wait3A_312 = arith.constant 0 : i32
    %dma_wait3A_313 = arith.constant 0 : i32
    %dma_wait3A_314 = tpu.memref_slice %arg9[%dma_wait3A_311, %dma_wait3A_312, %dma_wait3A_313] : memref<4x80x128xf32, #tpu.memory_space<vmem>> -> memref<1x80x128xf32, #tpu.memory_space<vmem>>
    %dma_wait3A_315 = tpu.memref_squeeze %dma_wait3A_314 : memref<1x80x128xf32, #tpu.memory_space<vmem>> -> memref<80x128xf32, #tpu.memory_space<vmem>>
    %dma_wait3A_316 = arith.constant 0 : i32
    %dma_wait3A_317 = tpu.memref_slice %arg8[%dma_wait3A_310, %dma_wait3A_316] : memref<32x80xi32, #tpu.memory_space<vmem>> -> memref<1x80xi32, #tpu.memory_space<vmem>>
    %dma_wait3A_318 = tpu.memref_squeeze %dma_wait3A_317 : memref<1x80xi32, #tpu.memory_space<vmem>> -> memref<80xi32, #tpu.memory_space<vmem>>
    %dma_wait3A_319 = arith.constant 0 : i32
    %dma_wait3A_320 = arith.constant 0 : i32
    %dma_wait3A_321 = tpu.memref_slice %arg4[%dma_wait3A_319, %dma_wait3A_320] : memref<10240x128xf32, #tpu.memory_space<hbm>> -> memref<10240x128xf32, #tpu.memory_space<hbm>>
    tpu.wait_indirect_dma semaphore(%arg13 : memref<!tpu.dma_semaphore, #tpu.memory_space<semaphore_mem>>) src(%dma_wait3A_321 : memref<10240x128xf32, #tpu.memory_space<hbm>>) dst(%dma_wait3A_315 : memref<80x128xf32, #tpu.memory_space<vmem>>)
    %dma_start3A_322 = arith.constant 2 : i32
    %dma_start3A_323 = arith.constant 30 : i32
    %dma_start3A_324 = arith.constant 0 : i32
    %dma_start3A_325 = arith.constant 0 : i32
    %dma_start3A_326 = tpu.memref_slice %arg9[%dma_start3A_322, %dma_start3A_324, %dma_start3A_325] : memref<4x80x128xf32, #tpu.memory_space<vmem>> -> memref<1x80x128xf32, #tpu.memory_space<vmem>>
    %dma_start3A_327 = tpu.memref_squeeze %dma_start3A_326 : memref<1x80x128xf32, #tpu.memory_space<vmem>> -> memref<80x128xf32, #tpu.memory_space<vmem>>
    %dma_start3A_328 = arith.constant 0 : i32
    %dma_start3A_329 = tpu.memref_slice %arg7[%dma_start3A_323, %dma_start3A_328] : memref<32x80xi32, #tpu.memory_space<vmem>> -> memref<1x80xi32, #tpu.memory_space<vmem>>
    %dma_start3A_330 = tpu.memref_squeeze %dma_start3A_329 : memref<1x80xi32, #tpu.memory_space<vmem>> -> memref<80xi32, #tpu.memory_space<vmem>>
    %dma_start3A_331 = arith.constant 0 : i32
    %dma_start3A_332 = arith.constant 0 : i32
    %dma_start3A_333 = tpu.memref_slice %arg10[%dma_start3A_331, %dma_start3A_332] : memref<10240x128xf32, #tpu.memory_space<vmem_shared>> -> memref<10240x128xf32, #tpu.memory_space<vmem_shared>>
    tpu.enqueue_indirect_dma source(%dma_start3A_327 : memref<80x128xf32, #tpu.memory_space<vmem>>) target(%dma_start3A_333 : memref<10240x128xf32, #tpu.memory_space<vmem_shared>>) offsets(%dma_start3A_330 : memref<80xi32, #tpu.memory_space<vmem>>) semaphore(%arg17 : memref<!tpu.dma_semaphore, #tpu.memory_space<semaphore_mem>>) {add = true}
    %dma_wait3A_334 = arith.constant 31 : i32
    %dma_wait3A_335 = arith.constant 3 : i32
    %dma_wait3A_336 = arith.constant 0 : i32
    %dma_wait3A_337 = arith.constant 0 : i32
    %dma_wait3A_338 = tpu.memref_slice %arg9[%dma_wait3A_335, %dma_wait3A_336, %dma_wait3A_337] : memref<4x80x128xf32, #tpu.memory_space<vmem>> -> memref<1x80x128xf32, #tpu.memory_space<vmem>>
    %dma_wait3A_339 = tpu.memref_squeeze %dma_wait3A_338 : memref<1x80x128xf32, #tpu.memory_space<vmem>> -> memref<80x128xf32, #tpu.memory_space<vmem>>
    %dma_wait3A_340 = arith.constant 0 : i32
    %dma_wait3A_341 = tpu.memref_slice %arg8[%dma_wait3A_334, %dma_wait3A_340] : memref<32x80xi32, #tpu.memory_space<vmem>> -> memref<1x80xi32, #tpu.memory_space<vmem>>
    %dma_wait3A_342 = tpu.memref_squeeze %dma_wait3A_341 : memref<1x80xi32, #tpu.memory_space<vmem>> -> memref<80xi32, #tpu.memory_space<vmem>>
    %dma_wait3A_343 = arith.constant 0 : i32
    %dma_wait3A_344 = arith.constant 0 : i32
    %dma_wait3A_345 = tpu.memref_slice %arg4[%dma_wait3A_343, %dma_wait3A_344] : memref<10240x128xf32, #tpu.memory_space<hbm>> -> memref<10240x128xf32, #tpu.memory_space<hbm>>
    tpu.wait_indirect_dma semaphore(%arg14 : memref<!tpu.dma_semaphore, #tpu.memory_space<semaphore_mem>>) src(%dma_wait3A_345 : memref<10240x128xf32, #tpu.memory_space<hbm>>) dst(%dma_wait3A_339 : memref<80x128xf32, #tpu.memory_space<vmem>>)
    %dma_start3A_346 = arith.constant 3 : i32
    %dma_start3A_347 = arith.constant 31 : i32
    %dma_start3A_348 = arith.constant 0 : i32
    %dma_start3A_349 = arith.constant 0 : i32
    %dma_start3A_350 = tpu.memref_slice %arg9[%dma_start3A_346, %dma_start3A_348, %dma_start3A_349] : memref<4x80x128xf32, #tpu.memory_space<vmem>> -> memref<1x80x128xf32, #tpu.memory_space<vmem>>
    %dma_start3A_351 = tpu.memref_squeeze %dma_start3A_350 : memref<1x80x128xf32, #tpu.memory_space<vmem>> -> memref<80x128xf32, #tpu.memory_space<vmem>>
    %dma_start3A_352 = arith.constant 0 : i32
    %dma_start3A_353 = tpu.memref_slice %arg7[%dma_start3A_347, %dma_start3A_352] : memref<32x80xi32, #tpu.memory_space<vmem>> -> memref<1x80xi32, #tpu.memory_space<vmem>>
    %dma_start3A_354 = tpu.memref_squeeze %dma_start3A_353 : memref<1x80xi32, #tpu.memory_space<vmem>> -> memref<80xi32, #tpu.memory_space<vmem>>
    %dma_start3A_355 = arith.constant 0 : i32
    %dma_start3A_356 = arith.constant 0 : i32
    %dma_start3A_357 = tpu.memref_slice %arg10[%dma_start3A_355, %dma_start3A_356] : memref<10240x128xf32, #tpu.memory_space<vmem_shared>> -> memref<10240x128xf32, #tpu.memory_space<vmem_shared>>
    tpu.enqueue_indirect_dma source(%dma_start3A_351 : memref<80x128xf32, #tpu.memory_space<vmem>>) target(%dma_start3A_357 : memref<10240x128xf32, #tpu.memory_space<vmem_shared>>) offsets(%dma_start3A_354 : memref<80xi32, #tpu.memory_space<vmem>>) semaphore(%arg18 : memref<!tpu.dma_semaphore, #tpu.memory_space<semaphore_mem>>) {add = true}
    %dma_wait3A_358 = arith.constant 0 : i32
    %dma_wait3A_359 = arith.constant 28 : i32
    %dma_wait3A_360 = arith.constant 0 : i32
    %dma_wait3A_361 = arith.constant 0 : i32
    %dma_wait3A_362 = tpu.memref_slice %arg9[%dma_wait3A_358, %dma_wait3A_360, %dma_wait3A_361] : memref<4x80x128xf32, #tpu.memory_space<vmem>> -> memref<1x80x128xf32, #tpu.memory_space<vmem>>
    %dma_wait3A_363 = tpu.memref_squeeze %dma_wait3A_362 : memref<1x80x128xf32, #tpu.memory_space<vmem>> -> memref<80x128xf32, #tpu.memory_space<vmem>>
    %dma_wait3A_364 = arith.constant 0 : i32
    %dma_wait3A_365 = tpu.memref_slice %arg7[%dma_wait3A_359, %dma_wait3A_364] : memref<32x80xi32, #tpu.memory_space<vmem>> -> memref<1x80xi32, #tpu.memory_space<vmem>>
    %dma_wait3A_366 = tpu.memref_squeeze %dma_wait3A_365 : memref<1x80xi32, #tpu.memory_space<vmem>> -> memref<80xi32, #tpu.memory_space<vmem>>
    %dma_wait3A_367 = arith.constant 0 : i32
    %dma_wait3A_368 = arith.constant 0 : i32
    %dma_wait3A_369 = tpu.memref_slice %arg10[%dma_wait3A_367, %dma_wait3A_368] : memref<10240x128xf32, #tpu.memory_space<vmem_shared>> -> memref<10240x128xf32, #tpu.memory_space<vmem_shared>>
    tpu.wait_indirect_dma semaphore(%arg15 : memref<!tpu.dma_semaphore, #tpu.memory_space<semaphore_mem>>) src(%dma_wait3A_363 : memref<80x128xf32, #tpu.memory_space<vmem>>) dst(%dma_wait3A_369 : memref<10240x128xf32, #tpu.memory_space<vmem_shared>>)
    %dma_wait3A_370 = arith.constant 1 : i32
    %dma_wait3A_371 = arith.constant 29 : i32
    %dma_wait3A_372 = arith.constant 0 : i32
    %dma_wait3A_373 = arith.constant 0 : i32
    %dma_wait3A_374 = tpu.memref_slice %arg9[%dma_wait3A_370, %dma_wait3A_372, %dma_wait3A_373] : memref<4x80x128xf32, #tpu.memory_space<vmem>> -> memref<1x80x128xf32, #tpu.memory_space<vmem>>
    %dma_wait3A_375 = tpu.memref_squeeze %dma_wait3A_374 : memref<1x80x128xf32, #tpu.memory_space<vmem>> -> memref<80x128xf32, #tpu.memory_space<vmem>>
    %dma_wait3A_376 = arith.constant 0 : i32
    %dma_wait3A_377 = tpu.memref_slice %arg7[%dma_wait3A_371, %dma_wait3A_376] : memref<32x80xi32, #tpu.memory_space<vmem>> -> memref<1x80xi32, #tpu.memory_space<vmem>>
    %dma_wait3A_378 = tpu.memref_squeeze %dma_wait3A_377 : memref<1x80xi32, #tpu.memory_space<vmem>> -> memref<80xi32, #tpu.memory_space<vmem>>
    %dma_wait3A_379 = arith.constant 0 : i32
    %dma_wait3A_380 = arith.constant 0 : i32
    %dma_wait3A_381 = tpu.memref_slice %arg10[%dma_wait3A_379, %dma_wait3A_380] : memref<10240x128xf32, #tpu.memory_space<vmem_shared>> -> memref<10240x128xf32, #tpu.memory_space<vmem_shared>>
    tpu.wait_indirect_dma semaphore(%arg16 : memref<!tpu.dma_semaphore, #tpu.memory_space<semaphore_mem>>) src(%dma_wait3A_375 : memref<80x128xf32, #tpu.memory_space<vmem>>) dst(%dma_wait3A_381 : memref<10240x128xf32, #tpu.memory_space<vmem_shared>>)
    %dma_wait3A_382 = arith.constant 2 : i32
    %dma_wait3A_383 = arith.constant 30 : i32
    %dma_wait3A_384 = arith.constant 0 : i32
    %dma_wait3A_385 = arith.constant 0 : i32
    %dma_wait3A_386 = tpu.memref_slice %arg9[%dma_wait3A_382, %dma_wait3A_384, %dma_wait3A_385] : memref<4x80x128xf32, #tpu.memory_space<vmem>> -> memref<1x80x128xf32, #tpu.memory_space<vmem>>
    %dma_wait3A_387 = tpu.memref_squeeze %dma_wait3A_386 : memref<1x80x128xf32, #tpu.memory_space<vmem>> -> memref<80x128xf32, #tpu.memory_space<vmem>>
    %dma_wait3A_388 = arith.constant 0 : i32
    %dma_wait3A_389 = tpu.memref_slice %arg7[%dma_wait3A_383, %dma_wait3A_388] : memref<32x80xi32, #tpu.memory_space<vmem>> -> memref<1x80xi32, #tpu.memory_space<vmem>>
    %dma_wait3A_390 = tpu.memref_squeeze %dma_wait3A_389 : memref<1x80xi32, #tpu.memory_space<vmem>> -> memref<80xi32, #tpu.memory_space<vmem>>
    %dma_wait3A_391 = arith.constant 0 : i32
    %dma_wait3A_392 = arith.constant 0 : i32
    %dma_wait3A_393 = tpu.memref_slice %arg10[%dma_wait3A_391, %dma_wait3A_392] : memref<10240x128xf32, #tpu.memory_space<vmem_shared>> -> memref<10240x128xf32, #tpu.memory_space<vmem_shared>>
    tpu.wait_indirect_dma semaphore(%arg17 : memref<!tpu.dma_semaphore, #tpu.memory_space<semaphore_mem>>) src(%dma_wait3A_387 : memref<80x128xf32, #tpu.memory_space<vmem>>) dst(%dma_wait3A_393 : memref<10240x128xf32, #tpu.memory_space<vmem_shared>>)
    %dma_wait3A_394 = arith.constant 3 : i32
    %dma_wait3A_395 = arith.constant 31 : i32
    %dma_wait3A_396 = arith.constant 0 : i32
    %dma_wait3A_397 = arith.constant 0 : i32
    %dma_wait3A_398 = tpu.memref_slice %arg9[%dma_wait3A_394, %dma_wait3A_396, %dma_wait3A_397] : memref<4x80x128xf32, #tpu.memory_space<vmem>> -> memref<1x80x128xf32, #tpu.memory_space<vmem>>
    %dma_wait3A_399 = tpu.memref_squeeze %dma_wait3A_398 : memref<1x80x128xf32, #tpu.memory_space<vmem>> -> memref<80x128xf32, #tpu.memory_space<vmem>>
    %dma_wait3A_400 = arith.constant 0 : i32
    %dma_wait3A_401 = tpu.memref_slice %arg7[%dma_wait3A_395, %dma_wait3A_400] : memref<32x80xi32, #tpu.memory_space<vmem>> -> memref<1x80xi32, #tpu.memory_space<vmem>>
    %dma_wait3A_402 = tpu.memref_squeeze %dma_wait3A_401 : memref<1x80xi32, #tpu.memory_space<vmem>> -> memref<80xi32, #tpu.memory_space<vmem>>
    %dma_wait3A_403 = arith.constant 0 : i32
    %dma_wait3A_404 = arith.constant 0 : i32
    %dma_wait3A_405 = tpu.memref_slice %arg10[%dma_wait3A_403, %dma_wait3A_404] : memref<10240x128xf32, #tpu.memory_space<vmem_shared>> -> memref<10240x128xf32, #tpu.memory_space<vmem_shared>>
    tpu.wait_indirect_dma semaphore(%arg18 : memref<!tpu.dma_semaphore, #tpu.memory_space<semaphore_mem>>) src(%dma_wait3A_399 : memref<80x128xf32, #tpu.memory_space<vmem>>) dst(%dma_wait3A_405 : memref<10240x128xf32, #tpu.memory_space<vmem_shared>>)
    %mul3A_406 = arith.constant 128 : i32
    %mul3A_407 = arith.muli %add3A, %mul3A_406 : i32
    %add3A_408 = arith.constant 64 : i32
    %add3A_409 = arith.addi %mul3A_407, %add3A_408 : i32
    "tpu.region"() ({
      %run_scoped3A = tpu.sem_alloc : memref<!tpu.dma_semaphore, #tpu.memory_space<semaphore_mem>>
      %dma_start3A_817 = arith.constant 0 : i32
      %dma_start3A_818 = tpu.memref_slice %arg2[%add3A_409, %dma_start3A_817] : memref<4096x80xi32, #tpu.memory_space<hbm>> -> memref<32x80xi32, #tpu.memory_space<hbm>>
      %dma_start3A_819 = arith.constant 0 : i32
      %dma_start3A_820 = tpu.memref_slice %arg2[%add3A_409, %dma_start3A_819] : memref<4096x80xi32, #tpu.memory_space<hbm>> -> memref<32x80xi32, #tpu.memory_space<hbm>>
      tpu.enqueue_dma source(%dma_start3A_820 : memref<32x80xi32, #tpu.memory_space<hbm>>) target(%arg7 : memref<32x80xi32, #tpu.memory_space<vmem>>) target_semaphore(%run_scoped3A : memref<!tpu.dma_semaphore, #tpu.memory_space<semaphore_mem>>)
      %dma_wait3A_821 = arith.constant 0 : i32
      %dma_wait3A_822 = tpu.memref_slice %arg2[%add3A_409, %dma_wait3A_821] : memref<4096x80xi32, #tpu.memory_space<hbm>> -> memref<32x80xi32, #tpu.memory_space<hbm>>
      %dma_wait3A_823 = arith.constant 0 : i32
      %dma_wait3A_824 = tpu.memref_slice %arg2[%add3A_409, %dma_wait3A_823] : memref<4096x80xi32, #tpu.memory_space<hbm>> -> memref<32x80xi32, #tpu.memory_space<hbm>>
      tpu.wait_dma2 semaphore(%run_scoped3A : memref<!tpu.dma_semaphore, #tpu.memory_space<semaphore_mem>>) src(%dma_wait3A_824 : memref<32x80xi32, #tpu.memory_space<hbm>>) dst(%arg7 : memref<32x80xi32, #tpu.memory_space<vmem>>)
      tpu.yield
    }) : () -> ()
    "tpu.region"() ({
      %run_scoped3A = tpu.sem_alloc : memref<!tpu.dma_semaphore, #tpu.memory_space<semaphore_mem>>
      %dma_start3A_817 = arith.constant 0 : i32
      %dma_start3A_818 = tpu.memref_slice %arg3[%add3A_409, %dma_start3A_817] : memref<4096x80xi32, #tpu.memory_space<hbm>> -> memref<32x80xi32, #tpu.memory_space<hbm>>
      %dma_start3A_819 = arith.constant 0 : i32
      %dma_start3A_820 = tpu.memref_slice %arg3[%add3A_409, %dma_start3A_819] : memref<4096x80xi32, #tpu.memory_space<hbm>> -> memref<32x80xi32, #tpu.memory_space<hbm>>
      tpu.enqueue_dma source(%dma_start3A_820 : memref<32x80xi32, #tpu.memory_space<hbm>>) target(%arg8 : memref<32x80xi32, #tpu.memory_space<vmem>>) target_semaphore(%run_scoped3A : memref<!tpu.dma_semaphore, #tpu.memory_space<semaphore_mem>>)
      %dma_wait3A_821 = arith.constant 0 : i32
      %dma_wait3A_822 = tpu.memref_slice %arg3[%add3A_409, %dma_wait3A_821] : memref<4096x80xi32, #tpu.memory_space<hbm>> -> memref<32x80xi32, #tpu.memory_space<hbm>>
      %dma_wait3A_823 = arith.constant 0 : i32
      %dma_wait3A_824 = tpu.memref_slice %arg3[%add3A_409, %dma_wait3A_823] : memref<4096x80xi32, #tpu.memory_space<hbm>> -> memref<32x80xi32, #tpu.memory_space<hbm>>
      tpu.wait_dma2 semaphore(%run_scoped3A : memref<!tpu.dma_semaphore, #tpu.memory_space<semaphore_mem>>) src(%dma_wait3A_824 : memref<32x80xi32, #tpu.memory_space<hbm>>) dst(%arg8 : memref<32x80xi32, #tpu.memory_space<vmem>>)
      tpu.yield
    }) : () -> ()
    %dma_start3A_410 = arith.constant 0 : i32
    %dma_start3A_411 = arith.constant 0 : i32
    %dma_start3A_412 = arith.constant 0 : i32
    %dma_start3A_413 = arith.constant 0 : i32
    %dma_start3A_414 = tpu.memref_slice %arg9[%dma_start3A_411, %dma_start3A_412, %dma_start3A_413] : memref<4x80x128xf32, #tpu.memory_space<vmem>> -> memref<1x80x128xf32, #tpu.memory_space<vmem>>
    %dma_start3A_415 = tpu.memref_squeeze %dma_start3A_414 : memref<1x80x128xf32, #tpu.memory_space<vmem>> -> memref<80x128xf32, #tpu.memory_space<vmem>>
    %dma_start3A_416 = arith.constant 0 : i32
    %dma_start3A_417 = tpu.memref_slice %arg8[%dma_start3A_410, %dma_start3A_416] : memref<32x80xi32, #tpu.memory_space<vmem>> -> memref<1x80xi32, #tpu.memory_space<vmem>>
    %dma_start3A_418 = tpu.memref_squeeze %dma_start3A_417 : memref<1x80xi32, #tpu.memory_space<vmem>> -> memref<80xi32, #tpu.memory_space<vmem>>
    %dma_start3A_419 = arith.constant 0 : i32
    %dma_start3A_420 = arith.constant 0 : i32
    %dma_start3A_421 = tpu.memref_slice %arg4[%dma_start3A_419, %dma_start3A_420] : memref<10240x128xf32, #tpu.memory_space<hbm>> -> memref<10240x128xf32, #tpu.memory_space<hbm>>
    tpu.enqueue_indirect_dma source(%dma_start3A_421 : memref<10240x128xf32, #tpu.memory_space<hbm>>) target(%dma_start3A_415 : memref<80x128xf32, #tpu.memory_space<vmem>>) offsets(%dma_start3A_418 : memref<80xi32, #tpu.memory_space<vmem>>) semaphore(%arg11 : memref<!tpu.dma_semaphore, #tpu.memory_space<semaphore_mem>>)
    %dma_start3A_422 = arith.constant 1 : i32
    %dma_start3A_423 = arith.constant 1 : i32
    %dma_start3A_424 = arith.constant 0 : i32
    %dma_start3A_425 = arith.constant 0 : i32
    %dma_start3A_426 = tpu.memref_slice %arg9[%dma_start3A_423, %dma_start3A_424, %dma_start3A_425] : memref<4x80x128xf32, #tpu.memory_space<vmem>> -> memref<1x80x128xf32, #tpu.memory_space<vmem>>
    %dma_start3A_427 = tpu.memref_squeeze %dma_start3A_426 : memref<1x80x128xf32, #tpu.memory_space<vmem>> -> memref<80x128xf32, #tpu.memory_space<vmem>>
    %dma_start3A_428 = arith.constant 0 : i32
    %dma_start3A_429 = tpu.memref_slice %arg8[%dma_start3A_422, %dma_start3A_428] : memref<32x80xi32, #tpu.memory_space<vmem>> -> memref<1x80xi32, #tpu.memory_space<vmem>>
    %dma_start3A_430 = tpu.memref_squeeze %dma_start3A_429 : memref<1x80xi32, #tpu.memory_space<vmem>> -> memref<80xi32, #tpu.memory_space<vmem>>
    %dma_start3A_431 = arith.constant 0 : i32
    %dma_start3A_432 = arith.constant 0 : i32
    %dma_start3A_433 = tpu.memref_slice %arg4[%dma_start3A_431, %dma_start3A_432] : memref<10240x128xf32, #tpu.memory_space<hbm>> -> memref<10240x128xf32, #tpu.memory_space<hbm>>
    tpu.enqueue_indirect_dma source(%dma_start3A_433 : memref<10240x128xf32, #tpu.memory_space<hbm>>) target(%dma_start3A_427 : memref<80x128xf32, #tpu.memory_space<vmem>>) offsets(%dma_start3A_430 : memref<80xi32, #tpu.memory_space<vmem>>) semaphore(%arg12 : memref<!tpu.dma_semaphore, #tpu.memory_space<semaphore_mem>>)
    %dma_start3A_434 = arith.constant 2 : i32
    %dma_start3A_435 = arith.constant 2 : i32
    %dma_start3A_436 = arith.constant 0 : i32
    %dma_start3A_437 = arith.constant 0 : i32
    %dma_start3A_438 = tpu.memref_slice %arg9[%dma_start3A_435, %dma_start3A_436, %dma_start3A_437] : memref<4x80x128xf32, #tpu.memory_space<vmem>> -> memref<1x80x128xf32, #tpu.memory_space<vmem>>
    %dma_start3A_439 = tpu.memref_squeeze %dma_start3A_438 : memref<1x80x128xf32, #tpu.memory_space<vmem>> -> memref<80x128xf32, #tpu.memory_space<vmem>>
    %dma_start3A_440 = arith.constant 0 : i32
    %dma_start3A_441 = tpu.memref_slice %arg8[%dma_start3A_434, %dma_start3A_440] : memref<32x80xi32, #tpu.memory_space<vmem>> -> memref<1x80xi32, #tpu.memory_space<vmem>>
    %dma_start3A_442 = tpu.memref_squeeze %dma_start3A_441 : memref<1x80xi32, #tpu.memory_space<vmem>> -> memref<80xi32, #tpu.memory_space<vmem>>
    %dma_start3A_443 = arith.constant 0 : i32
    %dma_start3A_444 = arith.constant 0 : i32
    %dma_start3A_445 = tpu.memref_slice %arg4[%dma_start3A_443, %dma_start3A_444] : memref<10240x128xf32, #tpu.memory_space<hbm>> -> memref<10240x128xf32, #tpu.memory_space<hbm>>
    tpu.enqueue_indirect_dma source(%dma_start3A_445 : memref<10240x128xf32, #tpu.memory_space<hbm>>) target(%dma_start3A_439 : memref<80x128xf32, #tpu.memory_space<vmem>>) offsets(%dma_start3A_442 : memref<80xi32, #tpu.memory_space<vmem>>) semaphore(%arg13 : memref<!tpu.dma_semaphore, #tpu.memory_space<semaphore_mem>>)
    %dma_start3A_446 = arith.constant 3 : i32
    %dma_start3A_447 = arith.constant 3 : i32
    %dma_start3A_448 = arith.constant 0 : i32
    %dma_start3A_449 = arith.constant 0 : i32
    %dma_start3A_450 = tpu.memref_slice %arg9[%dma_start3A_447, %dma_start3A_448, %dma_start3A_449] : memref<4x80x128xf32, #tpu.memory_space<vmem>> -> memref<1x80x128xf32, #tpu.memory_space<vmem>>
    %dma_start3A_451 = tpu.memref_squeeze %dma_start3A_450 : memref<1x80x128xf32, #tpu.memory_space<vmem>> -> memref<80x128xf32, #tpu.memory_space<vmem>>
    %dma_start3A_452 = arith.constant 0 : i32
    %dma_start3A_453 = tpu.memref_slice %arg8[%dma_start3A_446, %dma_start3A_452] : memref<32x80xi32, #tpu.memory_space<vmem>> -> memref<1x80xi32, #tpu.memory_space<vmem>>
    %dma_start3A_454 = tpu.memref_squeeze %dma_start3A_453 : memref<1x80xi32, #tpu.memory_space<vmem>> -> memref<80xi32, #tpu.memory_space<vmem>>
    %dma_start3A_455 = arith.constant 0 : i32
    %dma_start3A_456 = arith.constant 0 : i32
    %dma_start3A_457 = tpu.memref_slice %arg4[%dma_start3A_455, %dma_start3A_456] : memref<10240x128xf32, #tpu.memory_space<hbm>> -> memref<10240x128xf32, #tpu.memory_space<hbm>>
    tpu.enqueue_indirect_dma source(%dma_start3A_457 : memref<10240x128xf32, #tpu.memory_space<hbm>>) target(%dma_start3A_451 : memref<80x128xf32, #tpu.memory_space<vmem>>) offsets(%dma_start3A_454 : memref<80xi32, #tpu.memory_space<vmem>>) semaphore(%arg14 : memref<!tpu.dma_semaphore, #tpu.memory_space<semaphore_mem>>)
    %scan3A_458 = arith.constant 0 : i32
    %scan3A_459 = arith.constant 0 : i32
    %scan3A_460 = arith.constant 7 : i32
    %scan3A_461 = arith.addi %scan3A_459, %scan3A_460 : i32
    %scan3A_462 = arith.constant 1 : i32
    %scan3A_463 = scf.for %scan3A_817 = %scan3A_459 to %scan3A_461 step %scan3A_462 iter_args(%scan3A_818 = %scan3A_458) -> (i32)  : i32 {
      %mul3A_819 = arith.constant 4 : i32
      %mul3A_820 = arith.muli %scan3A_817, %mul3A_819 : i32
      %add3A_821 = arith.constant 0 : i32
      %add3A_822 = arith.addi %mul3A_820, %add3A_821 : i32
      %dma_wait3A_823 = arith.constant 0 : i32
      %dma_wait3A_824 = arith.constant 0 : i32
      %dma_wait3A_825 = arith.constant 0 : i32
      %dma_wait3A_826 = tpu.memref_slice %arg9[%dma_wait3A_823, %dma_wait3A_824, %dma_wait3A_825] : memref<4x80x128xf32, #tpu.memory_space<vmem>> -> memref<1x80x128xf32, #tpu.memory_space<vmem>>
      %dma_wait3A_827 = tpu.memref_squeeze %dma_wait3A_826 : memref<1x80x128xf32, #tpu.memory_space<vmem>> -> memref<80x128xf32, #tpu.memory_space<vmem>>
      %dma_wait3A_828 = arith.constant 0 : i32
      %dma_wait3A_829 = tpu.memref_slice %arg8[%add3A_822, %dma_wait3A_828] : memref<32x80xi32, #tpu.memory_space<vmem>> -> memref<1x80xi32, #tpu.memory_space<vmem>>
      %dma_wait3A_830 = tpu.memref_squeeze %dma_wait3A_829 : memref<1x80xi32, #tpu.memory_space<vmem>> -> memref<80xi32, #tpu.memory_space<vmem>>
      %dma_wait3A_831 = arith.constant 0 : i32
      %dma_wait3A_832 = arith.constant 0 : i32
      %dma_wait3A_833 = tpu.memref_slice %arg4[%dma_wait3A_831, %dma_wait3A_832] : memref<10240x128xf32, #tpu.memory_space<hbm>> -> memref<10240x128xf32, #tpu.memory_space<hbm>>
      tpu.wait_indirect_dma semaphore(%arg11 : memref<!tpu.dma_semaphore, #tpu.memory_space<semaphore_mem>>) src(%dma_wait3A_833 : memref<10240x128xf32, #tpu.memory_space<hbm>>) dst(%dma_wait3A_827 : memref<80x128xf32, #tpu.memory_space<vmem>>)
      %add3A_834 = arith.constant 0 : i32
      %add3A_835 = arith.addi %mul3A_820, %add3A_834 : i32
      %dma_start3A_836 = arith.constant 0 : i32
      %dma_start3A_837 = arith.constant 0 : i32
      %dma_start3A_838 = arith.constant 0 : i32
      %dma_start3A_839 = tpu.memref_slice %arg9[%dma_start3A_836, %dma_start3A_837, %dma_start3A_838] : memref<4x80x128xf32, #tpu.memory_space<vmem>> -> memref<1x80x128xf32, #tpu.memory_space<vmem>>
      %dma_start3A_840 = tpu.memref_squeeze %dma_start3A_839 : memref<1x80x128xf32, #tpu.memory_space<vmem>> -> memref<80x128xf32, #tpu.memory_space<vmem>>
      %dma_start3A_841 = arith.constant 0 : i32
      %dma_start3A_842 = tpu.memref_slice %arg7[%add3A_835, %dma_start3A_841] : memref<32x80xi32, #tpu.memory_space<vmem>> -> memref<1x80xi32, #tpu.memory_space<vmem>>
      %dma_start3A_843 = tpu.memref_squeeze %dma_start3A_842 : memref<1x80xi32, #tpu.memory_space<vmem>> -> memref<80xi32, #tpu.memory_space<vmem>>
      %dma_start3A_844 = arith.constant 0 : i32
      %dma_start3A_845 = arith.constant 0 : i32
      %dma_start3A_846 = tpu.memref_slice %arg10[%dma_start3A_844, %dma_start3A_845] : memref<10240x128xf32, #tpu.memory_space<vmem_shared>> -> memref<10240x128xf32, #tpu.memory_space<vmem_shared>>
      tpu.enqueue_indirect_dma source(%dma_start3A_840 : memref<80x128xf32, #tpu.memory_space<vmem>>) target(%dma_start3A_846 : memref<10240x128xf32, #tpu.memory_space<vmem_shared>>) offsets(%dma_start3A_843 : memref<80xi32, #tpu.memory_space<vmem>>) semaphore(%arg15 : memref<!tpu.dma_semaphore, #tpu.memory_space<semaphore_mem>>) {add = true}
      %add3A_847 = arith.constant 1 : i32
      %add3A_848 = arith.addi %mul3A_820, %add3A_847 : i32
      %dma_wait3A_849 = arith.constant 1 : i32
      %dma_wait3A_850 = arith.constant 0 : i32
      %dma_wait3A_851 = arith.constant 0 : i32
      %dma_wait3A_852 = tpu.memref_slice %arg9[%dma_wait3A_849, %dma_wait3A_850, %dma_wait3A_851] : memref<4x80x128xf32, #tpu.memory_space<vmem>> -> memref<1x80x128xf32, #tpu.memory_space<vmem>>
      %dma_wait3A_853 = tpu.memref_squeeze %dma_wait3A_852 : memref<1x80x128xf32, #tpu.memory_space<vmem>> -> memref<80x128xf32, #tpu.memory_space<vmem>>
      %dma_wait3A_854 = arith.constant 0 : i32
      %dma_wait3A_855 = tpu.memref_slice %arg8[%add3A_848, %dma_wait3A_854] : memref<32x80xi32, #tpu.memory_space<vmem>> -> memref<1x80xi32, #tpu.memory_space<vmem>>
      %dma_wait3A_856 = tpu.memref_squeeze %dma_wait3A_855 : memref<1x80xi32, #tpu.memory_space<vmem>> -> memref<80xi32, #tpu.memory_space<vmem>>
      %dma_wait3A_857 = arith.constant 0 : i32
      %dma_wait3A_858 = arith.constant 0 : i32
      %dma_wait3A_859 = tpu.memref_slice %arg4[%dma_wait3A_857, %dma_wait3A_858] : memref<10240x128xf32, #tpu.memory_space<hbm>> -> memref<10240x128xf32, #tpu.memory_space<hbm>>
      tpu.wait_indirect_dma semaphore(%arg12 : memref<!tpu.dma_semaphore, #tpu.memory_space<semaphore_mem>>) src(%dma_wait3A_859 : memref<10240x128xf32, #tpu.memory_space<hbm>>) dst(%dma_wait3A_853 : memref<80x128xf32, #tpu.memory_space<vmem>>)
      %add3A_860 = arith.constant 1 : i32
      %add3A_861 = arith.addi %mul3A_820, %add3A_860 : i32
      %dma_start3A_862 = arith.constant 1 : i32
      %dma_start3A_863 = arith.constant 0 : i32
      %dma_start3A_864 = arith.constant 0 : i32
      %dma_start3A_865 = tpu.memref_slice %arg9[%dma_start3A_862, %dma_start3A_863, %dma_start3A_864] : memref<4x80x128xf32, #tpu.memory_space<vmem>> -> memref<1x80x128xf32, #tpu.memory_space<vmem>>
      %dma_start3A_866 = tpu.memref_squeeze %dma_start3A_865 : memref<1x80x128xf32, #tpu.memory_space<vmem>> -> memref<80x128xf32, #tpu.memory_space<vmem>>
      %dma_start3A_867 = arith.constant 0 : i32
      %dma_start3A_868 = tpu.memref_slice %arg7[%add3A_861, %dma_start3A_867] : memref<32x80xi32, #tpu.memory_space<vmem>> -> memref<1x80xi32, #tpu.memory_space<vmem>>
      %dma_start3A_869 = tpu.memref_squeeze %dma_start3A_868 : memref<1x80xi32, #tpu.memory_space<vmem>> -> memref<80xi32, #tpu.memory_space<vmem>>
      %dma_start3A_870 = arith.constant 0 : i32
      %dma_start3A_871 = arith.constant 0 : i32
      %dma_start3A_872 = tpu.memref_slice %arg10[%dma_start3A_870, %dma_start3A_871] : memref<10240x128xf32, #tpu.memory_space<vmem_shared>> -> memref<10240x128xf32, #tpu.memory_space<vmem_shared>>
      tpu.enqueue_indirect_dma source(%dma_start3A_866 : memref<80x128xf32, #tpu.memory_space<vmem>>) target(%dma_start3A_872 : memref<10240x128xf32, #tpu.memory_space<vmem_shared>>) offsets(%dma_start3A_869 : memref<80xi32, #tpu.memory_space<vmem>>) semaphore(%arg16 : memref<!tpu.dma_semaphore, #tpu.memory_space<semaphore_mem>>) {add = true}
      %add3A_873 = arith.constant 2 : i32
      %add3A_874 = arith.addi %mul3A_820, %add3A_873 : i32
      %dma_wait3A_875 = arith.constant 2 : i32
      %dma_wait3A_876 = arith.constant 0 : i32
      %dma_wait3A_877 = arith.constant 0 : i32
      %dma_wait3A_878 = tpu.memref_slice %arg9[%dma_wait3A_875, %dma_wait3A_876, %dma_wait3A_877] : memref<4x80x128xf32, #tpu.memory_space<vmem>> -> memref<1x80x128xf32, #tpu.memory_space<vmem>>
      %dma_wait3A_879 = tpu.memref_squeeze %dma_wait3A_878 : memref<1x80x128xf32, #tpu.memory_space<vmem>> -> memref<80x128xf32, #tpu.memory_space<vmem>>
      %dma_wait3A_880 = arith.constant 0 : i32
      %dma_wait3A_881 = tpu.memref_slice %arg8[%add3A_874, %dma_wait3A_880] : memref<32x80xi32, #tpu.memory_space<vmem>> -> memref<1x80xi32, #tpu.memory_space<vmem>>
      %dma_wait3A_882 = tpu.memref_squeeze %dma_wait3A_881 : memref<1x80xi32, #tpu.memory_space<vmem>> -> memref<80xi32, #tpu.memory_space<vmem>>
      %dma_wait3A_883 = arith.constant 0 : i32
      %dma_wait3A_884 = arith.constant 0 : i32
      %dma_wait3A_885 = tpu.memref_slice %arg4[%dma_wait3A_883, %dma_wait3A_884] : memref<10240x128xf32, #tpu.memory_space<hbm>> -> memref<10240x128xf32, #tpu.memory_space<hbm>>
      tpu.wait_indirect_dma semaphore(%arg13 : memref<!tpu.dma_semaphore, #tpu.memory_space<semaphore_mem>>) src(%dma_wait3A_885 : memref<10240x128xf32, #tpu.memory_space<hbm>>) dst(%dma_wait3A_879 : memref<80x128xf32, #tpu.memory_space<vmem>>)
      %add3A_886 = arith.constant 2 : i32
      %add3A_887 = arith.addi %mul3A_820, %add3A_886 : i32
      %dma_start3A_888 = arith.constant 2 : i32
      %dma_start3A_889 = arith.constant 0 : i32
      %dma_start3A_890 = arith.constant 0 : i32
      %dma_start3A_891 = tpu.memref_slice %arg9[%dma_start3A_888, %dma_start3A_889, %dma_start3A_890] : memref<4x80x128xf32, #tpu.memory_space<vmem>> -> memref<1x80x128xf32, #tpu.memory_space<vmem>>
      %dma_start3A_892 = tpu.memref_squeeze %dma_start3A_891 : memref<1x80x128xf32, #tpu.memory_space<vmem>> -> memref<80x128xf32, #tpu.memory_space<vmem>>
      %dma_start3A_893 = arith.constant 0 : i32
      %dma_start3A_894 = tpu.memref_slice %arg7[%add3A_887, %dma_start3A_893] : memref<32x80xi32, #tpu.memory_space<vmem>> -> memref<1x80xi32, #tpu.memory_space<vmem>>
      %dma_start3A_895 = tpu.memref_squeeze %dma_start3A_894 : memref<1x80xi32, #tpu.memory_space<vmem>> -> memref<80xi32, #tpu.memory_space<vmem>>
      %dma_start3A_896 = arith.constant 0 : i32
      %dma_start3A_897 = arith.constant 0 : i32
      %dma_start3A_898 = tpu.memref_slice %arg10[%dma_start3A_896, %dma_start3A_897] : memref<10240x128xf32, #tpu.memory_space<vmem_shared>> -> memref<10240x128xf32, #tpu.memory_space<vmem_shared>>
      tpu.enqueue_indirect_dma source(%dma_start3A_892 : memref<80x128xf32, #tpu.memory_space<vmem>>) target(%dma_start3A_898 : memref<10240x128xf32, #tpu.memory_space<vmem_shared>>) offsets(%dma_start3A_895 : memref<80xi32, #tpu.memory_space<vmem>>) semaphore(%arg17 : memref<!tpu.dma_semaphore, #tpu.memory_space<semaphore_mem>>) {add = true}
      %add3A_899 = arith.constant 3 : i32
      %add3A_900 = arith.addi %mul3A_820, %add3A_899 : i32
      %dma_wait3A_901 = arith.constant 3 : i32
      %dma_wait3A_902 = arith.constant 0 : i32
      %dma_wait3A_903 = arith.constant 0 : i32
      %dma_wait3A_904 = tpu.memref_slice %arg9[%dma_wait3A_901, %dma_wait3A_902, %dma_wait3A_903] : memref<4x80x128xf32, #tpu.memory_space<vmem>> -> memref<1x80x128xf32, #tpu.memory_space<vmem>>
      %dma_wait3A_905 = tpu.memref_squeeze %dma_wait3A_904 : memref<1x80x128xf32, #tpu.memory_space<vmem>> -> memref<80x128xf32, #tpu.memory_space<vmem>>
      %dma_wait3A_906 = arith.constant 0 : i32
      %dma_wait3A_907 = tpu.memref_slice %arg8[%add3A_900, %dma_wait3A_906] : memref<32x80xi32, #tpu.memory_space<vmem>> -> memref<1x80xi32, #tpu.memory_space<vmem>>
      %dma_wait3A_908 = tpu.memref_squeeze %dma_wait3A_907 : memref<1x80xi32, #tpu.memory_space<vmem>> -> memref<80xi32, #tpu.memory_space<vmem>>
      %dma_wait3A_909 = arith.constant 0 : i32
      %dma_wait3A_910 = arith.constant 0 : i32
      %dma_wait3A_911 = tpu.memref_slice %arg4[%dma_wait3A_909, %dma_wait3A_910] : memref<10240x128xf32, #tpu.memory_space<hbm>> -> memref<10240x128xf32, #tpu.memory_space<hbm>>
      tpu.wait_indirect_dma semaphore(%arg14 : memref<!tpu.dma_semaphore, #tpu.memory_space<semaphore_mem>>) src(%dma_wait3A_911 : memref<10240x128xf32, #tpu.memory_space<hbm>>) dst(%dma_wait3A_905 : memref<80x128xf32, #tpu.memory_space<vmem>>)
      %add3A_912 = arith.constant 3 : i32
      %add3A_913 = arith.addi %mul3A_820, %add3A_912 : i32
      %dma_start3A_914 = arith.constant 3 : i32
      %dma_start3A_915 = arith.constant 0 : i32
      %dma_start3A_916 = arith.constant 0 : i32
      %dma_start3A_917 = tpu.memref_slice %arg9[%dma_start3A_914, %dma_start3A_915, %dma_start3A_916] : memref<4x80x128xf32, #tpu.memory_space<vmem>> -> memref<1x80x128xf32, #tpu.memory_space<vmem>>
      %dma_start3A_918 = tpu.memref_squeeze %dma_start3A_917 : memref<1x80x128xf32, #tpu.memory_space<vmem>> -> memref<80x128xf32, #tpu.memory_space<vmem>>
      %dma_start3A_919 = arith.constant 0 : i32
      %dma_start3A_920 = tpu.memref_slice %arg7[%add3A_913, %dma_start3A_919] : memref<32x80xi32, #tpu.memory_space<vmem>> -> memref<1x80xi32, #tpu.memory_space<vmem>>
      %dma_start3A_921 = tpu.memref_squeeze %dma_start3A_920 : memref<1x80xi32, #tpu.memory_space<vmem>> -> memref<80xi32, #tpu.memory_space<vmem>>
      %dma_start3A_922 = arith.constant 0 : i32
      %dma_start3A_923 = arith.constant 0 : i32
      %dma_start3A_924 = tpu.memref_slice %arg10[%dma_start3A_922, %dma_start3A_923] : memref<10240x128xf32, #tpu.memory_space<vmem_shared>> -> memref<10240x128xf32, #tpu.memory_space<vmem_shared>>
      tpu.enqueue_indirect_dma source(%dma_start3A_918 : memref<80x128xf32, #tpu.memory_space<vmem>>) target(%dma_start3A_924 : memref<10240x128xf32, #tpu.memory_space<vmem_shared>>) offsets(%dma_start3A_921 : memref<80xi32, #tpu.memory_space<vmem>>) semaphore(%arg18 : memref<!tpu.dma_semaphore, #tpu.memory_space<semaphore_mem>>) {add = true}
      %add3A_925 = arith.constant 0 : i32
      %add3A_926 = arith.addi %mul3A_820, %add3A_925 : i32
      %dma_wait3A_927 = arith.constant 0 : i32
      %dma_wait3A_928 = arith.constant 0 : i32
      %dma_wait3A_929 = arith.constant 0 : i32
      %dma_wait3A_930 = tpu.memref_slice %arg9[%dma_wait3A_927, %dma_wait3A_928, %dma_wait3A_929] : memref<4x80x128xf32, #tpu.memory_space<vmem>> -> memref<1x80x128xf32, #tpu.memory_space<vmem>>
      %dma_wait3A_931 = tpu.memref_squeeze %dma_wait3A_930 : memref<1x80x128xf32, #tpu.memory_space<vmem>> -> memref<80x128xf32, #tpu.memory_space<vmem>>
      %dma_wait3A_932 = arith.constant 0 : i32
      %dma_wait3A_933 = tpu.memref_slice %arg7[%add3A_926, %dma_wait3A_932] : memref<32x80xi32, #tpu.memory_space<vmem>> -> memref<1x80xi32, #tpu.memory_space<vmem>>
      %dma_wait3A_934 = tpu.memref_squeeze %dma_wait3A_933 : memref<1x80xi32, #tpu.memory_space<vmem>> -> memref<80xi32, #tpu.memory_space<vmem>>
      %dma_wait3A_935 = arith.constant 0 : i32
      %dma_wait3A_936 = arith.constant 0 : i32
      %dma_wait3A_937 = tpu.memref_slice %arg10[%dma_wait3A_935, %dma_wait3A_936] : memref<10240x128xf32, #tpu.memory_space<vmem_shared>> -> memref<10240x128xf32, #tpu.memory_space<vmem_shared>>
      tpu.wait_indirect_dma semaphore(%arg15 : memref<!tpu.dma_semaphore, #tpu.memory_space<semaphore_mem>>) src(%dma_wait3A_931 : memref<80x128xf32, #tpu.memory_space<vmem>>) dst(%dma_wait3A_937 : memref<10240x128xf32, #tpu.memory_space<vmem_shared>>)
      %add3A_938 = arith.constant 4 : i32
      %add3A_939 = arith.addi %mul3A_820, %add3A_938 : i32
      %add3A_940 = arith.constant 0 : i32
      %add3A_941 = arith.addi %add3A_939, %add3A_940 : i32
      %dma_start3A_942 = arith.constant 0 : i32
      %dma_start3A_943 = arith.constant 0 : i32
      %dma_start3A_944 = arith.constant 0 : i32
      %dma_start3A_945 = tpu.memref_slice %arg9[%dma_start3A_942, %dma_start3A_943, %dma_start3A_944] : memref<4x80x128xf32, #tpu.memory_space<vmem>> -> memref<1x80x128xf32, #tpu.memory_space<vmem>>
      %dma_start3A_946 = tpu.memref_squeeze %dma_start3A_945 : memref<1x80x128xf32, #tpu.memory_space<vmem>> -> memref<80x128xf32, #tpu.memory_space<vmem>>
      %dma_start3A_947 = arith.constant 0 : i32
      %dma_start3A_948 = tpu.memref_slice %arg8[%add3A_941, %dma_start3A_947] : memref<32x80xi32, #tpu.memory_space<vmem>> -> memref<1x80xi32, #tpu.memory_space<vmem>>
      %dma_start3A_949 = tpu.memref_squeeze %dma_start3A_948 : memref<1x80xi32, #tpu.memory_space<vmem>> -> memref<80xi32, #tpu.memory_space<vmem>>
      %dma_start3A_950 = arith.constant 0 : i32
      %dma_start3A_951 = arith.constant 0 : i32
      %dma_start3A_952 = tpu.memref_slice %arg4[%dma_start3A_950, %dma_start3A_951] : memref<10240x128xf32, #tpu.memory_space<hbm>> -> memref<10240x128xf32, #tpu.memory_space<hbm>>
      tpu.enqueue_indirect_dma source(%dma_start3A_952 : memref<10240x128xf32, #tpu.memory_space<hbm>>) target(%dma_start3A_946 : memref<80x128xf32, #tpu.memory_space<vmem>>) offsets(%dma_start3A_949 : memref<80xi32, #tpu.memory_space<vmem>>) semaphore(%arg11 : memref<!tpu.dma_semaphore, #tpu.memory_space<semaphore_mem>>)
      %add3A_953 = arith.constant 1 : i32
      %add3A_954 = arith.addi %mul3A_820, %add3A_953 : i32
      %dma_wait3A_955 = arith.constant 1 : i32
      %dma_wait3A_956 = arith.constant 0 : i32
      %dma_wait3A_957 = arith.constant 0 : i32
      %dma_wait3A_958 = tpu.memref_slice %arg9[%dma_wait3A_955, %dma_wait3A_956, %dma_wait3A_957] : memref<4x80x128xf32, #tpu.memory_space<vmem>> -> memref<1x80x128xf32, #tpu.memory_space<vmem>>
      %dma_wait3A_959 = tpu.memref_squeeze %dma_wait3A_958 : memref<1x80x128xf32, #tpu.memory_space<vmem>> -> memref<80x128xf32, #tpu.memory_space<vmem>>
      %dma_wait3A_960 = arith.constant 0 : i32
      %dma_wait3A_961 = tpu.memref_slice %arg7[%add3A_954, %dma_wait3A_960] : memref<32x80xi32, #tpu.memory_space<vmem>> -> memref<1x80xi32, #tpu.memory_space<vmem>>
      %dma_wait3A_962 = tpu.memref_squeeze %dma_wait3A_961 : memref<1x80xi32, #tpu.memory_space<vmem>> -> memref<80xi32, #tpu.memory_space<vmem>>
      %dma_wait3A_963 = arith.constant 0 : i32
      %dma_wait3A_964 = arith.constant 0 : i32
      %dma_wait3A_965 = tpu.memref_slice %arg10[%dma_wait3A_963, %dma_wait3A_964] : memref<10240x128xf32, #tpu.memory_space<vmem_shared>> -> memref<10240x128xf32, #tpu.memory_space<vmem_shared>>
      tpu.wait_indirect_dma semaphore(%arg16 : memref<!tpu.dma_semaphore, #tpu.memory_space<semaphore_mem>>) src(%dma_wait3A_959 : memref<80x128xf32, #tpu.memory_space<vmem>>) dst(%dma_wait3A_965 : memref<10240x128xf32, #tpu.memory_space<vmem_shared>>)
      %add3A_966 = arith.constant 4 : i32
      %add3A_967 = arith.addi %mul3A_820, %add3A_966 : i32
      %add3A_968 = arith.constant 1 : i32
      %add3A_969 = arith.addi %add3A_967, %add3A_968 : i32
      %dma_start3A_970 = arith.constant 1 : i32
      %dma_start3A_971 = arith.constant 0 : i32
      %dma_start3A_972 = arith.constant 0 : i32
      %dma_start3A_973 = tpu.memref_slice %arg9[%dma_start3A_970, %dma_start3A_971, %dma_start3A_972] : memref<4x80x128xf32, #tpu.memory_space<vmem>> -> memref<1x80x128xf32, #tpu.memory_space<vmem>>
      %dma_start3A_974 = tpu.memref_squeeze %dma_start3A_973 : memref<1x80x128xf32, #tpu.memory_space<vmem>> -> memref<80x128xf32, #tpu.memory_space<vmem>>
      %dma_start3A_975 = arith.constant 0 : i32
      %dma_start3A_976 = tpu.memref_slice %arg8[%add3A_969, %dma_start3A_975] : memref<32x80xi32, #tpu.memory_space<vmem>> -> memref<1x80xi32, #tpu.memory_space<vmem>>
      %dma_start3A_977 = tpu.memref_squeeze %dma_start3A_976 : memref<1x80xi32, #tpu.memory_space<vmem>> -> memref<80xi32, #tpu.memory_space<vmem>>
      %dma_start3A_978 = arith.constant 0 : i32
      %dma_start3A_979 = arith.constant 0 : i32
      %dma_start3A_980 = tpu.memref_slice %arg4[%dma_start3A_978, %dma_start3A_979] : memref<10240x128xf32, #tpu.memory_space<hbm>> -> memref<10240x128xf32, #tpu.memory_space<hbm>>
      tpu.enqueue_indirect_dma source(%dma_start3A_980 : memref<10240x128xf32, #tpu.memory_space<hbm>>) target(%dma_start3A_974 : memref<80x128xf32, #tpu.memory_space<vmem>>) offsets(%dma_start3A_977 : memref<80xi32, #tpu.memory_space<vmem>>) semaphore(%arg12 : memref<!tpu.dma_semaphore, #tpu.memory_space<semaphore_mem>>)
      %add3A_981 = arith.constant 2 : i32
      %add3A_982 = arith.addi %mul3A_820, %add3A_981 : i32
      %dma_wait3A_983 = arith.constant 2 : i32
      %dma_wait3A_984 = arith.constant 0 : i32
      %dma_wait3A_985 = arith.constant 0 : i32
      %dma_wait3A_986 = tpu.memref_slice %arg9[%dma_wait3A_983, %dma_wait3A_984, %dma_wait3A_985] : memref<4x80x128xf32, #tpu.memory_space<vmem>> -> memref<1x80x128xf32, #tpu.memory_space<vmem>>
      %dma_wait3A_987 = tpu.memref_squeeze %dma_wait3A_986 : memref<1x80x128xf32, #tpu.memory_space<vmem>> -> memref<80x128xf32, #tpu.memory_space<vmem>>
      %dma_wait3A_988 = arith.constant 0 : i32
      %dma_wait3A_989 = tpu.memref_slice %arg7[%add3A_982, %dma_wait3A_988] : memref<32x80xi32, #tpu.memory_space<vmem>> -> memref<1x80xi32, #tpu.memory_space<vmem>>
      %dma_wait3A_990 = tpu.memref_squeeze %dma_wait3A_989 : memref<1x80xi32, #tpu.memory_space<vmem>> -> memref<80xi32, #tpu.memory_space<vmem>>
      %dma_wait3A_991 = arith.constant 0 : i32
      %dma_wait3A_992 = arith.constant 0 : i32
      %dma_wait3A_993 = tpu.memref_slice %arg10[%dma_wait3A_991, %dma_wait3A_992] : memref<10240x128xf32, #tpu.memory_space<vmem_shared>> -> memref<10240x128xf32, #tpu.memory_space<vmem_shared>>
      tpu.wait_indirect_dma semaphore(%arg17 : memref<!tpu.dma_semaphore, #tpu.memory_space<semaphore_mem>>) src(%dma_wait3A_987 : memref<80x128xf32, #tpu.memory_space<vmem>>) dst(%dma_wait3A_993 : memref<10240x128xf32, #tpu.memory_space<vmem_shared>>)
      %add3A_994 = arith.constant 4 : i32
      %add3A_995 = arith.addi %mul3A_820, %add3A_994 : i32
      %add3A_996 = arith.constant 2 : i32
      %add3A_997 = arith.addi %add3A_995, %add3A_996 : i32
      %dma_start3A_998 = arith.constant 2 : i32
      %dma_start3A_999 = arith.constant 0 : i32
      %dma_start3A_1000 = arith.constant 0 : i32
      %dma_start3A_1001 = tpu.memref_slice %arg9[%dma_start3A_998, %dma_start3A_999, %dma_start3A_1000] : memref<4x80x128xf32, #tpu.memory_space<vmem>> -> memref<1x80x128xf32, #tpu.memory_space<vmem>>
      %dma_start3A_1002 = tpu.memref_squeeze %dma_start3A_1001 : memref<1x80x128xf32, #tpu.memory_space<vmem>> -> memref<80x128xf32, #tpu.memory_space<vmem>>
      %dma_start3A_1003 = arith.constant 0 : i32
      %dma_start3A_1004 = tpu.memref_slice %arg8[%add3A_997, %dma_start3A_1003] : memref<32x80xi32, #tpu.memory_space<vmem>> -> memref<1x80xi32, #tpu.memory_space<vmem>>
      %dma_start3A_1005 = tpu.memref_squeeze %dma_start3A_1004 : memref<1x80xi32, #tpu.memory_space<vmem>> -> memref<80xi32, #tpu.memory_space<vmem>>
      %dma_start3A_1006 = arith.constant 0 : i32
      %dma_start3A_1007 = arith.constant 0 : i32
      %dma_start3A_1008 = tpu.memref_slice %arg4[%dma_start3A_1006, %dma_start3A_1007] : memref<10240x128xf32, #tpu.memory_space<hbm>> -> memref<10240x128xf32, #tpu.memory_space<hbm>>
      tpu.enqueue_indirect_dma source(%dma_start3A_1008 : memref<10240x128xf32, #tpu.memory_space<hbm>>) target(%dma_start3A_1002 : memref<80x128xf32, #tpu.memory_space<vmem>>) offsets(%dma_start3A_1005 : memref<80xi32, #tpu.memory_space<vmem>>) semaphore(%arg13 : memref<!tpu.dma_semaphore, #tpu.memory_space<semaphore_mem>>)
      %add3A_1009 = arith.constant 3 : i32
      %add3A_1010 = arith.addi %mul3A_820, %add3A_1009 : i32
      %dma_wait3A_1011 = arith.constant 3 : i32
      %dma_wait3A_1012 = arith.constant 0 : i32
      %dma_wait3A_1013 = arith.constant 0 : i32
      %dma_wait3A_1014 = tpu.memref_slice %arg9[%dma_wait3A_1011, %dma_wait3A_1012, %dma_wait3A_1013] : memref<4x80x128xf32, #tpu.memory_space<vmem>> -> memref<1x80x128xf32, #tpu.memory_space<vmem>>
      %dma_wait3A_1015 = tpu.memref_squeeze %dma_wait3A_1014 : memref<1x80x128xf32, #tpu.memory_space<vmem>> -> memref<80x128xf32, #tpu.memory_space<vmem>>
      %dma_wait3A_1016 = arith.constant 0 : i32
      %dma_wait3A_1017 = tpu.memref_slice %arg7[%add3A_1010, %dma_wait3A_1016] : memref<32x80xi32, #tpu.memory_space<vmem>> -> memref<1x80xi32, #tpu.memory_space<vmem>>
      %dma_wait3A_1018 = tpu.memref_squeeze %dma_wait3A_1017 : memref<1x80xi32, #tpu.memory_space<vmem>> -> memref<80xi32, #tpu.memory_space<vmem>>
      %dma_wait3A_1019 = arith.constant 0 : i32
      %dma_wait3A_1020 = arith.constant 0 : i32
      %dma_wait3A_1021 = tpu.memref_slice %arg10[%dma_wait3A_1019, %dma_wait3A_1020] : memref<10240x128xf32, #tpu.memory_space<vmem_shared>> -> memref<10240x128xf32, #tpu.memory_space<vmem_shared>>
      tpu.wait_indirect_dma semaphore(%arg18 : memref<!tpu.dma_semaphore, #tpu.memory_space<semaphore_mem>>) src(%dma_wait3A_1015 : memref<80x128xf32, #tpu.memory_space<vmem>>) dst(%dma_wait3A_1021 : memref<10240x128xf32, #tpu.memory_space<vmem_shared>>)
      %add3A_1022 = arith.constant 4 : i32
      %add3A_1023 = arith.addi %mul3A_820, %add3A_1022 : i32
      %add3A_1024 = arith.constant 3 : i32
      %add3A_1025 = arith.addi %add3A_1023, %add3A_1024 : i32
      %dma_start3A_1026 = arith.constant 3 : i32
      %dma_start3A_1027 = arith.constant 0 : i32
      %dma_start3A_1028 = arith.constant 0 : i32
      %dma_start3A_1029 = tpu.memref_slice %arg9[%dma_start3A_1026, %dma_start3A_1027, %dma_start3A_1028] : memref<4x80x128xf32, #tpu.memory_space<vmem>> -> memref<1x80x128xf32, #tpu.memory_space<vmem>>
      %dma_start3A_1030 = tpu.memref_squeeze %dma_start3A_1029 : memref<1x80x128xf32, #tpu.memory_space<vmem>> -> memref<80x128xf32, #tpu.memory_space<vmem>>
      %dma_start3A_1031 = arith.constant 0 : i32
      %dma_start3A_1032 = tpu.memref_slice %arg8[%add3A_1025, %dma_start3A_1031] : memref<32x80xi32, #tpu.memory_space<vmem>> -> memref<1x80xi32, #tpu.memory_space<vmem>>
      %dma_start3A_1033 = tpu.memref_squeeze %dma_start3A_1032 : memref<1x80xi32, #tpu.memory_space<vmem>> -> memref<80xi32, #tpu.memory_space<vmem>>
      %dma_start3A_1034 = arith.constant 0 : i32
      %dma_start3A_1035 = arith.constant 0 : i32
      %dma_start3A_1036 = tpu.memref_slice %arg4[%dma_start3A_1034, %dma_start3A_1035] : memref<10240x128xf32, #tpu.memory_space<hbm>> -> memref<10240x128xf32, #tpu.memory_space<hbm>>
      tpu.enqueue_indirect_dma source(%dma_start3A_1036 : memref<10240x128xf32, #tpu.memory_space<hbm>>) target(%dma_start3A_1030 : memref<80x128xf32, #tpu.memory_space<vmem>>) offsets(%dma_start3A_1033 : memref<80xi32, #tpu.memory_space<vmem>>) semaphore(%arg14 : memref<!tpu.dma_semaphore, #tpu.memory_space<semaphore_mem>>)
      %scan3A_1037 = arith.constant 0 : i32
      scf.yield %scan3A_1037 : i32
    }
    %scan3A_464 = arith.constant 7 : i32
    %dma_wait3A_465 = arith.constant 28 : i32
    %dma_wait3A_466 = arith.constant 0 : i32
    %dma_wait3A_467 = arith.constant 0 : i32
    %dma_wait3A_468 = arith.constant 0 : i32
    %dma_wait3A_469 = tpu.memref_slice %arg9[%dma_wait3A_466, %dma_wait3A_467, %dma_wait3A_468] : memref<4x80x128xf32, #tpu.memory_space<vmem>> -> memref<1x80x128xf32, #tpu.memory_space<vmem>>
    %dma_wait3A_470 = tpu.memref_squeeze %dma_wait3A_469 : memref<1x80x128xf32, #tpu.memory_space<vmem>> -> memref<80x128xf32, #tpu.memory_space<vmem>>
    %dma_wait3A_471 = arith.constant 0 : i32
    %dma_wait3A_472 = tpu.memref_slice %arg8[%dma_wait3A_465, %dma_wait3A_471] : memref<32x80xi32, #tpu.memory_space<vmem>> -> memref<1x80xi32, #tpu.memory_space<vmem>>
    %dma_wait3A_473 = tpu.memref_squeeze %dma_wait3A_472 : memref<1x80xi32, #tpu.memory_space<vmem>> -> memref<80xi32, #tpu.memory_space<vmem>>
    %dma_wait3A_474 = arith.constant 0 : i32
    %dma_wait3A_475 = arith.constant 0 : i32
    %dma_wait3A_476 = tpu.memref_slice %arg4[%dma_wait3A_474, %dma_wait3A_475] : memref<10240x128xf32, #tpu.memory_space<hbm>> -> memref<10240x128xf32, #tpu.memory_space<hbm>>
    tpu.wait_indirect_dma semaphore(%arg11 : memref<!tpu.dma_semaphore, #tpu.memory_space<semaphore_mem>>) src(%dma_wait3A_476 : memref<10240x128xf32, #tpu.memory_space<hbm>>) dst(%dma_wait3A_470 : memref<80x128xf32, #tpu.memory_space<vmem>>)
    %dma_start3A_477 = arith.constant 0 : i32
    %dma_start3A_478 = arith.constant 28 : i32
    %dma_start3A_479 = arith.constant 0 : i32
    %dma_start3A_480 = arith.constant 0 : i32
    %dma_start3A_481 = tpu.memref_slice %arg9[%dma_start3A_477, %dma_start3A_479, %dma_start3A_480] : memref<4x80x128xf32, #tpu.memory_space<vmem>> -> memref<1x80x128xf32, #tpu.memory_space<vmem>>
    %dma_start3A_482 = tpu.memref_squeeze %dma_start3A_481 : memref<1x80x128xf32, #tpu.memory_space<vmem>> -> memref<80x128xf32, #tpu.memory_space<vmem>>
    %dma_start3A_483 = arith.constant 0 : i32
    %dma_start3A_484 = tpu.memref_slice %arg7[%dma_start3A_478, %dma_start3A_483] : memref<32x80xi32, #tpu.memory_space<vmem>> -> memref<1x80xi32, #tpu.memory_space<vmem>>
    %dma_start3A_485 = tpu.memref_squeeze %dma_start3A_484 : memref<1x80xi32, #tpu.memory_space<vmem>> -> memref<80xi32, #tpu.memory_space<vmem>>
    %dma_start3A_486 = arith.constant 0 : i32
    %dma_start3A_487 = arith.constant 0 : i32
    %dma_start3A_488 = tpu.memref_slice %arg10[%dma_start3A_486, %dma_start3A_487] : memref<10240x128xf32, #tpu.memory_space<vmem_shared>> -> memref<10240x128xf32, #tpu.memory_space<vmem_shared>>
    tpu.enqueue_indirect_dma source(%dma_start3A_482 : memref<80x128xf32, #tpu.memory_space<vmem>>) target(%dma_start3A_488 : memref<10240x128xf32, #tpu.memory_space<vmem_shared>>) offsets(%dma_start3A_485 : memref<80xi32, #tpu.memory_space<vmem>>) semaphore(%arg15 : memref<!tpu.dma_semaphore, #tpu.memory_space<semaphore_mem>>) {add = true}
    %dma_wait3A_489 = arith.constant 29 : i32
    %dma_wait3A_490 = arith.constant 1 : i32
    %dma_wait3A_491 = arith.constant 0 : i32
    %dma_wait3A_492 = arith.constant 0 : i32
    %dma_wait3A_493 = tpu.memref_slice %arg9[%dma_wait3A_490, %dma_wait3A_491, %dma_wait3A_492] : memref<4x80x128xf32, #tpu.memory_space<vmem>> -> memref<1x80x128xf32, #tpu.memory_space<vmem>>
    %dma_wait3A_494 = tpu.memref_squeeze %dma_wait3A_493 : memref<1x80x128xf32, #tpu.memory_space<vmem>> -> memref<80x128xf32, #tpu.memory_space<vmem>>
    %dma_wait3A_495 = arith.constant 0 : i32
    %dma_wait3A_496 = tpu.memref_slice %arg8[%dma_wait3A_489, %dma_wait3A_495] : memref<32x80xi32, #tpu.memory_space<vmem>> -> memref<1x80xi32, #tpu.memory_space<vmem>>
    %dma_wait3A_497 = tpu.memref_squeeze %dma_wait3A_496 : memref<1x80xi32, #tpu.memory_space<vmem>> -> memref<80xi32, #tpu.memory_space<vmem>>
    %dma_wait3A_498 = arith.constant 0 : i32
    %dma_wait3A_499 = arith.constant 0 : i32
    %dma_wait3A_500 = tpu.memref_slice %arg4[%dma_wait3A_498, %dma_wait3A_499] : memref<10240x128xf32, #tpu.memory_space<hbm>> -> memref<10240x128xf32, #tpu.memory_space<hbm>>
    tpu.wait_indirect_dma semaphore(%arg12 : memref<!tpu.dma_semaphore, #tpu.memory_space<semaphore_mem>>) src(%dma_wait3A_500 : memref<10240x128xf32, #tpu.memory_space<hbm>>) dst(%dma_wait3A_494 : memref<80x128xf32, #tpu.memory_space<vmem>>)
    %dma_start3A_501 = arith.constant 1 : i32
    %dma_start3A_502 = arith.constant 29 : i32
    %dma_start3A_503 = arith.constant 0 : i32
    %dma_start3A_504 = arith.constant 0 : i32
    %dma_start3A_505 = tpu.memref_slice %arg9[%dma_start3A_501, %dma_start3A_503, %dma_start3A_504] : memref<4x80x128xf32, #tpu.memory_space<vmem>> -> memref<1x80x128xf32, #tpu.memory_space<vmem>>
    %dma_start3A_506 = tpu.memref_squeeze %dma_start3A_505 : memref<1x80x128xf32, #tpu.memory_space<vmem>> -> memref<80x128xf32, #tpu.memory_space<vmem>>
    %dma_start3A_507 = arith.constant 0 : i32
    %dma_start3A_508 = tpu.memref_slice %arg7[%dma_start3A_502, %dma_start3A_507] : memref<32x80xi32, #tpu.memory_space<vmem>> -> memref<1x80xi32, #tpu.memory_space<vmem>>
    %dma_start3A_509 = tpu.memref_squeeze %dma_start3A_508 : memref<1x80xi32, #tpu.memory_space<vmem>> -> memref<80xi32, #tpu.memory_space<vmem>>
    %dma_start3A_510 = arith.constant 0 : i32
    %dma_start3A_511 = arith.constant 0 : i32
    %dma_start3A_512 = tpu.memref_slice %arg10[%dma_start3A_510, %dma_start3A_511] : memref<10240x128xf32, #tpu.memory_space<vmem_shared>> -> memref<10240x128xf32, #tpu.memory_space<vmem_shared>>
    tpu.enqueue_indirect_dma source(%dma_start3A_506 : memref<80x128xf32, #tpu.memory_space<vmem>>) target(%dma_start3A_512 : memref<10240x128xf32, #tpu.memory_space<vmem_shared>>) offsets(%dma_start3A_509 : memref<80xi32, #tpu.memory_space<vmem>>) semaphore(%arg16 : memref<!tpu.dma_semaphore, #tpu.memory_space<semaphore_mem>>) {add = true}
    %dma_wait3A_513 = arith.constant 30 : i32
    %dma_wait3A_514 = arith.constant 2 : i32
    %dma_wait3A_515 = arith.constant 0 : i32
    %dma_wait3A_516 = arith.constant 0 : i32
    %dma_wait3A_517 = tpu.memref_slice %arg9[%dma_wait3A_514, %dma_wait3A_515, %dma_wait3A_516] : memref<4x80x128xf32, #tpu.memory_space<vmem>> -> memref<1x80x128xf32, #tpu.memory_space<vmem>>
    %dma_wait3A_518 = tpu.memref_squeeze %dma_wait3A_517 : memref<1x80x128xf32, #tpu.memory_space<vmem>> -> memref<80x128xf32, #tpu.memory_space<vmem>>
    %dma_wait3A_519 = arith.constant 0 : i32
    %dma_wait3A_520 = tpu.memref_slice %arg8[%dma_wait3A_513, %dma_wait3A_519] : memref<32x80xi32, #tpu.memory_space<vmem>> -> memref<1x80xi32, #tpu.memory_space<vmem>>
    %dma_wait3A_521 = tpu.memref_squeeze %dma_wait3A_520 : memref<1x80xi32, #tpu.memory_space<vmem>> -> memref<80xi32, #tpu.memory_space<vmem>>
    %dma_wait3A_522 = arith.constant 0 : i32
    %dma_wait3A_523 = arith.constant 0 : i32
    %dma_wait3A_524 = tpu.memref_slice %arg4[%dma_wait3A_522, %dma_wait3A_523] : memref<10240x128xf32, #tpu.memory_space<hbm>> -> memref<10240x128xf32, #tpu.memory_space<hbm>>
    tpu.wait_indirect_dma semaphore(%arg13 : memref<!tpu.dma_semaphore, #tpu.memory_space<semaphore_mem>>) src(%dma_wait3A_524 : memref<10240x128xf32, #tpu.memory_space<hbm>>) dst(%dma_wait3A_518 : memref<80x128xf32, #tpu.memory_space<vmem>>)
    %dma_start3A_525 = arith.constant 2 : i32
    %dma_start3A_526 = arith.constant 30 : i32
    %dma_start3A_527 = arith.constant 0 : i32
    %dma_start3A_528 = arith.constant 0 : i32
    %dma_start3A_529 = tpu.memref_slice %arg9[%dma_start3A_525, %dma_start3A_527, %dma_start3A_528] : memref<4x80x128xf32, #tpu.memory_space<vmem>> -> memref<1x80x128xf32, #tpu.memory_space<vmem>>
    %dma_start3A_530 = tpu.memref_squeeze %dma_start3A_529 : memref<1x80x128xf32, #tpu.memory_space<vmem>> -> memref<80x128xf32, #tpu.memory_space<vmem>>
    %dma_start3A_531 = arith.constant 0 : i32
    %dma_start3A_532 = tpu.memref_slice %arg7[%dma_start3A_526, %dma_start3A_531] : memref<32x80xi32, #tpu.memory_space<vmem>> -> memref<1x80xi32, #tpu.memory_space<vmem>>
    %dma_start3A_533 = tpu.memref_squeeze %dma_start3A_532 : memref<1x80xi32, #tpu.memory_space<vmem>> -> memref<80xi32, #tpu.memory_space<vmem>>
    %dma_start3A_534 = arith.constant 0 : i32
    %dma_start3A_535 = arith.constant 0 : i32
    %dma_start3A_536 = tpu.memref_slice %arg10[%dma_start3A_534, %dma_start3A_535] : memref<10240x128xf32, #tpu.memory_space<vmem_shared>> -> memref<10240x128xf32, #tpu.memory_space<vmem_shared>>
    tpu.enqueue_indirect_dma source(%dma_start3A_530 : memref<80x128xf32, #tpu.memory_space<vmem>>) target(%dma_start3A_536 : memref<10240x128xf32, #tpu.memory_space<vmem_shared>>) offsets(%dma_start3A_533 : memref<80xi32, #tpu.memory_space<vmem>>) semaphore(%arg17 : memref<!tpu.dma_semaphore, #tpu.memory_space<semaphore_mem>>) {add = true}
    %dma_wait3A_537 = arith.constant 31 : i32
    %dma_wait3A_538 = arith.constant 3 : i32
    %dma_wait3A_539 = arith.constant 0 : i32
    %dma_wait3A_540 = arith.constant 0 : i32
    %dma_wait3A_541 = tpu.memref_slice %arg9[%dma_wait3A_538, %dma_wait3A_539, %dma_wait3A_540] : memref<4x80x128xf32, #tpu.memory_space<vmem>> -> memref<1x80x128xf32, #tpu.memory_space<vmem>>
    %dma_wait3A_542 = tpu.memref_squeeze %dma_wait3A_541 : memref<1x80x128xf32, #tpu.memory_space<vmem>> -> memref<80x128xf32, #tpu.memory_space<vmem>>
    %dma_wait3A_543 = arith.constant 0 : i32
    %dma_wait3A_544 = tpu.memref_slice %arg8[%dma_wait3A_537, %dma_wait3A_543] : memref<32x80xi32, #tpu.memory_space<vmem>> -> memref<1x80xi32, #tpu.memory_space<vmem>>
    %dma_wait3A_545 = tpu.memref_squeeze %dma_wait3A_544 : memref<1x80xi32, #tpu.memory_space<vmem>> -> memref<80xi32, #tpu.memory_space<vmem>>
    %dma_wait3A_546 = arith.constant 0 : i32
    %dma_wait3A_547 = arith.constant 0 : i32
    %dma_wait3A_548 = tpu.memref_slice %arg4[%dma_wait3A_546, %dma_wait3A_547] : memref<10240x128xf32, #tpu.memory_space<hbm>> -> memref<10240x128xf32, #tpu.memory_space<hbm>>
    tpu.wait_indirect_dma semaphore(%arg14 : memref<!tpu.dma_semaphore, #tpu.memory_space<semaphore_mem>>) src(%dma_wait3A_548 : memref<10240x128xf32, #tpu.memory_space<hbm>>) dst(%dma_wait3A_542 : memref<80x128xf32, #tpu.memory_space<vmem>>)
    %dma_start3A_549 = arith.constant 3 : i32
    %dma_start3A_550 = arith.constant 31 : i32
    %dma_start3A_551 = arith.constant 0 : i32
    %dma_start3A_552 = arith.constant 0 : i32
    %dma_start3A_553 = tpu.memref_slice %arg9[%dma_start3A_549, %dma_start3A_551, %dma_start3A_552] : memref<4x80x128xf32, #tpu.memory_space<vmem>> -> memref<1x80x128xf32, #tpu.memory_space<vmem>>
    %dma_start3A_554 = tpu.memref_squeeze %dma_start3A_553 : memref<1x80x128xf32, #tpu.memory_space<vmem>> -> memref<80x128xf32, #tpu.memory_space<vmem>>
    %dma_start3A_555 = arith.constant 0 : i32
    %dma_start3A_556 = tpu.memref_slice %arg7[%dma_start3A_550, %dma_start3A_555] : memref<32x80xi32, #tpu.memory_space<vmem>> -> memref<1x80xi32, #tpu.memory_space<vmem>>
    %dma_start3A_557 = tpu.memref_squeeze %dma_start3A_556 : memref<1x80xi32, #tpu.memory_space<vmem>> -> memref<80xi32, #tpu.memory_space<vmem>>
    %dma_start3A_558 = arith.constant 0 : i32
    %dma_start3A_559 = arith.constant 0 : i32
    %dma_start3A_560 = tpu.memref_slice %arg10[%dma_start3A_558, %dma_start3A_559] : memref<10240x128xf32, #tpu.memory_space<vmem_shared>> -> memref<10240x128xf32, #tpu.memory_space<vmem_shared>>
    tpu.enqueue_indirect_dma source(%dma_start3A_554 : memref<80x128xf32, #tpu.memory_space<vmem>>) target(%dma_start3A_560 : memref<10240x128xf32, #tpu.memory_space<vmem_shared>>) offsets(%dma_start3A_557 : memref<80xi32, #tpu.memory_space<vmem>>) semaphore(%arg18 : memref<!tpu.dma_semaphore, #tpu.memory_space<semaphore_mem>>) {add = true}
    %dma_wait3A_561 = arith.constant 0 : i32
    %dma_wait3A_562 = arith.constant 28 : i32
    %dma_wait3A_563 = arith.constant 0 : i32
    %dma_wait3A_564 = arith.constant 0 : i32
    %dma_wait3A_565 = tpu.memref_slice %arg9[%dma_wait3A_561, %dma_wait3A_563, %dma_wait3A_564] : memref<4x80x128xf32, #tpu.memory_space<vmem>> -> memref<1x80x128xf32, #tpu.memory_space<vmem>>
    %dma_wait3A_566 = tpu.memref_squeeze %dma_wait3A_565 : memref<1x80x128xf32, #tpu.memory_space<vmem>> -> memref<80x128xf32, #tpu.memory_space<vmem>>
    %dma_wait3A_567 = arith.constant 0 : i32
    %dma_wait3A_568 = tpu.memref_slice %arg7[%dma_wait3A_562, %dma_wait3A_567] : memref<32x80xi32, #tpu.memory_space<vmem>> -> memref<1x80xi32, #tpu.memory_space<vmem>>
    %dma_wait3A_569 = tpu.memref_squeeze %dma_wait3A_568 : memref<1x80xi32, #tpu.memory_space<vmem>> -> memref<80xi32, #tpu.memory_space<vmem>>
    %dma_wait3A_570 = arith.constant 0 : i32
    %dma_wait3A_571 = arith.constant 0 : i32
    %dma_wait3A_572 = tpu.memref_slice %arg10[%dma_wait3A_570, %dma_wait3A_571] : memref<10240x128xf32, #tpu.memory_space<vmem_shared>> -> memref<10240x128xf32, #tpu.memory_space<vmem_shared>>
    tpu.wait_indirect_dma semaphore(%arg15 : memref<!tpu.dma_semaphore, #tpu.memory_space<semaphore_mem>>) src(%dma_wait3A_566 : memref<80x128xf32, #tpu.memory_space<vmem>>) dst(%dma_wait3A_572 : memref<10240x128xf32, #tpu.memory_space<vmem_shared>>)
    %dma_wait3A_573 = arith.constant 1 : i32
    %dma_wait3A_574 = arith.constant 29 : i32
    %dma_wait3A_575 = arith.constant 0 : i32
    %dma_wait3A_576 = arith.constant 0 : i32
    %dma_wait3A_577 = tpu.memref_slice %arg9[%dma_wait3A_573, %dma_wait3A_575, %dma_wait3A_576] : memref<4x80x128xf32, #tpu.memory_space<vmem>> -> memref<1x80x128xf32, #tpu.memory_space<vmem>>
    %dma_wait3A_578 = tpu.memref_squeeze %dma_wait3A_577 : memref<1x80x128xf32, #tpu.memory_space<vmem>> -> memref<80x128xf32, #tpu.memory_space<vmem>>
    %dma_wait3A_579 = arith.constant 0 : i32
    %dma_wait3A_580 = tpu.memref_slice %arg7[%dma_wait3A_574, %dma_wait3A_579] : memref<32x80xi32, #tpu.memory_space<vmem>> -> memref<1x80xi32, #tpu.memory_space<vmem>>
    %dma_wait3A_581 = tpu.memref_squeeze %dma_wait3A_580 : memref<1x80xi32, #tpu.memory_space<vmem>> -> memref<80xi32, #tpu.memory_space<vmem>>
    %dma_wait3A_582 = arith.constant 0 : i32
    %dma_wait3A_583 = arith.constant 0 : i32
    %dma_wait3A_584 = tpu.memref_slice %arg10[%dma_wait3A_582, %dma_wait3A_583] : memref<10240x128xf32, #tpu.memory_space<vmem_shared>> -> memref<10240x128xf32, #tpu.memory_space<vmem_shared>>
    tpu.wait_indirect_dma semaphore(%arg16 : memref<!tpu.dma_semaphore, #tpu.memory_space<semaphore_mem>>) src(%dma_wait3A_578 : memref<80x128xf32, #tpu.memory_space<vmem>>) dst(%dma_wait3A_584 : memref<10240x128xf32, #tpu.memory_space<vmem_shared>>)
    %dma_wait3A_585 = arith.constant 2 : i32
    %dma_wait3A_586 = arith.constant 30 : i32
    %dma_wait3A_587 = arith.constant 0 : i32
    %dma_wait3A_588 = arith.constant 0 : i32
    %dma_wait3A_589 = tpu.memref_slice %arg9[%dma_wait3A_585, %dma_wait3A_587, %dma_wait3A_588] : memref<4x80x128xf32, #tpu.memory_space<vmem>> -> memref<1x80x128xf32, #tpu.memory_space<vmem>>
    %dma_wait3A_590 = tpu.memref_squeeze %dma_wait3A_589 : memref<1x80x128xf32, #tpu.memory_space<vmem>> -> memref<80x128xf32, #tpu.memory_space<vmem>>
    %dma_wait3A_591 = arith.constant 0 : i32
    %dma_wait3A_592 = tpu.memref_slice %arg7[%dma_wait3A_586, %dma_wait3A_591] : memref<32x80xi32, #tpu.memory_space<vmem>> -> memref<1x80xi32, #tpu.memory_space<vmem>>
    %dma_wait3A_593 = tpu.memref_squeeze %dma_wait3A_592 : memref<1x80xi32, #tpu.memory_space<vmem>> -> memref<80xi32, #tpu.memory_space<vmem>>
    %dma_wait3A_594 = arith.constant 0 : i32
    %dma_wait3A_595 = arith.constant 0 : i32
    %dma_wait3A_596 = tpu.memref_slice %arg10[%dma_wait3A_594, %dma_wait3A_595] : memref<10240x128xf32, #tpu.memory_space<vmem_shared>> -> memref<10240x128xf32, #tpu.memory_space<vmem_shared>>
    tpu.wait_indirect_dma semaphore(%arg17 : memref<!tpu.dma_semaphore, #tpu.memory_space<semaphore_mem>>) src(%dma_wait3A_590 : memref<80x128xf32, #tpu.memory_space<vmem>>) dst(%dma_wait3A_596 : memref<10240x128xf32, #tpu.memory_space<vmem_shared>>)
    %dma_wait3A_597 = arith.constant 3 : i32
    %dma_wait3A_598 = arith.constant 31 : i32
    %dma_wait3A_599 = arith.constant 0 : i32
    %dma_wait3A_600 = arith.constant 0 : i32
    %dma_wait3A_601 = tpu.memref_slice %arg9[%dma_wait3A_597, %dma_wait3A_599, %dma_wait3A_600] : memref<4x80x128xf32, #tpu.memory_space<vmem>> -> memref<1x80x128xf32, #tpu.memory_space<vmem>>
    %dma_wait3A_602 = tpu.memref_squeeze %dma_wait3A_601 : memref<1x80x128xf32, #tpu.memory_space<vmem>> -> memref<80x128xf32, #tpu.memory_space<vmem>>
    %dma_wait3A_603 = arith.constant 0 : i32
    %dma_wait3A_604 = tpu.memref_slice %arg7[%dma_wait3A_598, %dma_wait3A_603] : memref<32x80xi32, #tpu.memory_space<vmem>> -> memref<1x80xi32, #tpu.memory_space<vmem>>
    %dma_wait3A_605 = tpu.memref_squeeze %dma_wait3A_604 : memref<1x80xi32, #tpu.memory_space<vmem>> -> memref<80xi32, #tpu.memory_space<vmem>>
    %dma_wait3A_606 = arith.constant 0 : i32
    %dma_wait3A_607 = arith.constant 0 : i32
    %dma_wait3A_608 = tpu.memref_slice %arg10[%dma_wait3A_606, %dma_wait3A_607] : memref<10240x128xf32, #tpu.memory_space<vmem_shared>> -> memref<10240x128xf32, #tpu.memory_space<vmem_shared>>
    tpu.wait_indirect_dma semaphore(%arg18 : memref<!tpu.dma_semaphore, #tpu.memory_space<semaphore_mem>>) src(%dma_wait3A_602 : memref<80x128xf32, #tpu.memory_space<vmem>>) dst(%dma_wait3A_608 : memref<10240x128xf32, #tpu.memory_space<vmem_shared>>)
    %mul3A_609 = arith.constant 128 : i32
    %mul3A_610 = arith.muli %add3A, %mul3A_609 : i32
    %add3A_611 = arith.constant 96 : i32
    %add3A_612 = arith.addi %mul3A_610, %add3A_611 : i32
    "tpu.region"() ({
      %run_scoped3A = tpu.sem_alloc : memref<!tpu.dma_semaphore, #tpu.memory_space<semaphore_mem>>
      %dma_start3A_817 = arith.constant 0 : i32
      %dma_start3A_818 = tpu.memref_slice %arg2[%add3A_612, %dma_start3A_817] : memref<4096x80xi32, #tpu.memory_space<hbm>> -> memref<32x80xi32, #tpu.memory_space<hbm>>
      %dma_start3A_819 = arith.constant 0 : i32
      %dma_start3A_820 = tpu.memref_slice %arg2[%add3A_612, %dma_start3A_819] : memref<4096x80xi32, #tpu.memory_space<hbm>> -> memref<32x80xi32, #tpu.memory_space<hbm>>
      tpu.enqueue_dma source(%dma_start3A_820 : memref<32x80xi32, #tpu.memory_space<hbm>>) target(%arg7 : memref<32x80xi32, #tpu.memory_space<vmem>>) target_semaphore(%run_scoped3A : memref<!tpu.dma_semaphore, #tpu.memory_space<semaphore_mem>>)
      %dma_wait3A_821 = arith.constant 0 : i32
      %dma_wait3A_822 = tpu.memref_slice %arg2[%add3A_612, %dma_wait3A_821] : memref<4096x80xi32, #tpu.memory_space<hbm>> -> memref<32x80xi32, #tpu.memory_space<hbm>>
      %dma_wait3A_823 = arith.constant 0 : i32
      %dma_wait3A_824 = tpu.memref_slice %arg2[%add3A_612, %dma_wait3A_823] : memref<4096x80xi32, #tpu.memory_space<hbm>> -> memref<32x80xi32, #tpu.memory_space<hbm>>
      tpu.wait_dma2 semaphore(%run_scoped3A : memref<!tpu.dma_semaphore, #tpu.memory_space<semaphore_mem>>) src(%dma_wait3A_824 : memref<32x80xi32, #tpu.memory_space<hbm>>) dst(%arg7 : memref<32x80xi32, #tpu.memory_space<vmem>>)
      tpu.yield
    }) : () -> ()
    "tpu.region"() ({
      %run_scoped3A = tpu.sem_alloc : memref<!tpu.dma_semaphore, #tpu.memory_space<semaphore_mem>>
      %dma_start3A_817 = arith.constant 0 : i32
      %dma_start3A_818 = tpu.memref_slice %arg3[%add3A_612, %dma_start3A_817] : memref<4096x80xi32, #tpu.memory_space<hbm>> -> memref<32x80xi32, #tpu.memory_space<hbm>>
      %dma_start3A_819 = arith.constant 0 : i32
      %dma_start3A_820 = tpu.memref_slice %arg3[%add3A_612, %dma_start3A_819] : memref<4096x80xi32, #tpu.memory_space<hbm>> -> memref<32x80xi32, #tpu.memory_space<hbm>>
      tpu.enqueue_dma source(%dma_start3A_820 : memref<32x80xi32, #tpu.memory_space<hbm>>) target(%arg8 : memref<32x80xi32, #tpu.memory_space<vmem>>) target_semaphore(%run_scoped3A : memref<!tpu.dma_semaphore, #tpu.memory_space<semaphore_mem>>)
      %dma_wait3A_821 = arith.constant 0 : i32
      %dma_wait3A_822 = tpu.memref_slice %arg3[%add3A_612, %dma_wait3A_821] : memref<4096x80xi32, #tpu.memory_space<hbm>> -> memref<32x80xi32, #tpu.memory_space<hbm>>
      %dma_wait3A_823 = arith.constant 0 : i32
      %dma_wait3A_824 = tpu.memref_slice %arg3[%add3A_612, %dma_wait3A_823] : memref<4096x80xi32, #tpu.memory_space<hbm>> -> memref<32x80xi32, #tpu.memory_space<hbm>>
      tpu.wait_dma2 semaphore(%run_scoped3A : memref<!tpu.dma_semaphore, #tpu.memory_space<semaphore_mem>>) src(%dma_wait3A_824 : memref<32x80xi32, #tpu.memory_space<hbm>>) dst(%arg8 : memref<32x80xi32, #tpu.memory_space<vmem>>)
      tpu.yield
    }) : () -> ()
    %dma_start3A_613 = arith.constant 0 : i32
    %dma_start3A_614 = arith.constant 0 : i32
    %dma_start3A_615 = arith.constant 0 : i32
    %dma_start3A_616 = arith.constant 0 : i32
    %dma_start3A_617 = tpu.memref_slice %arg9[%dma_start3A_614, %dma_start3A_615, %dma_start3A_616] : memref<4x80x128xf32, #tpu.memory_space<vmem>> -> memref<1x80x128xf32, #tpu.memory_space<vmem>>
    %dma_start3A_618 = tpu.memref_squeeze %dma_start3A_617 : memref<1x80x128xf32, #tpu.memory_space<vmem>> -> memref<80x128xf32, #tpu.memory_space<vmem>>
    %dma_start3A_619 = arith.constant 0 : i32
    %dma_start3A_620 = tpu.memref_slice %arg8[%dma_start3A_613, %dma_start3A_619] : memref<32x80xi32, #tpu.memory_space<vmem>> -> memref<1x80xi32, #tpu.memory_space<vmem>>
    %dma_start3A_621 = tpu.memref_squeeze %dma_start3A_620 : memref<1x80xi32, #tpu.memory_space<vmem>> -> memref<80xi32, #tpu.memory_space<vmem>>
    %dma_start3A_622 = arith.constant 0 : i32
    %dma_start3A_623 = arith.constant 0 : i32
    %dma_start3A_624 = tpu.memref_slice %arg4[%dma_start3A_622, %dma_start3A_623] : memref<10240x128xf32, #tpu.memory_space<hbm>> -> memref<10240x128xf32, #tpu.memory_space<hbm>>
    tpu.enqueue_indirect_dma source(%dma_start3A_624 : memref<10240x128xf32, #tpu.memory_space<hbm>>) target(%dma_start3A_618 : memref<80x128xf32, #tpu.memory_space<vmem>>) offsets(%dma_start3A_621 : memref<80xi32, #tpu.memory_space<vmem>>) semaphore(%arg11 : memref<!tpu.dma_semaphore, #tpu.memory_space<semaphore_mem>>)
    %dma_start3A_625 = arith.constant 1 : i32
    %dma_start3A_626 = arith.constant 1 : i32
    %dma_start3A_627 = arith.constant 0 : i32
    %dma_start3A_628 = arith.constant 0 : i32
    %dma_start3A_629 = tpu.memref_slice %arg9[%dma_start3A_626, %dma_start3A_627, %dma_start3A_628] : memref<4x80x128xf32, #tpu.memory_space<vmem>> -> memref<1x80x128xf32, #tpu.memory_space<vmem>>
    %dma_start3A_630 = tpu.memref_squeeze %dma_start3A_629 : memref<1x80x128xf32, #tpu.memory_space<vmem>> -> memref<80x128xf32, #tpu.memory_space<vmem>>
    %dma_start3A_631 = arith.constant 0 : i32
    %dma_start3A_632 = tpu.memref_slice %arg8[%dma_start3A_625, %dma_start3A_631] : memref<32x80xi32, #tpu.memory_space<vmem>> -> memref<1x80xi32, #tpu.memory_space<vmem>>
    %dma_start3A_633 = tpu.memref_squeeze %dma_start3A_632 : memref<1x80xi32, #tpu.memory_space<vmem>> -> memref<80xi32, #tpu.memory_space<vmem>>
    %dma_start3A_634 = arith.constant 0 : i32
    %dma_start3A_635 = arith.constant 0 : i32
    %dma_start3A_636 = tpu.memref_slice %arg4[%dma_start3A_634, %dma_start3A_635] : memref<10240x128xf32, #tpu.memory_space<hbm>> -> memref<10240x128xf32, #tpu.memory_space<hbm>>
    tpu.enqueue_indirect_dma source(%dma_start3A_636 : memref<10240x128xf32, #tpu.memory_space<hbm>>) target(%dma_start3A_630 : memref<80x128xf32, #tpu.memory_space<vmem>>) offsets(%dma_start3A_633 : memref<80xi32, #tpu.memory_space<vmem>>) semaphore(%arg12 : memref<!tpu.dma_semaphore, #tpu.memory_space<semaphore_mem>>)
    %dma_start3A_637 = arith.constant 2 : i32
    %dma_start3A_638 = arith.constant 2 : i32
    %dma_start3A_639 = arith.constant 0 : i32
    %dma_start3A_640 = arith.constant 0 : i32
    %dma_start3A_641 = tpu.memref_slice %arg9[%dma_start3A_638, %dma_start3A_639, %dma_start3A_640] : memref<4x80x128xf32, #tpu.memory_space<vmem>> -> memref<1x80x128xf32, #tpu.memory_space<vmem>>
    %dma_start3A_642 = tpu.memref_squeeze %dma_start3A_641 : memref<1x80x128xf32, #tpu.memory_space<vmem>> -> memref<80x128xf32, #tpu.memory_space<vmem>>
    %dma_start3A_643 = arith.constant 0 : i32
    %dma_start3A_644 = tpu.memref_slice %arg8[%dma_start3A_637, %dma_start3A_643] : memref<32x80xi32, #tpu.memory_space<vmem>> -> memref<1x80xi32, #tpu.memory_space<vmem>>
    %dma_start3A_645 = tpu.memref_squeeze %dma_start3A_644 : memref<1x80xi32, #tpu.memory_space<vmem>> -> memref<80xi32, #tpu.memory_space<vmem>>
    %dma_start3A_646 = arith.constant 0 : i32
    %dma_start3A_647 = arith.constant 0 : i32
    %dma_start3A_648 = tpu.memref_slice %arg4[%dma_start3A_646, %dma_start3A_647] : memref<10240x128xf32, #tpu.memory_space<hbm>> -> memref<10240x128xf32, #tpu.memory_space<hbm>>
    tpu.enqueue_indirect_dma source(%dma_start3A_648 : memref<10240x128xf32, #tpu.memory_space<hbm>>) target(%dma_start3A_642 : memref<80x128xf32, #tpu.memory_space<vmem>>) offsets(%dma_start3A_645 : memref<80xi32, #tpu.memory_space<vmem>>) semaphore(%arg13 : memref<!tpu.dma_semaphore, #tpu.memory_space<semaphore_mem>>)
    %dma_start3A_649 = arith.constant 3 : i32
    %dma_start3A_650 = arith.constant 3 : i32
    %dma_start3A_651 = arith.constant 0 : i32
    %dma_start3A_652 = arith.constant 0 : i32
    %dma_start3A_653 = tpu.memref_slice %arg9[%dma_start3A_650, %dma_start3A_651, %dma_start3A_652] : memref<4x80x128xf32, #tpu.memory_space<vmem>> -> memref<1x80x128xf32, #tpu.memory_space<vmem>>
    %dma_start3A_654 = tpu.memref_squeeze %dma_start3A_653 : memref<1x80x128xf32, #tpu.memory_space<vmem>> -> memref<80x128xf32, #tpu.memory_space<vmem>>
    %dma_start3A_655 = arith.constant 0 : i32
    %dma_start3A_656 = tpu.memref_slice %arg8[%dma_start3A_649, %dma_start3A_655] : memref<32x80xi32, #tpu.memory_space<vmem>> -> memref<1x80xi32, #tpu.memory_space<vmem>>
    %dma_start3A_657 = tpu.memref_squeeze %dma_start3A_656 : memref<1x80xi32, #tpu.memory_space<vmem>> -> memref<80xi32, #tpu.memory_space<vmem>>
    %dma_start3A_658 = arith.constant 0 : i32
    %dma_start3A_659 = arith.constant 0 : i32
    %dma_start3A_660 = tpu.memref_slice %arg4[%dma_start3A_658, %dma_start3A_659] : memref<10240x128xf32, #tpu.memory_space<hbm>> -> memref<10240x128xf32, #tpu.memory_space<hbm>>
    tpu.enqueue_indirect_dma source(%dma_start3A_660 : memref<10240x128xf32, #tpu.memory_space<hbm>>) target(%dma_start3A_654 : memref<80x128xf32, #tpu.memory_space<vmem>>) offsets(%dma_start3A_657 : memref<80xi32, #tpu.memory_space<vmem>>) semaphore(%arg14 : memref<!tpu.dma_semaphore, #tpu.memory_space<semaphore_mem>>)
    %scan3A_661 = arith.constant 0 : i32
    %scan3A_662 = arith.constant 0 : i32
    %scan3A_663 = arith.constant 7 : i32
    %scan3A_664 = arith.addi %scan3A_662, %scan3A_663 : i32
    %scan3A_665 = arith.constant 1 : i32
    %scan3A_666 = scf.for %scan3A_817 = %scan3A_662 to %scan3A_664 step %scan3A_665 iter_args(%scan3A_818 = %scan3A_661) -> (i32)  : i32 {
      %mul3A_819 = arith.constant 4 : i32
      %mul3A_820 = arith.muli %scan3A_817, %mul3A_819 : i32
      %add3A_821 = arith.constant 0 : i32
      %add3A_822 = arith.addi %mul3A_820, %add3A_821 : i32
      %dma_wait3A_823 = arith.constant 0 : i32
      %dma_wait3A_824 = arith.constant 0 : i32
      %dma_wait3A_825 = arith.constant 0 : i32
      %dma_wait3A_826 = tpu.memref_slice %arg9[%dma_wait3A_823, %dma_wait3A_824, %dma_wait3A_825] : memref<4x80x128xf32, #tpu.memory_space<vmem>> -> memref<1x80x128xf32, #tpu.memory_space<vmem>>
      %dma_wait3A_827 = tpu.memref_squeeze %dma_wait3A_826 : memref<1x80x128xf32, #tpu.memory_space<vmem>> -> memref<80x128xf32, #tpu.memory_space<vmem>>
      %dma_wait3A_828 = arith.constant 0 : i32
      %dma_wait3A_829 = tpu.memref_slice %arg8[%add3A_822, %dma_wait3A_828] : memref<32x80xi32, #tpu.memory_space<vmem>> -> memref<1x80xi32, #tpu.memory_space<vmem>>
      %dma_wait3A_830 = tpu.memref_squeeze %dma_wait3A_829 : memref<1x80xi32, #tpu.memory_space<vmem>> -> memref<80xi32, #tpu.memory_space<vmem>>
      %dma_wait3A_831 = arith.constant 0 : i32
      %dma_wait3A_832 = arith.constant 0 : i32
      %dma_wait3A_833 = tpu.memref_slice %arg4[%dma_wait3A_831, %dma_wait3A_832] : memref<10240x128xf32, #tpu.memory_space<hbm>> -> memref<10240x128xf32, #tpu.memory_space<hbm>>
      tpu.wait_indirect_dma semaphore(%arg11 : memref<!tpu.dma_semaphore, #tpu.memory_space<semaphore_mem>>) src(%dma_wait3A_833 : memref<10240x128xf32, #tpu.memory_space<hbm>>) dst(%dma_wait3A_827 : memref<80x128xf32, #tpu.memory_space<vmem>>)
      %add3A_834 = arith.constant 0 : i32
      %add3A_835 = arith.addi %mul3A_820, %add3A_834 : i32
      %dma_start3A_836 = arith.constant 0 : i32
      %dma_start3A_837 = arith.constant 0 : i32
      %dma_start3A_838 = arith.constant 0 : i32
      %dma_start3A_839 = tpu.memref_slice %arg9[%dma_start3A_836, %dma_start3A_837, %dma_start3A_838] : memref<4x80x128xf32, #tpu.memory_space<vmem>> -> memref<1x80x128xf32, #tpu.memory_space<vmem>>
      %dma_start3A_840 = tpu.memref_squeeze %dma_start3A_839 : memref<1x80x128xf32, #tpu.memory_space<vmem>> -> memref<80x128xf32, #tpu.memory_space<vmem>>
      %dma_start3A_841 = arith.constant 0 : i32
      %dma_start3A_842 = tpu.memref_slice %arg7[%add3A_835, %dma_start3A_841] : memref<32x80xi32, #tpu.memory_space<vmem>> -> memref<1x80xi32, #tpu.memory_space<vmem>>
      %dma_start3A_843 = tpu.memref_squeeze %dma_start3A_842 : memref<1x80xi32, #tpu.memory_space<vmem>> -> memref<80xi32, #tpu.memory_space<vmem>>
      %dma_start3A_844 = arith.constant 0 : i32
      %dma_start3A_845 = arith.constant 0 : i32
      %dma_start3A_846 = tpu.memref_slice %arg10[%dma_start3A_844, %dma_start3A_845] : memref<10240x128xf32, #tpu.memory_space<vmem_shared>> -> memref<10240x128xf32, #tpu.memory_space<vmem_shared>>
      tpu.enqueue_indirect_dma source(%dma_start3A_840 : memref<80x128xf32, #tpu.memory_space<vmem>>) target(%dma_start3A_846 : memref<10240x128xf32, #tpu.memory_space<vmem_shared>>) offsets(%dma_start3A_843 : memref<80xi32, #tpu.memory_space<vmem>>) semaphore(%arg15 : memref<!tpu.dma_semaphore, #tpu.memory_space<semaphore_mem>>) {add = true}
      %add3A_847 = arith.constant 1 : i32
      %add3A_848 = arith.addi %mul3A_820, %add3A_847 : i32
      %dma_wait3A_849 = arith.constant 1 : i32
      %dma_wait3A_850 = arith.constant 0 : i32
      %dma_wait3A_851 = arith.constant 0 : i32
      %dma_wait3A_852 = tpu.memref_slice %arg9[%dma_wait3A_849, %dma_wait3A_850, %dma_wait3A_851] : memref<4x80x128xf32, #tpu.memory_space<vmem>> -> memref<1x80x128xf32, #tpu.memory_space<vmem>>
      %dma_wait3A_853 = tpu.memref_squeeze %dma_wait3A_852 : memref<1x80x128xf32, #tpu.memory_space<vmem>> -> memref<80x128xf32, #tpu.memory_space<vmem>>
      %dma_wait3A_854 = arith.constant 0 : i32
      %dma_wait3A_855 = tpu.memref_slice %arg8[%add3A_848, %dma_wait3A_854] : memref<32x80xi32, #tpu.memory_space<vmem>> -> memref<1x80xi32, #tpu.memory_space<vmem>>
      %dma_wait3A_856 = tpu.memref_squeeze %dma_wait3A_855 : memref<1x80xi32, #tpu.memory_space<vmem>> -> memref<80xi32, #tpu.memory_space<vmem>>
      %dma_wait3A_857 = arith.constant 0 : i32
      %dma_wait3A_858 = arith.constant 0 : i32
      %dma_wait3A_859 = tpu.memref_slice %arg4[%dma_wait3A_857, %dma_wait3A_858] : memref<10240x128xf32, #tpu.memory_space<hbm>> -> memref<10240x128xf32, #tpu.memory_space<hbm>>
      tpu.wait_indirect_dma semaphore(%arg12 : memref<!tpu.dma_semaphore, #tpu.memory_space<semaphore_mem>>) src(%dma_wait3A_859 : memref<10240x128xf32, #tpu.memory_space<hbm>>) dst(%dma_wait3A_853 : memref<80x128xf32, #tpu.memory_space<vmem>>)
      %add3A_860 = arith.constant 1 : i32
      %add3A_861 = arith.addi %mul3A_820, %add3A_860 : i32
      %dma_start3A_862 = arith.constant 1 : i32
      %dma_start3A_863 = arith.constant 0 : i32
      %dma_start3A_864 = arith.constant 0 : i32
      %dma_start3A_865 = tpu.memref_slice %arg9[%dma_start3A_862, %dma_start3A_863, %dma_start3A_864] : memref<4x80x128xf32, #tpu.memory_space<vmem>> -> memref<1x80x128xf32, #tpu.memory_space<vmem>>
      %dma_start3A_866 = tpu.memref_squeeze %dma_start3A_865 : memref<1x80x128xf32, #tpu.memory_space<vmem>> -> memref<80x128xf32, #tpu.memory_space<vmem>>
      %dma_start3A_867 = arith.constant 0 : i32
      %dma_start3A_868 = tpu.memref_slice %arg7[%add3A_861, %dma_start3A_867] : memref<32x80xi32, #tpu.memory_space<vmem>> -> memref<1x80xi32, #tpu.memory_space<vmem>>
      %dma_start3A_869 = tpu.memref_squeeze %dma_start3A_868 : memref<1x80xi32, #tpu.memory_space<vmem>> -> memref<80xi32, #tpu.memory_space<vmem>>
      %dma_start3A_870 = arith.constant 0 : i32
      %dma_start3A_871 = arith.constant 0 : i32
      %dma_start3A_872 = tpu.memref_slice %arg10[%dma_start3A_870, %dma_start3A_871] : memref<10240x128xf32, #tpu.memory_space<vmem_shared>> -> memref<10240x128xf32, #tpu.memory_space<vmem_shared>>
      tpu.enqueue_indirect_dma source(%dma_start3A_866 : memref<80x128xf32, #tpu.memory_space<vmem>>) target(%dma_start3A_872 : memref<10240x128xf32, #tpu.memory_space<vmem_shared>>) offsets(%dma_start3A_869 : memref<80xi32, #tpu.memory_space<vmem>>) semaphore(%arg16 : memref<!tpu.dma_semaphore, #tpu.memory_space<semaphore_mem>>) {add = true}
      %add3A_873 = arith.constant 2 : i32
      %add3A_874 = arith.addi %mul3A_820, %add3A_873 : i32
      %dma_wait3A_875 = arith.constant 2 : i32
      %dma_wait3A_876 = arith.constant 0 : i32
      %dma_wait3A_877 = arith.constant 0 : i32
      %dma_wait3A_878 = tpu.memref_slice %arg9[%dma_wait3A_875, %dma_wait3A_876, %dma_wait3A_877] : memref<4x80x128xf32, #tpu.memory_space<vmem>> -> memref<1x80x128xf32, #tpu.memory_space<vmem>>
      %dma_wait3A_879 = tpu.memref_squeeze %dma_wait3A_878 : memref<1x80x128xf32, #tpu.memory_space<vmem>> -> memref<80x128xf32, #tpu.memory_space<vmem>>
      %dma_wait3A_880 = arith.constant 0 : i32
      %dma_wait3A_881 = tpu.memref_slice %arg8[%add3A_874, %dma_wait3A_880] : memref<32x80xi32, #tpu.memory_space<vmem>> -> memref<1x80xi32, #tpu.memory_space<vmem>>
      %dma_wait3A_882 = tpu.memref_squeeze %dma_wait3A_881 : memref<1x80xi32, #tpu.memory_space<vmem>> -> memref<80xi32, #tpu.memory_space<vmem>>
      %dma_wait3A_883 = arith.constant 0 : i32
      %dma_wait3A_884 = arith.constant 0 : i32
      %dma_wait3A_885 = tpu.memref_slice %arg4[%dma_wait3A_883, %dma_wait3A_884] : memref<10240x128xf32, #tpu.memory_space<hbm>> -> memref<10240x128xf32, #tpu.memory_space<hbm>>
      tpu.wait_indirect_dma semaphore(%arg13 : memref<!tpu.dma_semaphore, #tpu.memory_space<semaphore_mem>>) src(%dma_wait3A_885 : memref<10240x128xf32, #tpu.memory_space<hbm>>) dst(%dma_wait3A_879 : memref<80x128xf32, #tpu.memory_space<vmem>>)
      %add3A_886 = arith.constant 2 : i32
      %add3A_887 = arith.addi %mul3A_820, %add3A_886 : i32
      %dma_start3A_888 = arith.constant 2 : i32
      %dma_start3A_889 = arith.constant 0 : i32
      %dma_start3A_890 = arith.constant 0 : i32
      %dma_start3A_891 = tpu.memref_slice %arg9[%dma_start3A_888, %dma_start3A_889, %dma_start3A_890] : memref<4x80x128xf32, #tpu.memory_space<vmem>> -> memref<1x80x128xf32, #tpu.memory_space<vmem>>
      %dma_start3A_892 = tpu.memref_squeeze %dma_start3A_891 : memref<1x80x128xf32, #tpu.memory_space<vmem>> -> memref<80x128xf32, #tpu.memory_space<vmem>>
      %dma_start3A_893 = arith.constant 0 : i32
      %dma_start3A_894 = tpu.memref_slice %arg7[%add3A_887, %dma_start3A_893] : memref<32x80xi32, #tpu.memory_space<vmem>> -> memref<1x80xi32, #tpu.memory_space<vmem>>
      %dma_start3A_895 = tpu.memref_squeeze %dma_start3A_894 : memref<1x80xi32, #tpu.memory_space<vmem>> -> memref<80xi32, #tpu.memory_space<vmem>>
      %dma_start3A_896 = arith.constant 0 : i32
      %dma_start3A_897 = arith.constant 0 : i32
      %dma_start3A_898 = tpu.memref_slice %arg10[%dma_start3A_896, %dma_start3A_897] : memref<10240x128xf32, #tpu.memory_space<vmem_shared>> -> memref<10240x128xf32, #tpu.memory_space<vmem_shared>>
      tpu.enqueue_indirect_dma source(%dma_start3A_892 : memref<80x128xf32, #tpu.memory_space<vmem>>) target(%dma_start3A_898 : memref<10240x128xf32, #tpu.memory_space<vmem_shared>>) offsets(%dma_start3A_895 : memref<80xi32, #tpu.memory_space<vmem>>) semaphore(%arg17 : memref<!tpu.dma_semaphore, #tpu.memory_space<semaphore_mem>>) {add = true}
      %add3A_899 = arith.constant 3 : i32
      %add3A_900 = arith.addi %mul3A_820, %add3A_899 : i32
      %dma_wait3A_901 = arith.constant 3 : i32
      %dma_wait3A_902 = arith.constant 0 : i32
      %dma_wait3A_903 = arith.constant 0 : i32
      %dma_wait3A_904 = tpu.memref_slice %arg9[%dma_wait3A_901, %dma_wait3A_902, %dma_wait3A_903] : memref<4x80x128xf32, #tpu.memory_space<vmem>> -> memref<1x80x128xf32, #tpu.memory_space<vmem>>
      %dma_wait3A_905 = tpu.memref_squeeze %dma_wait3A_904 : memref<1x80x128xf32, #tpu.memory_space<vmem>> -> memref<80x128xf32, #tpu.memory_space<vmem>>
      %dma_wait3A_906 = arith.constant 0 : i32
      %dma_wait3A_907 = tpu.memref_slice %arg8[%add3A_900, %dma_wait3A_906] : memref<32x80xi32, #tpu.memory_space<vmem>> -> memref<1x80xi32, #tpu.memory_space<vmem>>
      %dma_wait3A_908 = tpu.memref_squeeze %dma_wait3A_907 : memref<1x80xi32, #tpu.memory_space<vmem>> -> memref<80xi32, #tpu.memory_space<vmem>>
      %dma_wait3A_909 = arith.constant 0 : i32
      %dma_wait3A_910 = arith.constant 0 : i32
      %dma_wait3A_911 = tpu.memref_slice %arg4[%dma_wait3A_909, %dma_wait3A_910] : memref<10240x128xf32, #tpu.memory_space<hbm>> -> memref<10240x128xf32, #tpu.memory_space<hbm>>
      tpu.wait_indirect_dma semaphore(%arg14 : memref<!tpu.dma_semaphore, #tpu.memory_space<semaphore_mem>>) src(%dma_wait3A_911 : memref<10240x128xf32, #tpu.memory_space<hbm>>) dst(%dma_wait3A_905 : memref<80x128xf32, #tpu.memory_space<vmem>>)
      %add3A_912 = arith.constant 3 : i32
      %add3A_913 = arith.addi %mul3A_820, %add3A_912 : i32
      %dma_start3A_914 = arith.constant 3 : i32
      %dma_start3A_915 = arith.constant 0 : i32
      %dma_start3A_916 = arith.constant 0 : i32
      %dma_start3A_917 = tpu.memref_slice %arg9[%dma_start3A_914, %dma_start3A_915, %dma_start3A_916] : memref<4x80x128xf32, #tpu.memory_space<vmem>> -> memref<1x80x128xf32, #tpu.memory_space<vmem>>
      %dma_start3A_918 = tpu.memref_squeeze %dma_start3A_917 : memref<1x80x128xf32, #tpu.memory_space<vmem>> -> memref<80x128xf32, #tpu.memory_space<vmem>>
      %dma_start3A_919 = arith.constant 0 : i32
      %dma_start3A_920 = tpu.memref_slice %arg7[%add3A_913, %dma_start3A_919] : memref<32x80xi32, #tpu.memory_space<vmem>> -> memref<1x80xi32, #tpu.memory_space<vmem>>
      %dma_start3A_921 = tpu.memref_squeeze %dma_start3A_920 : memref<1x80xi32, #tpu.memory_space<vmem>> -> memref<80xi32, #tpu.memory_space<vmem>>
      %dma_start3A_922 = arith.constant 0 : i32
      %dma_start3A_923 = arith.constant 0 : i32
      %dma_start3A_924 = tpu.memref_slice %arg10[%dma_start3A_922, %dma_start3A_923] : memref<10240x128xf32, #tpu.memory_space<vmem_shared>> -> memref<10240x128xf32, #tpu.memory_space<vmem_shared>>
      tpu.enqueue_indirect_dma source(%dma_start3A_918 : memref<80x128xf32, #tpu.memory_space<vmem>>) target(%dma_start3A_924 : memref<10240x128xf32, #tpu.memory_space<vmem_shared>>) offsets(%dma_start3A_921 : memref<80xi32, #tpu.memory_space<vmem>>) semaphore(%arg18 : memref<!tpu.dma_semaphore, #tpu.memory_space<semaphore_mem>>) {add = true}
      %add3A_925 = arith.constant 0 : i32
      %add3A_926 = arith.addi %mul3A_820, %add3A_925 : i32
      %dma_wait3A_927 = arith.constant 0 : i32
      %dma_wait3A_928 = arith.constant 0 : i32
      %dma_wait3A_929 = arith.constant 0 : i32
      %dma_wait3A_930 = tpu.memref_slice %arg9[%dma_wait3A_927, %dma_wait3A_928, %dma_wait3A_929] : memref<4x80x128xf32, #tpu.memory_space<vmem>> -> memref<1x80x128xf32, #tpu.memory_space<vmem>>
      %dma_wait3A_931 = tpu.memref_squeeze %dma_wait3A_930 : memref<1x80x128xf32, #tpu.memory_space<vmem>> -> memref<80x128xf32, #tpu.memory_space<vmem>>
      %dma_wait3A_932 = arith.constant 0 : i32
      %dma_wait3A_933 = tpu.memref_slice %arg7[%add3A_926, %dma_wait3A_932] : memref<32x80xi32, #tpu.memory_space<vmem>> -> memref<1x80xi32, #tpu.memory_space<vmem>>
      %dma_wait3A_934 = tpu.memref_squeeze %dma_wait3A_933 : memref<1x80xi32, #tpu.memory_space<vmem>> -> memref<80xi32, #tpu.memory_space<vmem>>
      %dma_wait3A_935 = arith.constant 0 : i32
      %dma_wait3A_936 = arith.constant 0 : i32
      %dma_wait3A_937 = tpu.memref_slice %arg10[%dma_wait3A_935, %dma_wait3A_936] : memref<10240x128xf32, #tpu.memory_space<vmem_shared>> -> memref<10240x128xf32, #tpu.memory_space<vmem_shared>>
      tpu.wait_indirect_dma semaphore(%arg15 : memref<!tpu.dma_semaphore, #tpu.memory_space<semaphore_mem>>) src(%dma_wait3A_931 : memref<80x128xf32, #tpu.memory_space<vmem>>) dst(%dma_wait3A_937 : memref<10240x128xf32, #tpu.memory_space<vmem_shared>>)
      %add3A_938 = arith.constant 4 : i32
      %add3A_939 = arith.addi %mul3A_820, %add3A_938 : i32
      %add3A_940 = arith.constant 0 : i32
      %add3A_941 = arith.addi %add3A_939, %add3A_940 : i32
      %dma_start3A_942 = arith.constant 0 : i32
      %dma_start3A_943 = arith.constant 0 : i32
      %dma_start3A_944 = arith.constant 0 : i32
      %dma_start3A_945 = tpu.memref_slice %arg9[%dma_start3A_942, %dma_start3A_943, %dma_start3A_944] : memref<4x80x128xf32, #tpu.memory_space<vmem>> -> memref<1x80x128xf32, #tpu.memory_space<vmem>>
      %dma_start3A_946 = tpu.memref_squeeze %dma_start3A_945 : memref<1x80x128xf32, #tpu.memory_space<vmem>> -> memref<80x128xf32, #tpu.memory_space<vmem>>
      %dma_start3A_947 = arith.constant 0 : i32
      %dma_start3A_948 = tpu.memref_slice %arg8[%add3A_941, %dma_start3A_947] : memref<32x80xi32, #tpu.memory_space<vmem>> -> memref<1x80xi32, #tpu.memory_space<vmem>>
      %dma_start3A_949 = tpu.memref_squeeze %dma_start3A_948 : memref<1x80xi32, #tpu.memory_space<vmem>> -> memref<80xi32, #tpu.memory_space<vmem>>
      %dma_start3A_950 = arith.constant 0 : i32
      %dma_start3A_951 = arith.constant 0 : i32
      %dma_start3A_952 = tpu.memref_slice %arg4[%dma_start3A_950, %dma_start3A_951] : memref<10240x128xf32, #tpu.memory_space<hbm>> -> memref<10240x128xf32, #tpu.memory_space<hbm>>
      tpu.enqueue_indirect_dma source(%dma_start3A_952 : memref<10240x128xf32, #tpu.memory_space<hbm>>) target(%dma_start3A_946 : memref<80x128xf32, #tpu.memory_space<vmem>>) offsets(%dma_start3A_949 : memref<80xi32, #tpu.memory_space<vmem>>) semaphore(%arg11 : memref<!tpu.dma_semaphore, #tpu.memory_space<semaphore_mem>>)
      %add3A_953 = arith.constant 1 : i32
      %add3A_954 = arith.addi %mul3A_820, %add3A_953 : i32
      %dma_wait3A_955 = arith.constant 1 : i32
      %dma_wait3A_956 = arith.constant 0 : i32
      %dma_wait3A_957 = arith.constant 0 : i32
      %dma_wait3A_958 = tpu.memref_slice %arg9[%dma_wait3A_955, %dma_wait3A_956, %dma_wait3A_957] : memref<4x80x128xf32, #tpu.memory_space<vmem>> -> memref<1x80x128xf32, #tpu.memory_space<vmem>>
      %dma_wait3A_959 = tpu.memref_squeeze %dma_wait3A_958 : memref<1x80x128xf32, #tpu.memory_space<vmem>> -> memref<80x128xf32, #tpu.memory_space<vmem>>
      %dma_wait3A_960 = arith.constant 0 : i32
      %dma_wait3A_961 = tpu.memref_slice %arg7[%add3A_954, %dma_wait3A_960] : memref<32x80xi32, #tpu.memory_space<vmem>> -> memref<1x80xi32, #tpu.memory_space<vmem>>
      %dma_wait3A_962 = tpu.memref_squeeze %dma_wait3A_961 : memref<1x80xi32, #tpu.memory_space<vmem>> -> memref<80xi32, #tpu.memory_space<vmem>>
      %dma_wait3A_963 = arith.constant 0 : i32
      %dma_wait3A_964 = arith.constant 0 : i32
      %dma_wait3A_965 = tpu.memref_slice %arg10[%dma_wait3A_963, %dma_wait3A_964] : memref<10240x128xf32, #tpu.memory_space<vmem_shared>> -> memref<10240x128xf32, #tpu.memory_space<vmem_shared>>
      tpu.wait_indirect_dma semaphore(%arg16 : memref<!tpu.dma_semaphore, #tpu.memory_space<semaphore_mem>>) src(%dma_wait3A_959 : memref<80x128xf32, #tpu.memory_space<vmem>>) dst(%dma_wait3A_965 : memref<10240x128xf32, #tpu.memory_space<vmem_shared>>)
      %add3A_966 = arith.constant 4 : i32
      %add3A_967 = arith.addi %mul3A_820, %add3A_966 : i32
      %add3A_968 = arith.constant 1 : i32
      %add3A_969 = arith.addi %add3A_967, %add3A_968 : i32
      %dma_start3A_970 = arith.constant 1 : i32
      %dma_start3A_971 = arith.constant 0 : i32
      %dma_start3A_972 = arith.constant 0 : i32
      %dma_start3A_973 = tpu.memref_slice %arg9[%dma_start3A_970, %dma_start3A_971, %dma_start3A_972] : memref<4x80x128xf32, #tpu.memory_space<vmem>> -> memref<1x80x128xf32, #tpu.memory_space<vmem>>
      %dma_start3A_974 = tpu.memref_squeeze %dma_start3A_973 : memref<1x80x128xf32, #tpu.memory_space<vmem>> -> memref<80x128xf32, #tpu.memory_space<vmem>>
      %dma_start3A_975 = arith.constant 0 : i32
      %dma_start3A_976 = tpu.memref_slice %arg8[%add3A_969, %dma_start3A_975] : memref<32x80xi32, #tpu.memory_space<vmem>> -> memref<1x80xi32, #tpu.memory_space<vmem>>
      %dma_start3A_977 = tpu.memref_squeeze %dma_start3A_976 : memref<1x80xi32, #tpu.memory_space<vmem>> -> memref<80xi32, #tpu.memory_space<vmem>>
      %dma_start3A_978 = arith.constant 0 : i32
      %dma_start3A_979 = arith.constant 0 : i32
      %dma_start3A_980 = tpu.memref_slice %arg4[%dma_start3A_978, %dma_start3A_979] : memref<10240x128xf32, #tpu.memory_space<hbm>> -> memref<10240x128xf32, #tpu.memory_space<hbm>>
      tpu.enqueue_indirect_dma source(%dma_start3A_980 : memref<10240x128xf32, #tpu.memory_space<hbm>>) target(%dma_start3A_974 : memref<80x128xf32, #tpu.memory_space<vmem>>) offsets(%dma_start3A_977 : memref<80xi32, #tpu.memory_space<vmem>>) semaphore(%arg12 : memref<!tpu.dma_semaphore, #tpu.memory_space<semaphore_mem>>)
      %add3A_981 = arith.constant 2 : i32
      %add3A_982 = arith.addi %mul3A_820, %add3A_981 : i32
      %dma_wait3A_983 = arith.constant 2 : i32
      %dma_wait3A_984 = arith.constant 0 : i32
      %dma_wait3A_985 = arith.constant 0 : i32
      %dma_wait3A_986 = tpu.memref_slice %arg9[%dma_wait3A_983, %dma_wait3A_984, %dma_wait3A_985] : memref<4x80x128xf32, #tpu.memory_space<vmem>> -> memref<1x80x128xf32, #tpu.memory_space<vmem>>
      %dma_wait3A_987 = tpu.memref_squeeze %dma_wait3A_986 : memref<1x80x128xf32, #tpu.memory_space<vmem>> -> memref<80x128xf32, #tpu.memory_space<vmem>>
      %dma_wait3A_988 = arith.constant 0 : i32
      %dma_wait3A_989 = tpu.memref_slice %arg7[%add3A_982, %dma_wait3A_988] : memref<32x80xi32, #tpu.memory_space<vmem>> -> memref<1x80xi32, #tpu.memory_space<vmem>>
      %dma_wait3A_990 = tpu.memref_squeeze %dma_wait3A_989 : memref<1x80xi32, #tpu.memory_space<vmem>> -> memref<80xi32, #tpu.memory_space<vmem>>
      %dma_wait3A_991 = arith.constant 0 : i32
      %dma_wait3A_992 = arith.constant 0 : i32
      %dma_wait3A_993 = tpu.memref_slice %arg10[%dma_wait3A_991, %dma_wait3A_992] : memref<10240x128xf32, #tpu.memory_space<vmem_shared>> -> memref<10240x128xf32, #tpu.memory_space<vmem_shared>>
      tpu.wait_indirect_dma semaphore(%arg17 : memref<!tpu.dma_semaphore, #tpu.memory_space<semaphore_mem>>) src(%dma_wait3A_987 : memref<80x128xf32, #tpu.memory_space<vmem>>) dst(%dma_wait3A_993 : memref<10240x128xf32, #tpu.memory_space<vmem_shared>>)
      %add3A_994 = arith.constant 4 : i32
      %add3A_995 = arith.addi %mul3A_820, %add3A_994 : i32
      %add3A_996 = arith.constant 2 : i32
      %add3A_997 = arith.addi %add3A_995, %add3A_996 : i32
      %dma_start3A_998 = arith.constant 2 : i32
      %dma_start3A_999 = arith.constant 0 : i32
      %dma_start3A_1000 = arith.constant 0 : i32
      %dma_start3A_1001 = tpu.memref_slice %arg9[%dma_start3A_998, %dma_start3A_999, %dma_start3A_1000] : memref<4x80x128xf32, #tpu.memory_space<vmem>> -> memref<1x80x128xf32, #tpu.memory_space<vmem>>
      %dma_start3A_1002 = tpu.memref_squeeze %dma_start3A_1001 : memref<1x80x128xf32, #tpu.memory_space<vmem>> -> memref<80x128xf32, #tpu.memory_space<vmem>>
      %dma_start3A_1003 = arith.constant 0 : i32
      %dma_start3A_1004 = tpu.memref_slice %arg8[%add3A_997, %dma_start3A_1003] : memref<32x80xi32, #tpu.memory_space<vmem>> -> memref<1x80xi32, #tpu.memory_space<vmem>>
      %dma_start3A_1005 = tpu.memref_squeeze %dma_start3A_1004 : memref<1x80xi32, #tpu.memory_space<vmem>> -> memref<80xi32, #tpu.memory_space<vmem>>
      %dma_start3A_1006 = arith.constant 0 : i32
      %dma_start3A_1007 = arith.constant 0 : i32
      %dma_start3A_1008 = tpu.memref_slice %arg4[%dma_start3A_1006, %dma_start3A_1007] : memref<10240x128xf32, #tpu.memory_space<hbm>> -> memref<10240x128xf32, #tpu.memory_space<hbm>>
      tpu.enqueue_indirect_dma source(%dma_start3A_1008 : memref<10240x128xf32, #tpu.memory_space<hbm>>) target(%dma_start3A_1002 : memref<80x128xf32, #tpu.memory_space<vmem>>) offsets(%dma_start3A_1005 : memref<80xi32, #tpu.memory_space<vmem>>) semaphore(%arg13 : memref<!tpu.dma_semaphore, #tpu.memory_space<semaphore_mem>>)
      %add3A_1009 = arith.constant 3 : i32
      %add3A_1010 = arith.addi %mul3A_820, %add3A_1009 : i32
      %dma_wait3A_1011 = arith.constant 3 : i32
      %dma_wait3A_1012 = arith.constant 0 : i32
      %dma_wait3A_1013 = arith.constant 0 : i32
      %dma_wait3A_1014 = tpu.memref_slice %arg9[%dma_wait3A_1011, %dma_wait3A_1012, %dma_wait3A_1013] : memref<4x80x128xf32, #tpu.memory_space<vmem>> -> memref<1x80x128xf32, #tpu.memory_space<vmem>>
      %dma_wait3A_1015 = tpu.memref_squeeze %dma_wait3A_1014 : memref<1x80x128xf32, #tpu.memory_space<vmem>> -> memref<80x128xf32, #tpu.memory_space<vmem>>
      %dma_wait3A_1016 = arith.constant 0 : i32
      %dma_wait3A_1017 = tpu.memref_slice %arg7[%add3A_1010, %dma_wait3A_1016] : memref<32x80xi32, #tpu.memory_space<vmem>> -> memref<1x80xi32, #tpu.memory_space<vmem>>
      %dma_wait3A_1018 = tpu.memref_squeeze %dma_wait3A_1017 : memref<1x80xi32, #tpu.memory_space<vmem>> -> memref<80xi32, #tpu.memory_space<vmem>>
      %dma_wait3A_1019 = arith.constant 0 : i32
      %dma_wait3A_1020 = arith.constant 0 : i32
      %dma_wait3A_1021 = tpu.memref_slice %arg10[%dma_wait3A_1019, %dma_wait3A_1020] : memref<10240x128xf32, #tpu.memory_space<vmem_shared>> -> memref<10240x128xf32, #tpu.memory_space<vmem_shared>>
      tpu.wait_indirect_dma semaphore(%arg18 : memref<!tpu.dma_semaphore, #tpu.memory_space<semaphore_mem>>) src(%dma_wait3A_1015 : memref<80x128xf32, #tpu.memory_space<vmem>>) dst(%dma_wait3A_1021 : memref<10240x128xf32, #tpu.memory_space<vmem_shared>>)
      %add3A_1022 = arith.constant 4 : i32
      %add3A_1023 = arith.addi %mul3A_820, %add3A_1022 : i32
      %add3A_1024 = arith.constant 3 : i32
      %add3A_1025 = arith.addi %add3A_1023, %add3A_1024 : i32
      %dma_start3A_1026 = arith.constant 3 : i32
      %dma_start3A_1027 = arith.constant 0 : i32
      %dma_start3A_1028 = arith.constant 0 : i32
      %dma_start3A_1029 = tpu.memref_slice %arg9[%dma_start3A_1026, %dma_start3A_1027, %dma_start3A_1028] : memref<4x80x128xf32, #tpu.memory_space<vmem>> -> memref<1x80x128xf32, #tpu.memory_space<vmem>>
      %dma_start3A_1030 = tpu.memref_squeeze %dma_start3A_1029 : memref<1x80x128xf32, #tpu.memory_space<vmem>> -> memref<80x128xf32, #tpu.memory_space<vmem>>
      %dma_start3A_1031 = arith.constant 0 : i32
      %dma_start3A_1032 = tpu.memref_slice %arg8[%add3A_1025, %dma_start3A_1031] : memref<32x80xi32, #tpu.memory_space<vmem>> -> memref<1x80xi32, #tpu.memory_space<vmem>>
      %dma_start3A_1033 = tpu.memref_squeeze %dma_start3A_1032 : memref<1x80xi32, #tpu.memory_space<vmem>> -> memref<80xi32, #tpu.memory_space<vmem>>
      %dma_start3A_1034 = arith.constant 0 : i32
      %dma_start3A_1035 = arith.constant 0 : i32
      %dma_start3A_1036 = tpu.memref_slice %arg4[%dma_start3A_1034, %dma_start3A_1035] : memref<10240x128xf32, #tpu.memory_space<hbm>> -> memref<10240x128xf32, #tpu.memory_space<hbm>>
      tpu.enqueue_indirect_dma source(%dma_start3A_1036 : memref<10240x128xf32, #tpu.memory_space<hbm>>) target(%dma_start3A_1030 : memref<80x128xf32, #tpu.memory_space<vmem>>) offsets(%dma_start3A_1033 : memref<80xi32, #tpu.memory_space<vmem>>) semaphore(%arg14 : memref<!tpu.dma_semaphore, #tpu.memory_space<semaphore_mem>>)
      %scan3A_1037 = arith.constant 0 : i32
      scf.yield %scan3A_1037 : i32
    }
    %scan3A_667 = arith.constant 7 : i32
    %dma_wait3A_668 = arith.constant 28 : i32
    %dma_wait3A_669 = arith.constant 0 : i32
    %dma_wait3A_670 = arith.constant 0 : i32
    %dma_wait3A_671 = arith.constant 0 : i32
    %dma_wait3A_672 = tpu.memref_slice %arg9[%dma_wait3A_669, %dma_wait3A_670, %dma_wait3A_671] : memref<4x80x128xf32, #tpu.memory_space<vmem>> -> memref<1x80x128xf32, #tpu.memory_space<vmem>>
    %dma_wait3A_673 = tpu.memref_squeeze %dma_wait3A_672 : memref<1x80x128xf32, #tpu.memory_space<vmem>> -> memref<80x128xf32, #tpu.memory_space<vmem>>
    %dma_wait3A_674 = arith.constant 0 : i32
    %dma_wait3A_675 = tpu.memref_slice %arg8[%dma_wait3A_668, %dma_wait3A_674] : memref<32x80xi32, #tpu.memory_space<vmem>> -> memref<1x80xi32, #tpu.memory_space<vmem>>
    %dma_wait3A_676 = tpu.memref_squeeze %dma_wait3A_675 : memref<1x80xi32, #tpu.memory_space<vmem>> -> memref<80xi32, #tpu.memory_space<vmem>>
    %dma_wait3A_677 = arith.constant 0 : i32
    %dma_wait3A_678 = arith.constant 0 : i32
    %dma_wait3A_679 = tpu.memref_slice %arg4[%dma_wait3A_677, %dma_wait3A_678] : memref<10240x128xf32, #tpu.memory_space<hbm>> -> memref<10240x128xf32, #tpu.memory_space<hbm>>
    tpu.wait_indirect_dma semaphore(%arg11 : memref<!tpu.dma_semaphore, #tpu.memory_space<semaphore_mem>>) src(%dma_wait3A_679 : memref<10240x128xf32, #tpu.memory_space<hbm>>) dst(%dma_wait3A_673 : memref<80x128xf32, #tpu.memory_space<vmem>>)
    %dma_start3A_680 = arith.constant 0 : i32
    %dma_start3A_681 = arith.constant 28 : i32
    %dma_start3A_682 = arith.constant 0 : i32
    %dma_start3A_683 = arith.constant 0 : i32
    %dma_start3A_684 = tpu.memref_slice %arg9[%dma_start3A_680, %dma_start3A_682, %dma_start3A_683] : memref<4x80x128xf32, #tpu.memory_space<vmem>> -> memref<1x80x128xf32, #tpu.memory_space<vmem>>
    %dma_start3A_685 = tpu.memref_squeeze %dma_start3A_684 : memref<1x80x128xf32, #tpu.memory_space<vmem>> -> memref<80x128xf32, #tpu.memory_space<vmem>>
    %dma_start3A_686 = arith.constant 0 : i32
    %dma_start3A_687 = tpu.memref_slice %arg7[%dma_start3A_681, %dma_start3A_686] : memref<32x80xi32, #tpu.memory_space<vmem>> -> memref<1x80xi32, #tpu.memory_space<vmem>>
    %dma_start3A_688 = tpu.memref_squeeze %dma_start3A_687 : memref<1x80xi32, #tpu.memory_space<vmem>> -> memref<80xi32, #tpu.memory_space<vmem>>
    %dma_start3A_689 = arith.constant 0 : i32
    %dma_start3A_690 = arith.constant 0 : i32
    %dma_start3A_691 = tpu.memref_slice %arg10[%dma_start3A_689, %dma_start3A_690] : memref<10240x128xf32, #tpu.memory_space<vmem_shared>> -> memref<10240x128xf32, #tpu.memory_space<vmem_shared>>
    tpu.enqueue_indirect_dma source(%dma_start3A_685 : memref<80x128xf32, #tpu.memory_space<vmem>>) target(%dma_start3A_691 : memref<10240x128xf32, #tpu.memory_space<vmem_shared>>) offsets(%dma_start3A_688 : memref<80xi32, #tpu.memory_space<vmem>>) semaphore(%arg15 : memref<!tpu.dma_semaphore, #tpu.memory_space<semaphore_mem>>) {add = true}
    %dma_wait3A_692 = arith.constant 29 : i32
    %dma_wait3A_693 = arith.constant 1 : i32
    %dma_wait3A_694 = arith.constant 0 : i32
    %dma_wait3A_695 = arith.constant 0 : i32
    %dma_wait3A_696 = tpu.memref_slice %arg9[%dma_wait3A_693, %dma_wait3A_694, %dma_wait3A_695] : memref<4x80x128xf32, #tpu.memory_space<vmem>> -> memref<1x80x128xf32, #tpu.memory_space<vmem>>
    %dma_wait3A_697 = tpu.memref_squeeze %dma_wait3A_696 : memref<1x80x128xf32, #tpu.memory_space<vmem>> -> memref<80x128xf32, #tpu.memory_space<vmem>>
    %dma_wait3A_698 = arith.constant 0 : i32
    %dma_wait3A_699 = tpu.memref_slice %arg8[%dma_wait3A_692, %dma_wait3A_698] : memref<32x80xi32, #tpu.memory_space<vmem>> -> memref<1x80xi32, #tpu.memory_space<vmem>>
    %dma_wait3A_700 = tpu.memref_squeeze %dma_wait3A_699 : memref<1x80xi32, #tpu.memory_space<vmem>> -> memref<80xi32, #tpu.memory_space<vmem>>
    %dma_wait3A_701 = arith.constant 0 : i32
    %dma_wait3A_702 = arith.constant 0 : i32
    %dma_wait3A_703 = tpu.memref_slice %arg4[%dma_wait3A_701, %dma_wait3A_702] : memref<10240x128xf32, #tpu.memory_space<hbm>> -> memref<10240x128xf32, #tpu.memory_space<hbm>>
    tpu.wait_indirect_dma semaphore(%arg12 : memref<!tpu.dma_semaphore, #tpu.memory_space<semaphore_mem>>) src(%dma_wait3A_703 : memref<10240x128xf32, #tpu.memory_space<hbm>>) dst(%dma_wait3A_697 : memref<80x128xf32, #tpu.memory_space<vmem>>)
    %dma_start3A_704 = arith.constant 1 : i32
    %dma_start3A_705 = arith.constant 29 : i32
    %dma_start3A_706 = arith.constant 0 : i32
    %dma_start3A_707 = arith.constant 0 : i32
    %dma_start3A_708 = tpu.memref_slice %arg9[%dma_start3A_704, %dma_start3A_706, %dma_start3A_707] : memref<4x80x128xf32, #tpu.memory_space<vmem>> -> memref<1x80x128xf32, #tpu.memory_space<vmem>>
    %dma_start3A_709 = tpu.memref_squeeze %dma_start3A_708 : memref<1x80x128xf32, #tpu.memory_space<vmem>> -> memref<80x128xf32, #tpu.memory_space<vmem>>
    %dma_start3A_710 = arith.constant 0 : i32
    %dma_start3A_711 = tpu.memref_slice %arg7[%dma_start3A_705, %dma_start3A_710] : memref<32x80xi32, #tpu.memory_space<vmem>> -> memref<1x80xi32, #tpu.memory_space<vmem>>
    %dma_start3A_712 = tpu.memref_squeeze %dma_start3A_711 : memref<1x80xi32, #tpu.memory_space<vmem>> -> memref<80xi32, #tpu.memory_space<vmem>>
    %dma_start3A_713 = arith.constant 0 : i32
    %dma_start3A_714 = arith.constant 0 : i32
    %dma_start3A_715 = tpu.memref_slice %arg10[%dma_start3A_713, %dma_start3A_714] : memref<10240x128xf32, #tpu.memory_space<vmem_shared>> -> memref<10240x128xf32, #tpu.memory_space<vmem_shared>>
    tpu.enqueue_indirect_dma source(%dma_start3A_709 : memref<80x128xf32, #tpu.memory_space<vmem>>) target(%dma_start3A_715 : memref<10240x128xf32, #tpu.memory_space<vmem_shared>>) offsets(%dma_start3A_712 : memref<80xi32, #tpu.memory_space<vmem>>) semaphore(%arg16 : memref<!tpu.dma_semaphore, #tpu.memory_space<semaphore_mem>>) {add = true}
    %dma_wait3A_716 = arith.constant 30 : i32
    %dma_wait3A_717 = arith.constant 2 : i32
    %dma_wait3A_718 = arith.constant 0 : i32
    %dma_wait3A_719 = arith.constant 0 : i32
    %dma_wait3A_720 = tpu.memref_slice %arg9[%dma_wait3A_717, %dma_wait3A_718, %dma_wait3A_719] : memref<4x80x128xf32, #tpu.memory_space<vmem>> -> memref<1x80x128xf32, #tpu.memory_space<vmem>>
    %dma_wait3A_721 = tpu.memref_squeeze %dma_wait3A_720 : memref<1x80x128xf32, #tpu.memory_space<vmem>> -> memref<80x128xf32, #tpu.memory_space<vmem>>
    %dma_wait3A_722 = arith.constant 0 : i32
    %dma_wait3A_723 = tpu.memref_slice %arg8[%dma_wait3A_716, %dma_wait3A_722] : memref<32x80xi32, #tpu.memory_space<vmem>> -> memref<1x80xi32, #tpu.memory_space<vmem>>
    %dma_wait3A_724 = tpu.memref_squeeze %dma_wait3A_723 : memref<1x80xi32, #tpu.memory_space<vmem>> -> memref<80xi32, #tpu.memory_space<vmem>>
    %dma_wait3A_725 = arith.constant 0 : i32
    %dma_wait3A_726 = arith.constant 0 : i32
    %dma_wait3A_727 = tpu.memref_slice %arg4[%dma_wait3A_725, %dma_wait3A_726] : memref<10240x128xf32, #tpu.memory_space<hbm>> -> memref<10240x128xf32, #tpu.memory_space<hbm>>
    tpu.wait_indirect_dma semaphore(%arg13 : memref<!tpu.dma_semaphore, #tpu.memory_space<semaphore_mem>>) src(%dma_wait3A_727 : memref<10240x128xf32, #tpu.memory_space<hbm>>) dst(%dma_wait3A_721 : memref<80x128xf32, #tpu.memory_space<vmem>>)
    %dma_start3A_728 = arith.constant 2 : i32
    %dma_start3A_729 = arith.constant 30 : i32
    %dma_start3A_730 = arith.constant 0 : i32
    %dma_start3A_731 = arith.constant 0 : i32
    %dma_start3A_732 = tpu.memref_slice %arg9[%dma_start3A_728, %dma_start3A_730, %dma_start3A_731] : memref<4x80x128xf32, #tpu.memory_space<vmem>> -> memref<1x80x128xf32, #tpu.memory_space<vmem>>
    %dma_start3A_733 = tpu.memref_squeeze %dma_start3A_732 : memref<1x80x128xf32, #tpu.memory_space<vmem>> -> memref<80x128xf32, #tpu.memory_space<vmem>>
    %dma_start3A_734 = arith.constant 0 : i32
    %dma_start3A_735 = tpu.memref_slice %arg7[%dma_start3A_729, %dma_start3A_734] : memref<32x80xi32, #tpu.memory_space<vmem>> -> memref<1x80xi32, #tpu.memory_space<vmem>>
    %dma_start3A_736 = tpu.memref_squeeze %dma_start3A_735 : memref<1x80xi32, #tpu.memory_space<vmem>> -> memref<80xi32, #tpu.memory_space<vmem>>
    %dma_start3A_737 = arith.constant 0 : i32
    %dma_start3A_738 = arith.constant 0 : i32
    %dma_start3A_739 = tpu.memref_slice %arg10[%dma_start3A_737, %dma_start3A_738] : memref<10240x128xf32, #tpu.memory_space<vmem_shared>> -> memref<10240x128xf32, #tpu.memory_space<vmem_shared>>
    tpu.enqueue_indirect_dma source(%dma_start3A_733 : memref<80x128xf32, #tpu.memory_space<vmem>>) target(%dma_start3A_739 : memref<10240x128xf32, #tpu.memory_space<vmem_shared>>) offsets(%dma_start3A_736 : memref<80xi32, #tpu.memory_space<vmem>>) semaphore(%arg17 : memref<!tpu.dma_semaphore, #tpu.memory_space<semaphore_mem>>) {add = true}
    %dma_wait3A_740 = arith.constant 31 : i32
    %dma_wait3A_741 = arith.constant 3 : i32
    %dma_wait3A_742 = arith.constant 0 : i32
    %dma_wait3A_743 = arith.constant 0 : i32
    %dma_wait3A_744 = tpu.memref_slice %arg9[%dma_wait3A_741, %dma_wait3A_742, %dma_wait3A_743] : memref<4x80x128xf32, #tpu.memory_space<vmem>> -> memref<1x80x128xf32, #tpu.memory_space<vmem>>
    %dma_wait3A_745 = tpu.memref_squeeze %dma_wait3A_744 : memref<1x80x128xf32, #tpu.memory_space<vmem>> -> memref<80x128xf32, #tpu.memory_space<vmem>>
    %dma_wait3A_746 = arith.constant 0 : i32
    %dma_wait3A_747 = tpu.memref_slice %arg8[%dma_wait3A_740, %dma_wait3A_746] : memref<32x80xi32, #tpu.memory_space<vmem>> -> memref<1x80xi32, #tpu.memory_space<vmem>>
    %dma_wait3A_748 = tpu.memref_squeeze %dma_wait3A_747 : memref<1x80xi32, #tpu.memory_space<vmem>> -> memref<80xi32, #tpu.memory_space<vmem>>
    %dma_wait3A_749 = arith.constant 0 : i32
    %dma_wait3A_750 = arith.constant 0 : i32
    %dma_wait3A_751 = tpu.memref_slice %arg4[%dma_wait3A_749, %dma_wait3A_750] : memref<10240x128xf32, #tpu.memory_space<hbm>> -> memref<10240x128xf32, #tpu.memory_space<hbm>>
    tpu.wait_indirect_dma semaphore(%arg14 : memref<!tpu.dma_semaphore, #tpu.memory_space<semaphore_mem>>) src(%dma_wait3A_751 : memref<10240x128xf32, #tpu.memory_space<hbm>>) dst(%dma_wait3A_745 : memref<80x128xf32, #tpu.memory_space<vmem>>)
    %dma_start3A_752 = arith.constant 3 : i32
    %dma_start3A_753 = arith.constant 31 : i32
    %dma_start3A_754 = arith.constant 0 : i32
    %dma_start3A_755 = arith.constant 0 : i32
    %dma_start3A_756 = tpu.memref_slice %arg9[%dma_start3A_752, %dma_start3A_754, %dma_start3A_755] : memref<4x80x128xf32, #tpu.memory_space<vmem>> -> memref<1x80x128xf32, #tpu.memory_space<vmem>>
    %dma_start3A_757 = tpu.memref_squeeze %dma_start3A_756 : memref<1x80x128xf32, #tpu.memory_space<vmem>> -> memref<80x128xf32, #tpu.memory_space<vmem>>
    %dma_start3A_758 = arith.constant 0 : i32
    %dma_start3A_759 = tpu.memref_slice %arg7[%dma_start3A_753, %dma_start3A_758] : memref<32x80xi32, #tpu.memory_space<vmem>> -> memref<1x80xi32, #tpu.memory_space<vmem>>
    %dma_start3A_760 = tpu.memref_squeeze %dma_start3A_759 : memref<1x80xi32, #tpu.memory_space<vmem>> -> memref<80xi32, #tpu.memory_space<vmem>>
    %dma_start3A_761 = arith.constant 0 : i32
    %dma_start3A_762 = arith.constant 0 : i32
    %dma_start3A_763 = tpu.memref_slice %arg10[%dma_start3A_761, %dma_start3A_762] : memref<10240x128xf32, #tpu.memory_space<vmem_shared>> -> memref<10240x128xf32, #tpu.memory_space<vmem_shared>>
    tpu.enqueue_indirect_dma source(%dma_start3A_757 : memref<80x128xf32, #tpu.memory_space<vmem>>) target(%dma_start3A_763 : memref<10240x128xf32, #tpu.memory_space<vmem_shared>>) offsets(%dma_start3A_760 : memref<80xi32, #tpu.memory_space<vmem>>) semaphore(%arg18 : memref<!tpu.dma_semaphore, #tpu.memory_space<semaphore_mem>>) {add = true}
    %dma_wait3A_764 = arith.constant 0 : i32
    %dma_wait3A_765 = arith.constant 28 : i32
    %dma_wait3A_766 = arith.constant 0 : i32
    %dma_wait3A_767 = arith.constant 0 : i32
    %dma_wait3A_768 = tpu.memref_slice %arg9[%dma_wait3A_764, %dma_wait3A_766, %dma_wait3A_767] : memref<4x80x128xf32, #tpu.memory_space<vmem>> -> memref<1x80x128xf32, #tpu.memory_space<vmem>>
    %dma_wait3A_769 = tpu.memref_squeeze %dma_wait3A_768 : memref<1x80x128xf32, #tpu.memory_space<vmem>> -> memref<80x128xf32, #tpu.memory_space<vmem>>
    %dma_wait3A_770 = arith.constant 0 : i32
    %dma_wait3A_771 = tpu.memref_slice %arg7[%dma_wait3A_765, %dma_wait3A_770] : memref<32x80xi32, #tpu.memory_space<vmem>> -> memref<1x80xi32, #tpu.memory_space<vmem>>
    %dma_wait3A_772 = tpu.memref_squeeze %dma_wait3A_771 : memref<1x80xi32, #tpu.memory_space<vmem>> -> memref<80xi32, #tpu.memory_space<vmem>>
    %dma_wait3A_773 = arith.constant 0 : i32
    %dma_wait3A_774 = arith.constant 0 : i32
    %dma_wait3A_775 = tpu.memref_slice %arg10[%dma_wait3A_773, %dma_wait3A_774] : memref<10240x128xf32, #tpu.memory_space<vmem_shared>> -> memref<10240x128xf32, #tpu.memory_space<vmem_shared>>
    tpu.wait_indirect_dma semaphore(%arg15 : memref<!tpu.dma_semaphore, #tpu.memory_space<semaphore_mem>>) src(%dma_wait3A_769 : memref<80x128xf32, #tpu.memory_space<vmem>>) dst(%dma_wait3A_775 : memref<10240x128xf32, #tpu.memory_space<vmem_shared>>)
    %dma_wait3A_776 = arith.constant 1 : i32
    %dma_wait3A_777 = arith.constant 29 : i32
    %dma_wait3A_778 = arith.constant 0 : i32
    %dma_wait3A_779 = arith.constant 0 : i32
    %dma_wait3A_780 = tpu.memref_slice %arg9[%dma_wait3A_776, %dma_wait3A_778, %dma_wait3A_779] : memref<4x80x128xf32, #tpu.memory_space<vmem>> -> memref<1x80x128xf32, #tpu.memory_space<vmem>>
    %dma_wait3A_781 = tpu.memref_squeeze %dma_wait3A_780 : memref<1x80x128xf32, #tpu.memory_space<vmem>> -> memref<80x128xf32, #tpu.memory_space<vmem>>
    %dma_wait3A_782 = arith.constant 0 : i32
    %dma_wait3A_783 = tpu.memref_slice %arg7[%dma_wait3A_777, %dma_wait3A_782] : memref<32x80xi32, #tpu.memory_space<vmem>> -> memref<1x80xi32, #tpu.memory_space<vmem>>
    %dma_wait3A_784 = tpu.memref_squeeze %dma_wait3A_783 : memref<1x80xi32, #tpu.memory_space<vmem>> -> memref<80xi32, #tpu.memory_space<vmem>>
    %dma_wait3A_785 = arith.constant 0 : i32
    %dma_wait3A_786 = arith.constant 0 : i32
    %dma_wait3A_787 = tpu.memref_slice %arg10[%dma_wait3A_785, %dma_wait3A_786] : memref<10240x128xf32, #tpu.memory_space<vmem_shared>> -> memref<10240x128xf32, #tpu.memory_space<vmem_shared>>
    tpu.wait_indirect_dma semaphore(%arg16 : memref<!tpu.dma_semaphore, #tpu.memory_space<semaphore_mem>>) src(%dma_wait3A_781 : memref<80x128xf32, #tpu.memory_space<vmem>>) dst(%dma_wait3A_787 : memref<10240x128xf32, #tpu.memory_space<vmem_shared>>)
    %dma_wait3A_788 = arith.constant 2 : i32
    %dma_wait3A_789 = arith.constant 30 : i32
    %dma_wait3A_790 = arith.constant 0 : i32
    %dma_wait3A_791 = arith.constant 0 : i32
    %dma_wait3A_792 = tpu.memref_slice %arg9[%dma_wait3A_788, %dma_wait3A_790, %dma_wait3A_791] : memref<4x80x128xf32, #tpu.memory_space<vmem>> -> memref<1x80x128xf32, #tpu.memory_space<vmem>>
    %dma_wait3A_793 = tpu.memref_squeeze %dma_wait3A_792 : memref<1x80x128xf32, #tpu.memory_space<vmem>> -> memref<80x128xf32, #tpu.memory_space<vmem>>
    %dma_wait3A_794 = arith.constant 0 : i32
    %dma_wait3A_795 = tpu.memref_slice %arg7[%dma_wait3A_789, %dma_wait3A_794] : memref<32x80xi32, #tpu.memory_space<vmem>> -> memref<1x80xi32, #tpu.memory_space<vmem>>
    %dma_wait3A_796 = tpu.memref_squeeze %dma_wait3A_795 : memref<1x80xi32, #tpu.memory_space<vmem>> -> memref<80xi32, #tpu.memory_space<vmem>>
    %dma_wait3A_797 = arith.constant 0 : i32
    %dma_wait3A_798 = arith.constant 0 : i32
    %dma_wait3A_799 = tpu.memref_slice %arg10[%dma_wait3A_797, %dma_wait3A_798] : memref<10240x128xf32, #tpu.memory_space<vmem_shared>> -> memref<10240x128xf32, #tpu.memory_space<vmem_shared>>
    tpu.wait_indirect_dma semaphore(%arg17 : memref<!tpu.dma_semaphore, #tpu.memory_space<semaphore_mem>>) src(%dma_wait3A_793 : memref<80x128xf32, #tpu.memory_space<vmem>>) dst(%dma_wait3A_799 : memref<10240x128xf32, #tpu.memory_space<vmem_shared>>)
    %dma_wait3A_800 = arith.constant 3 : i32
    %dma_wait3A_801 = arith.constant 31 : i32
    %dma_wait3A_802 = arith.constant 0 : i32
    %dma_wait3A_803 = arith.constant 0 : i32
    %dma_wait3A_804 = tpu.memref_slice %arg9[%dma_wait3A_800, %dma_wait3A_802, %dma_wait3A_803] : memref<4x80x128xf32, #tpu.memory_space<vmem>> -> memref<1x80x128xf32, #tpu.memory_space<vmem>>
    %dma_wait3A_805 = tpu.memref_squeeze %dma_wait3A_804 : memref<1x80x128xf32, #tpu.memory_space<vmem>> -> memref<80x128xf32, #tpu.memory_space<vmem>>
    %dma_wait3A_806 = arith.constant 0 : i32
    %dma_wait3A_807 = tpu.memref_slice %arg7[%dma_wait3A_801, %dma_wait3A_806] : memref<32x80xi32, #tpu.memory_space<vmem>> -> memref<1x80xi32, #tpu.memory_space<vmem>>
    %dma_wait3A_808 = tpu.memref_squeeze %dma_wait3A_807 : memref<1x80xi32, #tpu.memory_space<vmem>> -> memref<80xi32, #tpu.memory_space<vmem>>
    %dma_wait3A_809 = arith.constant 0 : i32
    %dma_wait3A_810 = arith.constant 0 : i32
    %dma_wait3A_811 = tpu.memref_slice %arg10[%dma_wait3A_809, %dma_wait3A_810] : memref<10240x128xf32, #tpu.memory_space<vmem_shared>> -> memref<10240x128xf32, #tpu.memory_space<vmem_shared>>
    tpu.wait_indirect_dma semaphore(%arg18 : memref<!tpu.dma_semaphore, #tpu.memory_space<semaphore_mem>>) src(%dma_wait3A_805 : memref<80x128xf32, #tpu.memory_space<vmem>>) dst(%dma_wait3A_811 : memref<10240x128xf32, #tpu.memory_space<vmem_shared>>)
    %barrier3A_812 = arith.constant 0 : index
    tpu.barrier barrier_id(%barrier3A_812)
    %mul3A_813 = arith.constant 640 : i32
    %mul3A_814 = arith.muli %arg1, %mul3A_813 : i32
    %mul3A_815 = arith.constant 640 : i32
    %mul3A_816 = arith.muli %arg1, %mul3A_815 : i32
    "tpu.region"() ({
      %run_scoped3A = tpu.sem_alloc : memref<!tpu.dma_semaphore, #tpu.memory_space<semaphore_mem>>
      %dma_start3A_817 = arith.constant 0 : i32
      %dma_start3A_818 = tpu.memref_slice %arg6[%arg0, %mul3A_816, %dma_start3A_817] : memref<2x10240x128xf32, #tpu.memory_space<hbm>> -> memref<1x640x128xf32, #tpu.memory_space<hbm>>
      %dma_start3A_819 = tpu.memref_squeeze %dma_start3A_818 : memref<1x640x128xf32, #tpu.memory_space<hbm>> -> memref<640x128xf32, #tpu.memory_space<hbm>>
      %dma_start3A_820 = arith.constant 0 : i32
      %dma_start3A_821 = tpu.memref_slice %arg10[%mul3A_814, %dma_start3A_820] : memref<10240x128xf32, #tpu.memory_space<vmem_shared>> -> memref<640x128xf32, #tpu.memory_space<vmem_shared>>
      tpu.enqueue_dma source(%dma_start3A_821 : memref<640x128xf32, #tpu.memory_space<vmem_shared>>) target(%dma_start3A_819 : memref<640x128xf32, #tpu.memory_space<hbm>>) target_semaphore(%run_scoped3A : memref<!tpu.dma_semaphore, #tpu.memory_space<semaphore_mem>>)
      %dma_wait3A_822 = arith.constant 0 : i32
      %dma_wait3A_823 = tpu.memref_slice %arg6[%arg0, %mul3A_816, %dma_wait3A_822] : memref<2x10240x128xf32, #tpu.memory_space<hbm>> -> memref<1x640x128xf32, #tpu.memory_space<hbm>>
      %dma_wait3A_824 = tpu.memref_squeeze %dma_wait3A_823 : memref<1x640x128xf32, #tpu.memory_space<hbm>> -> memref<640x128xf32, #tpu.memory_space<hbm>>
      %dma_wait3A_825 = arith.constant 0 : i32
      %dma_wait3A_826 = tpu.memref_slice %arg10[%mul3A_814, %dma_wait3A_825] : memref<10240x128xf32, #tpu.memory_space<vmem_shared>> -> memref<640x128xf32, #tpu.memory_space<vmem_shared>>
      tpu.wait_dma2 semaphore(%run_scoped3A : memref<!tpu.dma_semaphore, #tpu.memory_space<semaphore_mem>>) src(%dma_wait3A_826 : memref<640x128xf32, #tpu.memory_space<vmem_shared>>) dst(%dma_wait3A_824 : memref<640x128xf32, #tpu.memory_space<hbm>>)
      tpu.yield
    }) : () -> ()
    return
  }
}

module attributes {stable_mosaic.version = 14 : i64} {
  func.func @_tc_project(%arg0: i32, %arg1: memref<512x128xf32, #tpu.memory_space<vmem>>, %arg2: memref<128x128xf32, #tpu.memory_space<vmem>>, %arg3: memref<1x32x2x512xf32, #tpu.memory_space<vmem>>, %arg4: memref<512x128xf32, #tpu.memory_space<vmem>>) attributes {dimension_semantics = [#tpu.dimension_semantics<arbitrary>], iteration_bounds = array<i64: 20>, scalar_prefetch = 0 : i64, scratch_operands = 0 : i64, tpu.core_type = #tpu.core_type<tc>, window_params = [{transform_indices = @transform_0, window_bounds = array<i64: 512, 128>}, {pipeline_mode = #tpu.pipeline_mode<synchronous>, transform_indices = @transform_1, window_bounds = array<i64: 128, 128>}, {transform_indices = @transform_2, window_bounds = array<i64: 1, 32, 2, 512>}, {transform_indices = @transform_3, window_bounds = array<i64: 512, 128>}]} {
    %get3A = arith.constant 0 : index
    %get3A_0 = arith.constant 0 : index
    %get3A_1 = arith.constant 0 : index
    %get3A_2 = arith.constant 0 : index
    %get3A_3 = vector.load %arg3[%get3A, %get3A_0, %get3A_1, %get3A_2] : memref<1x32x2x512xf32, #tpu.memory_space<vmem>>, vector<1x32x1x512xf32>
    %get3A_4 = vector.shape_cast %get3A_3 : vector<1x32x1x512xf32> to vector<32x512xf32>
    %reduce_sum3A = arith.constant dense<0.000000e+00> : vector<512xf32>
    %reduce_sum3A_5 = vector.multi_reduction <add>, %get3A_4, %reduce_sum3A [0] : vector<32x512xf32> to vector<512xf32>
    %broadcast_in_dim3A = vector.shape_cast %reduce_sum3A_5 : vector<512xf32> to vector<1x512xf32>
    %gt3A = arith.constant 0.000000e+00 : f32
    %gt3A_6 = vector.broadcast %gt3A : f32 to vector<1x512xf32>
    %gt3A_7 = arith.cmpf ogt, %broadcast_in_dim3A, %gt3A_6 : vector<1x512xf32>
    %rsqrt3A = math.rsqrt %broadcast_in_dim3A : vector<1x512xf32>
    %jit3A = arith.constant 0.000000e+00 : f32
    %broadcast_in_dim3A_8 = vector.broadcast %jit3A : f32 to vector<1x512xf32>
    %select_n3A = arith.select %gt3A_7, %rsqrt3A, %broadcast_in_dim3A_8 : vector<1x512xi1>, vector<1x512xf32>
    %transpose3A = tpu.transpose %select_n3A, [1, 0] : vector<1x512xf32> -> vector<512x1xf32>
    %get3A_9 = arith.constant 0 : index
    %get3A_10 = arith.constant 0 : index
    %get3A_11 = vector.load %arg1[%get3A_9, %get3A_10] : memref<512x128xf32, #tpu.memory_space<vmem>>, vector<512x128xf32>
    %get3A_12 = arith.constant 0 : index
    %get3A_13 = arith.constant 0 : index
    %get3A_14 = vector.load %arg2[%get3A_12, %get3A_13] : memref<128x128xf32, #tpu.memory_space<vmem>>, vector<128x128xf32>
    %dot_general3A = arith.constant dense<0.000000e+00> : vector<512x128xf32>
    %dot_general3A_15 = tpu.matmul %get3A_11, %get3A_14, %dot_general3A {dimension_numbers = #tpu.dot_dimension_numbers<[1], [1], [0], [0], [0, 0, 1, 0], [], []>, transpose_lhs_hint = false} : vector<512x128xf32>, vector<128x128xf32>, vector<512x128xf32> -> vector<512x128xf32>
    %mul3A = vector.broadcast %transpose3A : vector<512x1xf32> to vector<512x128xf32>
    %mul3A_16 = arith.mulf %dot_general3A_15, %mul3A : vector<512x128xf32>
    %swap3A = arith.constant 0 : index
    %swap3A_17 = arith.constant 0 : index
    %swap3A_18 = vector.load %arg4[%swap3A, %swap3A_17] : memref<512x128xf32, #tpu.memory_space<vmem>>, vector<512x128xf32>
    tpu.vector_store %arg4[%swap3A, %swap3A_17], %mul3A_16 {strides = array<i32>} : memref<512x128xf32, #tpu.memory_space<vmem>>, vector<512x128xf32>,
    return
  }
  func.func @transform_0(%arg0: i32) -> (i32, i32) {
    %c0_i32 = arith.constant 0 : i32
    %c0_i32_0 = arith.constant 0 : i32
    return %arg0, %c0_i32 : i32, i32
  }
  func.func @transform_1(%arg0: i32) -> (i32, i32) {
    %c0_i32 = arith.constant 0 : i32
    %c0_i32_0 = arith.constant 0 : i32
    %c0_i32_1 = arith.constant 0 : i32
    return %c0_i32, %c0_i32_0 : i32, i32
  }
  func.func @transform_2(%arg0: i32) -> (i32, i32, i32, i32) {
    %c0_i32 = arith.constant 0 : i32
    %c0_i32_0 = arith.constant 0 : i32
    %c0_i32_1 = arith.constant 0 : i32
    %c0_i32_2 = arith.constant 0 : i32
    return %c0_i32, %c0_i32_0, %c0_i32_1, %arg0 : i32, i32, i32, i32
  }
  func.func @transform_3(%arg0: i32) -> (i32, i32) {
    %c0_i32 = arith.constant 0 : i32
    %c0_i32_0 = arith.constant 0 : i32
    return %arg0, %c0_i32 : i32, i32
  }
}

module attributes {stable_mosaic.version = 14 : i64} {
  func.func @_tc_finalize(%arg0: i32, %arg1: memref<2x512x128xf32, #tpu.memory_space<vmem>>, %arg2: memref<1x32x2x512xf32, #tpu.memory_space<vmem>>, %arg3: memref<1x128xf32, #tpu.memory_space<vmem>>, %arg4: memref<512x128xf32, #tpu.memory_space<vmem>>) attributes {dimension_semantics = [#tpu.dimension_semantics<arbitrary>], iteration_bounds = array<i64: 20>, scalar_prefetch = 0 : i64, scratch_operands = 0 : i64, tpu.core_type = #tpu.core_type<tc>, window_params = [{transform_indices = @transform_0, window_bounds = array<i64: 2, 512, 128>}, {transform_indices = @transform_1, window_bounds = array<i64: 1, 32, 2, 512>}, {pipeline_mode = #tpu.pipeline_mode<synchronous>, transform_indices = @transform_2, window_bounds = array<i64: 1, 128>}, {transform_indices = @transform_3, window_bounds = array<i64: 512, 128>}]} {
    %get3A = arith.constant 0 : index
    %get3A_0 = arith.constant 0 : index
    %get3A_1 = arith.constant 1 : index
    %get3A_2 = arith.constant 0 : index
    %get3A_3 = vector.load %arg2[%get3A, %get3A_0, %get3A_1, %get3A_2] : memref<1x32x2x512xf32, #tpu.memory_space<vmem>>, vector<1x32x1x512xf32>
    %get3A_4 = vector.shape_cast %get3A_3 : vector<1x32x1x512xf32> to vector<32x512xf32>
    %reduce_sum3A = arith.constant dense<0.000000e+00> : vector<512xf32>
    %reduce_sum3A_5 = vector.multi_reduction <add>, %get3A_4, %reduce_sum3A [0] : vector<32x512xf32> to vector<512xf32>
    %broadcast_in_dim3A = vector.shape_cast %reduce_sum3A_5 : vector<512xf32> to vector<1x512xf32>
    %gt3A = arith.constant 0.000000e+00 : f32
    %gt3A_6 = vector.broadcast %gt3A : f32 to vector<1x512xf32>
    %gt3A_7 = arith.cmpf ogt, %broadcast_in_dim3A, %gt3A_6 : vector<1x512xf32>
    %rsqrt3A = math.rsqrt %broadcast_in_dim3A : vector<1x512xf32>
    %jit3A = arith.constant 0.000000e+00 : f32
    %broadcast_in_dim3A_8 = vector.broadcast %jit3A : f32 to vector<1x512xf32>
    %select_n3A = arith.select %gt3A_7, %rsqrt3A, %broadcast_in_dim3A_8 : vector<1x512xi1>, vector<1x512xf32>
    %transpose3A = tpu.transpose %select_n3A, [1, 0] : vector<1x512xf32> -> vector<512x1xf32>
    %get3A_9 = arith.constant 0 : index
    %get3A_10 = arith.constant 0 : index
    %get3A_11 = arith.constant 0 : index
    %get3A_12 = vector.load %arg1[%get3A_9, %get3A_10, %get3A_11] : memref<2x512x128xf32, #tpu.memory_space<vmem>>, vector<1x512x128xf32>
    %get3A_13 = vector.shape_cast %get3A_12 : vector<1x512x128xf32> to vector<512x128xf32>
    %get3A_14 = arith.constant 1 : index
    %get3A_15 = arith.constant 0 : index
    %get3A_16 = arith.constant 0 : index
    %get3A_17 = vector.load %arg1[%get3A_14, %get3A_15, %get3A_16] : memref<2x512x128xf32, #tpu.memory_space<vmem>>, vector<1x512x128xf32>
    %get3A_18 = vector.shape_cast %get3A_17 : vector<1x512x128xf32> to vector<512x128xf32>
    %add3A = arith.addf %get3A_13, %get3A_18 : vector<512x128xf32>
    %mul3A = vector.broadcast %transpose3A : vector<512x1xf32> to vector<512x128xf32>
    %mul3A_19 = arith.mulf %mul3A, %add3A : vector<512x128xf32>
    %get3A_20 = arith.constant 0 : index
    %get3A_21 = arith.constant 0 : index
    %get3A_22 = vector.load %arg3[%get3A_20, %get3A_21] : memref<1x128xf32, #tpu.memory_space<vmem>>, vector<1x128xf32>
    %add3A_23 = vector.broadcast %get3A_22 : vector<1x128xf32> to vector<512x128xf32>
    %add3A_24 = arith.addf %mul3A_19, %add3A_23 : vector<512x128xf32>
    %swap3A = arith.constant 0 : index
    %swap3A_25 = arith.constant 0 : index
    %swap3A_26 = vector.load %arg4[%swap3A, %swap3A_25] : memref<512x128xf32, #tpu.memory_space<vmem>>, vector<512x128xf32>
    tpu.vector_store %arg4[%swap3A, %swap3A_25], %add3A_24 {strides = array<i32>} : memref<512x128xf32, #tpu.memory_space<vmem>>, vector<512x128xf32>,
    return
  }
  func.func @transform_0(%arg0: i32) -> (i32, i32, i32) {
    %c0_i32 = arith.constant 0 : i32
    %c0_i32_0 = arith.constant 0 : i32
    %c0_i32_1 = arith.constant 0 : i32
    return %c0_i32, %arg0, %c0_i32_0 : i32, i32, i32
  }
  func.func @transform_1(%arg0: i32) -> (i32, i32, i32, i32) {
    %c0_i32 = arith.constant 0 : i32
    %c0_i32_0 = arith.constant 0 : i32
    %c0_i32_1 = arith.constant 0 : i32
    %c0_i32_2 = arith.constant 0 : i32
    return %c0_i32, %c0_i32_0, %c0_i32_1, %arg0 : i32, i32, i32, i32
  }
  func.func @transform_2(%arg0: i32) -> (i32, i32) {
    %c0_i32 = arith.constant 0 : i32
    %c0_i32_0 = arith.constant 0 : i32
    %c0_i32_1 = arith.constant 0 : i32
    return %c0_i32, %c0_i32_0 : i32, i32
  }
  func.func @transform_3(%arg0: i32) -> (i32, i32) {
    %c0_i32 = arith.constant 0 : i32
    %c0_i32_0 = arith.constant 0 : i32
    return %arg0, %c0_i32 : i32, i32
  }
}

</mosaic_0001>

<sc_bundles>
// kernel: kernel.6.cloned.1.call-start
scs
__scs_entry_jumppad:
0x0: {  	(pc) =	sbr.rel $0x88, $3  }
0x1: {  	(tag) =	ssettag $0x0;
	lr =	simm.s32 $0x1  }
0x2: {  	[smem:$0x3F9D] =	sst lr;
	_ =	strace $0xD0000000  }
0x3: {  	_ = 	snop  }
0x4: {  	_ = 	snop  }
0x5: {  	_ = 	snop  }
0x6: {  	_ = 	snop  }
0x7: {  	_ = 	snop  }
__scs_overlays_trampoline_lowered:
0x8: {  	[smem:$0x3FAC] =	sst s0  }
0x9: {  	[smem:$0x3FAD] =	sst s1  }
0xa: {  	[smem:$0x3FAE] =	sst s2  }
0xb: {  	[smem:$0x3FAF] =	sst s3  }
0xc: {  	[smem:$0x3FB0] =	sst s4  }
0xd: {  	[smem:$0x3FB1] =	sst s5  }
0xe: {  	[smem:$0x3FB2] =	sst s6  }
0xf: {  	[smem:$0x3FB3] =	sst s7  }
0x10: {  	[smem:$0x3FB4] =	sst s8  }
0x11: {  	[smem:$0x3FB5] =	sst s9;
	s0 =	simm.s32 @!p0 $0x0  }
0x12: {  	s1 =	sld [smem:$0x3F9B];
	s0 =	simm.s32 @p0 $0x1  }
0x13: {  	[smem:$0x3FB6] =	sst s0;
	s0 =	simm.s32 @!p1 $0x0  }
0x14: {  	s2 =	sld [smem:$0x3F9A];
	s0 =	simm.s32 @p1 $0x1  }
0x15: {  	[smem:$0x3FB7] =	sst s0;
	s0 =	simm.s32 @!p2 $0x0  }
0x16: {  	s3 =	sld [smem:$0x3FDB];
	s0 =	simm.s32 @p2 $0x1  }
0x17: {  	s4 =	simm.s32 $0x1BF5;
	[smem:$0x3FB9] =	sst s0  }
0x18: {  	s0 =	sld [smem:$0x3F9C];
	_ =	swait.ge [sflag:s4], $0x0  }
0x19: {  	s7 =	sld [smem:$0x3F9D]  }
0x1a: {  	s8 =	sadd.s32 $0xFFFFE003, lr  }
0x1b: {  	s9 =	sadd.s32 $0xFFFFFEF7, lr;
	s5 =	simm.s32 $0xFFFFFFFF;
	p2 =	slt.u32 s8, $0xFFFFF086  }
0x1c: {  	p1 =	slt.u32 s9, $0xF7A;
	s5 =	simm.s32 @!p2 $0x0  }
0x1d: {  	s5 =	simm.s32 @p1 $0x1;
	p0 =	seq.s32 s7, s2  }
0x1e: {  	s7 =	smul.u32 @!p0 $0xF7A, s2;
	p2 =	seq.s32 @!p0 s5, $0x0  }
0x1f: {  	s9 =	smul.u32 $0xF7A, s1;
	s8 =	simm.s32 @!p0 $0x1BF5;
	p2 =	por !p2, p0  }
0x20: {  	[sflag:s8] =	ssyncset.s32 @!p0 $0xFFFFF086;
	s6 =	sadd.s32 @!p0 s3, s7;
	s7 =	simm.s32 @!p0 $0x108  }
0x21: {  	s3 =	sadd.s32 s3, s9;
	s6 =	sadd.s32 @!p0 $0x88, s6;
	s7 =	simm.s32 @p2 $0x1082  }
0x22: {  	[simem:s7], [sflag:s8] =	dma.local @!p0 [hbm:s6], $0xF7A  }
0x23: {  	s9 =	sor.u32 $0xD0000000, s2;
	s6 =	simm.s32 $0x108;
	_ =	swait.ge @!p0 [sflag:s8], $0x0  }
0x24: {  	s3 =	sadd.s32 $0x88, s3;
	s6 =	simm.s32 @!p1 $0x1082;
	[sflag:s4] =	ssyncset.s32 $0xFFFFF086  }
0x25: {  	[simem:s6], [sflag:s4] =	dma.local [hbm:s3], $0xF7A  }
0x26: {  	[smem:$0x3F9D] =	sst s1;
	(tag) =	ssettag s2;
	_ =	strace s9  }
0x27: {  	s1 =	sld [smem:$0x3FAD]  }
0x28: {  	s2 =	sld [smem:$0x3FAE]  }
0x29: {  	s4 =	sld [smem:$0x3FB0]  }
0x2a: {  	p0 =	seq.s32 s5, $0x0;
	s5 =	sld [smem:$0x3FB1]  }
0x2b: {  	s6 =	sld [smem:$0x3FB2]  }
0x2c: {  	s7 =	sld [smem:$0x3FB3]  }
0x2d: {  	s3 =	simm.s32 $0x108;
	s8 =	sld [smem:$0x3FB4]  }
0x2e: {  	s3 =	simm.s32 @!p0 $0x1082;
	s9 =	sld [smem:$0x3FB5]  }
0x2f: {  	lr =	sadd.s32 s0, s3;
	s0 =	sld [smem:$0x3FAC]  }
0x30: {  	s3 =	sld [smem:$0x3FAF]  }
0x31: {  	[smem:$0x3FB8] =	sst s10  }
0x32: {  	s10 =	sld [smem:$0x3FB6];
	_ =	sdelay $0x3  }
0x33: {  	p0 =	seq.s32 s10, $0x1;
	s10 =	sld [smem:$0x3FB8];
	_ =	sdelay $0x3  }
0x34: {  	[smem:$0x3FB8] =	sst s10  }
0x35: {  	s10 =	sld [smem:$0x3FB7];
	_ =	sdelay $0x3  }
0x36: {  	p1 =	seq.s32 s10, $0x1;
	s10 =	sld [smem:$0x3FB8];
	_ =	sdelay $0x3  }
0x37: {  	[smem:$0x3FB8] =	sst s10  }
0x38: {  	s10 =	sld [smem:$0x3FB9]  }
0x39: {  	_ = 	snop;
	(pc) =	sbr.ind lr, $3  }
0x3a: {  	_ = 	snop  }
0x3b: {  	_ = 	snop  }
0x3c: {  	p2 =	seq.s32 s10, $0x1;
	s10 =	sld [smem:$0x3FB8]  }
0x3d: {  	_ =	shalt  }
0x3e: {  	_ =	shalt  }
0x3f: {  	_ =	shalt  }
0x40: {  	_ =	shalt  }
0x41: {  	_ =	shalt  }
0x42: {  	_ =	shalt  }
0x43: {  	_ =	shalt  }
0x44: {  	_ =	shalt  }
0x45: {  	_ =	shalt  }
0x46: {  	_ =	shalt  }
0x47: {  	_ =	shalt  }
0x48: {  	_ =	shalt  }
0x49: {  	_ =	shalt  }
0x4a: {  	_ =	shalt  }
0x4b: {  	_ =	shalt  }
0x4c: {  	_ =	shalt  }
0x4d: {  	_ =	shalt  }
0x4e: {  	_ =	shalt  }
0x4f: {  	_ =	shalt  }
0x50: {  	_ =	shalt  }
0x51: {  	_ =	shalt  }
0x52: {  	_ =	shalt  }
0x53: {  	_ =	shalt  }
0x54: {  	_ =	shalt  }
0x55: {  	_ =	shalt  }
0x56: {  	_ =	shalt  }
0x57: {  	_ =	shalt  }
0x58: {  	_ =	shalt  }
0x59: {  	_ =	shalt  }
0x5a: {  	_ =	shalt  }
0x5b: {  	_ =	shalt  }
0x5c: {  	_ =	shalt  }
0x5d: {  	_ =	shalt  }
0x5e: {  	_ =	shalt  }
0x5f: {  	_ =	shalt  }
0x60: {  	_ =	shalt  }
0x61: {  	_ =	shalt  }
0x62: {  	_ =	shalt  }
0x63: {  	_ =	shalt  }
0x64: {  	_ =	shalt  }
0x65: {  	_ =	shalt  }
0x66: {  	_ =	shalt  }
0x67: {  	_ =	shalt  }
0x68: {  	_ =	shalt  }
0x69: {  	_ =	shalt  }
0x6a: {  	_ =	shalt  }
0x6b: {  	_ =	shalt  }
0x6c: {  	_ =	shalt  }
0x6d: {  	_ =	shalt  }
0x6e: {  	_ =	shalt  }
0x6f: {  	_ =	shalt  }
0x70: {  	_ =	shalt  }
0x71: {  	_ =	shalt  }
0x72: {  	_ =	shalt  }
0x73: {  	_ =	shalt  }
0x74: {  	_ =	shalt  }
0x75: {  	_ =	shalt  }
0x76: {  	_ =	shalt  }
0x77: {  	_ =	shalt  }
0x78: {  	_ =	shalt  }
0x79: {  	_ =	shalt  }
0x7a: {  	_ =	shalt  }
0x7b: {  	_ =	shalt  }
0x7c: {  	_ =	shalt  }
0x7d: {  	_ =	shalt  }
0x7e: {  	_ =	shalt  }
0x7f: {  	_ =	shalt  }
0x80: {  	_ =	shalt  }
0x81: {  	_ =	shalt  }
0x82: {  	_ =	shalt  }
0x83: {  	_ =	shalt  }
0x84: {  	_ =	shalt  }
0x85: {  	_ =	shalt  }
0x86: {  	_ =	shalt  }
0x87: {  	_ =	shalt  }
.Lfunc_end0:
.L_simem_size_0:
called_computation_lowered:
.L_overlay_start_0:
0x88: {  	s2 =	sld [smem:$0x3FD9]  }
0x89: {  	s3 =	sld [smem:$0x3FFE];
	_ =	sdelay $0x1  }
0x8a: {  	s1 =	srdreg.scid  }
0x8b: {  	s0 =	sand.u32 $0x1, s1  }
0x8c: {  	s17 =	sshll.u32 s0, $0xA;
	s2 =	sadd.s32 s3, s2  }
0x8d: {  	s2 =	sadd.s32 s2, s17  }
0x8e: {  	[smem:$0x3FC4] =	sst s2  }
0x8f: {  	_ = 	snop  }
0x90: {  	s2 =	sld [smem:$0x3FD0];
	(tm) =	ssettm $0x1  }
0x91: {  	s18 =	sld [smem:$0x3FFB];
	_ =	sdelay $0x3  }
0x92: {  	_ =	strace s18  }
0x93: {  	s3 =	sld [smem:$0x3FFC];
	_ =	sdelay $0x3  }
0x94: {  	_ =	strace s3  }
0x95: {  	s3 =	sld [smem:$0x3FFD];
	_ =	sdelay $0x3  }
0x96: {  	_ =	strace s3  }
0x97: {  	_ =	strace $0x8FFFFFFF  }
0x98: {  	s19 =	sld [smem:$0x3FDB];
	_ =	sdelay $0x1  }
0x99: {  	s4 =	simm.s32 $_scs_section_size  }
0x9a: {  	s5 =	simm.s32 $_size__tile_overlayer_lowered;
	s6 =	simm.s32 $_tile_overlayer_lowered  }
0x9b: {  	s22 =	simm.s32 $0x1BFF;
	s21 =	sshll.u32 s6, $0x1;
	s3 =	sadd.s32 s4, s19  }
0x9c: {  	s7 =	simm.s32 $0x0;
	s20 =	sshll.u32 s5, $0x1;
	s5 =	sadd.s32 s21, s3  }
0x9d: {  	[timem:s7], [sflag:s22] =	dma.local [hbm:s5], s20  }
0x9e: {  	_ =	swait.ge [sflag:s22], s20  }
0x9f: {  	s4 =	ssub.s32 $0x0, s20;
	[sflag:s22] =	ssyncset.done $0x0  }
0xa0: {  	[sflag:s22] =	ssyncadd.s32 s4;
	_ =	sdelay $0x1  }
0xa1: {  	s23 =	simm.s32 $0x1B8B  }
0xa2: {  	_ =	swait.ge [sflag:s23], $0x1  }
0xa3: {  	[sflag:s23] =	ssyncset.done $0x0  }
0xa4: {  	s25 =	simm.s32 $0x1B8E;
	s24 =	sld [smem:$0x3FFE];
	[sflag:s23] =	ssyncadd.s32 $0xFFFFFFFF  }
0xa5: {  	s26 =	simm.s32 $execute0_lowered;
	[smem:$0x3FD2] =	sst s25  }
0xa6: {  	s5 =	sshll.u32 s26, $0x1;
	_ =	strace $0x80000046;
	[dreg:$0x1] =	wrdreg $0xFFFFFFFF  }
0xa7: {  	s28 =	simm.s32 $_size_execute0_lowered;
	s3 =	sadd.s32 s3, s5;
	[dreg:$0x0] =	wrdreg $0x0  }
0xa8: {  	s5 =	sshll.u32 s28, $0x1;
	[dreg:$0x2] =	wrdreg s3  }
0xa9: {  	[dreg:$0x3] =	wrdreg s5  }
0xaa: {  	[dreg:$0x4] =	wrdreg $0xC0  }
0xab: {  	_ =	task [dreg:s7], $0x5FFFF  }
0xac: {  	[dreg:$0x1] =	wrdreg $0xFFFFFFFF  }
0xad: {  	[dreg:$0x0] =	wrdreg $0x60  }
0xae: {  	[dreg:$0x2] =	wrdreg s24  }
0xaf: {  	[dreg:$0x3] =	wrdreg s2  }
0xb0: {  	[dreg:$0x4] =	wrdreg $0x9  }
0xb1: {  	_ =	task.clear_ibuf [dreg:s7], $0x5FFFF;
	_ =	strace $0x90000046  }
0xb2: {  	s29 =	simm.s32 $0x9;
	_ =	strace $0x80000048  }
0xb3: {  	_ =	swait.ge [sflag:s29], $0x1  }
0xb4: {  	[sflag:s29] =	ssyncadd.s32 $0xFFFFFFFF  }
0xb5: {  	_ =	strace $0x90000048  }
0xb6: {  	_ =	sfence  }
0xb7: {  	s30 =	sld [smem:$0x0];
	_ =	sdelay $0x2  }
0xb8: {  	s31 =	sshll.u32 s1, $0xD;
	s1 =	sshrl.u32 s1, $0x2  }
0xb9: {  	s3 =	sand.u32 $0x4000, s31;
	s1 =	sadd.s32 s1, s30  }
0xba: {  	s0 =	sor.u32 s3, s0;
	s1 =	sshll.u32 s1, $0x11  }
0xbb: {  	s0 =	sor.u32 s1, s0  }
0xbc: {  	s0 =	sadd.s32 $0x8F2B, s0  }
0xbd: {  	[sflag:s0] =	ssyncadd.remote.s32 $0x1  }
0xbe: {  	_ =	sfence.sel $0xFFFF  }
0xbf: {  	[dreg:$0x0] =	wrdreg $0xFFFFFFFF;
	(pc) =	sbr.abs _section_cstart, $3  }
0xc0: {  	[dreg:$0x1] =	wrdreg $0xFFFFFFFF  }
0xc1: {  	_ =	task.clear_ibuf [dreg:s7], $0x2FFFF;
	_ =	strace $0x9FFFFFFF  }
0xc2: {  	(tm) =	ssettm $0x7FFFFFFF  }
0xc3: {  	_ =	shalt  }
tec
execute0_lowered:
.L_overlay_start_1:
0x0: {  	(tag) =	ssettag $0x1  }
0x1: {  	s3 =	rddreg [dreg:$0x0]  }
0x2: {  	s6 =	rddreg [dreg:$0x1];
	s1 =	srdreg.scid  }
0x3: {  	s0 =	rddreg [dreg:$0x2];
	s2 =	simm.s32 $0x0;
	s10 =	simm.s32 $0x4000  }
0x4: {  	s11 =	simm.s32 $0x8000;
	s12 =	simm.s32 $0x80;
	s13 =	simm.s32 $0x100  }
0x5: {  	s14 =	simm.s32 $0xA800;
	s15 =	simm.s32 $0x0;
	s4 =	sand.u32 $0x1, s1  }
0x6: {  	[smem:$0x7FF] =	sst s2;
	s1 =	stileid.u32;
	s5 =	sshll.u32 s4, $0x4  }
0x7: {  	_ =	strace $0x80000047;
	s4 =	ssub.s32 $0x2, s4;
	s5 =	sor.u32 s1, s5  }
0x8: {  	s8 =	sshrl.u32 s4, $0x1;
	s7 =	sshll.u32 s5, $0xB;
	s9 =	smul.u32 $0xA00, s5  }
0x9: {  	s8 =	ssub.s32 s4, s8;
	s31 =	sadd.s32 s7, s3;
	s3 =	sadd.s32 $0x21400, s3  }
0xa: {  	s8 =	smax.u32 s8, $0x1;
	s4 =	sadd.s32 $0x11400, s31;
	s6 =	sadd.s32 s6, s9  }
0xb: {  	v0 =	vimm.f32 $1.000000000e+00;
	s5 =	sadd.s32 $0x1400, s31;
	s9 =	simm.s32 $0x1;
	s7 =	sadd.s32 $0x10, s6  }
.LBB2_1:
0xc: {  	[tilespmem:s2], [sflag:$0x1] =	stream.linear.gather [hbm4b:s4+s2], $0x4000, $0x38;
	[tilespmem:$0xD000] =	vst v63  }
0xd: {  	_ =	swait.ge [sflag:s9], $0x4000  }
0xe: {  	[sflag:s9] =	ssyncset.done $0x0  }
0xf: {  	[sflag:s9] =	ssyncadd.s32 $0xFFFFC000  }
0x10: {  	[tilespmem:s10], [sflag:$0x1] =	stream.linear.gather [hbm4b:s5+s2], $0x4000, $0x38;
	[tilespmem:$0xD000] =	vst v63  }
0x11: {  	_ =	swait.ge [sflag:s9], $0x4000  }
0x12: {  	[sflag:s9] =	ssyncset.done $0x0  }
0x13: {  	[sflag:s9] =	ssyncadd.s32 $0xFFFFC000  }
0x14: {  	[tilespmem:s11], [sflag:$0x1] =	stream.linear.gather [hbm4b:s3+s2], $0x5000, $0x38;
	[tilespmem:$0xD000] =	vst v63  }
0x15: {  	_ =	swait.ge [sflag:s9], $0x5000  }
0x16: {  	[sflag:s9] =	ssyncset.done $0x0  }
0x17: {  	s16 =	simm.s32 $0x0;
	[sflag:s9] =	ssyncadd.s32 $0xFFFFB000  }
.LBB2_2:
0x18: {  	s17 =	sshra.s32 s16, $0x2  }
0x19: {  	v1 =	vld [tilespmem:s17+$0x4000];
	_ =	sdelay $0x7  }
0x1a: {  	[tilespmem:v1+s11+$0x0] =	vst.idx.add.f32.msk $0xffff, v0  }
0x1b: {  	v1 =	vld [tilespmem:s17+$0x0];
	_ =	sdelay $0x4  }
0x1c: {  	v1 =	vadd.s32 $0x2800, v1;
	_ =	sdelay $0x4  }
0x1d: {  	[tilespmem:v1+s11+$0x0] =	vst.idx.add.f32.msk $0xffff, v0  }
0x1e: {  	v1 =	vld [tilespmem:s17+$0x4010];
	_ =	sdelay $0x7  }
0x1f: {  	[tilespmem:v1+s11+$0x0] =	vst.idx.add.f32.msk $0xffff, v0  }
0x20: {  	v1 =	vld [tilespmem:s17+$0x10];
	_ =	sdelay $0x4  }
0x21: {  	v1 =	vadd.s32 $0x2800, v1;
	_ =	sdelay $0x4  }
0x22: {  	[tilespmem:v1+s11+$0x0] =	vst.idx.add.f32.msk $0xffff, v0  }
0x23: {  	v1 =	vld [tilespmem:s17+$0x4020];
	_ =	sdelay $0x7  }
0x24: {  	[tilespmem:v1+s11+$0x0] =	vst.idx.add.f32.msk $0xffff, v0  }
0x25: {  	v1 =	vld [tilespmem:s17+$0x20];
	_ =	sdelay $0x4  }
0x26: {  	v1 =	vadd.s32 $0x2800, v1;
	_ =	sdelay $0x4  }
0x27: {  	[tilespmem:v1+s11+$0x0] =	vst.idx.add.f32.msk $0xffff, v0  }
0x28: {  	v1 =	vld [tilespmem:s17+$0x4030];
	_ =	sdelay $0x7  }
0x29: {  	[tilespmem:v1+s11+$0x0] =	vst.idx.add.f32.msk $0xffff, v0  }
0x2a: {  	v1 =	vld [tilespmem:s17+$0x30];
	_ =	sdelay $0x4  }
0x2b: {  	v1 =	vadd.s32 $0x2800, v1;
	_ =	sdelay $0x4  }
0x2c: {  	[tilespmem:v1+s11+$0x0] =	vst.idx.add.f32.msk $0xffff, v0  }
0x2d: {  	v1 =	vld [tilespmem:s17+$0x4040];
	_ =	sdelay $0x7  }
0x2e: {  	[tilespmem:v1+s11+$0x0] =	vst.idx.add.f32.msk $0xffff, v0  }
0x2f: {  	v1 =	vld [tilespmem:s17+$0x40];
	_ =	sdelay $0x4  }
0x30: {  	p0 =	sne.s32 s16, $0xFE00;
	v1 =	vadd.s32 $0x2800, v1  }
.Ltmp0:
0x31: {  	_ = 	snop;
	(pc) =	sbr.rel @p0 .LBB2_2-.Ltmp0, $2  }
0x32: {  	_ =	sdelay $0x2  }
0x33: {  	s16 =	sadd.s32 $0x200, s16;
	[tilespmem:v1+s11+$0x0] =	vst.idx.add.f32.msk $0xffff, v0  }
0x34: {  	[hbm4b:s6+s12] =	stream.strided.scatter [tilespmem:s11], [sflag:$0x1], $0x2800, s13, s12, $0x38;
	[tilespmem:$0xD000] =	vst v63  }
0x35: {  	s15 =	sadd.s32 $0x1, s15;
	_ =	swait.ge [sflag:s9], $0x2800  }
0x36: {  	p0 =	sne.s32 s15, s8;
	[sflag:s9] =	ssyncset.done $0x0  }
.Ltmp1:
0x37: {  	[sflag:s9] =	ssyncadd.s32 $0xFFFFD800;
	(pc) =	sbr.rel @p0 .LBB2_1-.Ltmp1, $4  }
0x38: {  	[hbm4b:s7+s12] =	stream.strided.scatter [tilespmem:s14], [sflag:$0x1], $0x2800, s13, s12, $0x38;
	[tilespmem:$0xD000] =	vst v63  }
0x39: {  	_ =	swait.ge [sflag:s9], $0x2800  }
0x3a: {  	[sflag:s9] =	ssyncset.done $0x0  }
0x3b: {  	[sflag:s9] =	ssyncadd.s32 $0xFFFFD800  }
0x3c: {  	_ =	sfence.sel $0x180000  }
0x3d: {  	[bflag:$0x0] =	sbarrier.arrive $0xFFFF  }
0x3e: {  	p0 =	sne.s32 s1, $0x0;
	_ =	strace $0x90000047  }
0x3f: {  	s0 =	sadd.s32 @!p0 $0x100000, s0;
	[bflag:$0x2] =	sbarrier.arrive $0xFFFF  }
0x40: {  	[sflag:s0] =	ssyncadd.tile.s32 @!p0 $0x1;
	_ =	shalt  }
.Lfunc_end2:
_tile_overlayer_lowered:
.L_overlay_start_2:
0x41: {  	(tag) =	ssettag $0x2  }
0x42: {  	s0 =	rddreg [dreg:$0x0];
	s2 =	stileid.u32  }
0x43: {  	s1 =	rddreg [dreg:$0x1];
	p0 =	sne.s32 s2, $0x0  }
0x44: {  	s3 =	rddreg [dreg:$0x2];
	[bflag:$0x3] =	sbarrier.arrive $0xFFFF;
	s2 =	simm.s32 @!p0 $0x1C01  }
0x45: {  	[timem:s3], [sflag:s2] =	dma.local @!p0 [hbm:s0], s1  }
0x46: {  	s0 =	simm.s32 @!p0 $0x1  }
0x47: {  	_ =	swait.ge @!p0 [sflag:s0], s1  }
0x48: {  	s1 =	ssub.s32 @!p0 $0x0, s1;
	[sflag:s0] =	ssyncset.done @!p0 $0x0  }
0x49: {  	[sflag:s0] =	ssyncadd.s32 @!p0 s1  }
0x4a: {  	[bflag:$0x3] =	sbarrier.arrive $0xFFFF  }
0x4b: {  	_ =	shalt  }

// kernel: kernel.9.cloned.1.call-start
scs
__scs_entry_jumppad:
0x0: {  	(pc) =	sbr.rel $0x88, $3  }
0x1: {  	(tag) =	ssettag $0x0;
	lr =	simm.s32 $0x1  }
0x2: {  	[smem:$0x3F9D] =	sst lr;
	_ =	strace $0xD0000000  }
0x3: {  	_ = 	snop  }
0x4: {  	_ = 	snop  }
0x5: {  	_ = 	snop  }
0x6: {  	_ = 	snop  }
0x7: {  	_ = 	snop  }
__scs_overlays_trampoline_lowered:
0x8: {  	[smem:$0x3FAC] =	sst s0  }
0x9: {  	[smem:$0x3FAD] =	sst s1  }
0xa: {  	[smem:$0x3FAE] =	sst s2  }
0xb: {  	[smem:$0x3FAF] =	sst s3  }
0xc: {  	[smem:$0x3FB0] =	sst s4  }
0xd: {  	[smem:$0x3FB1] =	sst s5  }
0xe: {  	[smem:$0x3FB2] =	sst s6  }
0xf: {  	[smem:$0x3FB3] =	sst s7  }
0x10: {  	[smem:$0x3FB4] =	sst s8  }
0x11: {  	[smem:$0x3FB5] =	sst s9;
	s0 =	simm.s32 @!p0 $0x0  }
0x12: {  	s1 =	sld [smem:$0x3F9B];
	s0 =	simm.s32 @p0 $0x1  }
0x13: {  	[smem:$0x3FB6] =	sst s0;
	s0 =	simm.s32 @!p1 $0x0  }
0x14: {  	s2 =	sld [smem:$0x3F9A];
	s0 =	simm.s32 @p1 $0x1  }
0x15: {  	[smem:$0x3FB7] =	sst s0;
	s0 =	simm.s32 @!p2 $0x0  }
0x16: {  	s3 =	sld [smem:$0x3FDB];
	s0 =	simm.s32 @p2 $0x1  }
0x17: {  	s4 =	simm.s32 $0x1BF5;
	[smem:$0x3FB9] =	sst s0  }
0x18: {  	s0 =	sld [smem:$0x3F9C];
	_ =	swait.ge [sflag:s4], $0x0  }
0x19: {  	s7 =	sld [smem:$0x3F9D]  }
0x1a: {  	s8 =	sadd.s32 $0xFFFFE003, lr  }
0x1b: {  	s9 =	sadd.s32 $0xFFFFFEF7, lr;
	s5 =	simm.s32 $0xFFFFFFFF;
	p2 =	slt.u32 s8, $0xFFFFF086  }
0x1c: {  	p1 =	slt.u32 s9, $0xF7A;
	s5 =	simm.s32 @!p2 $0x0  }
0x1d: {  	s5 =	simm.s32 @p1 $0x1;
	p0 =	seq.s32 s7, s2  }
0x1e: {  	s7 =	smul.u32 @!p0 $0xF7A, s2;
	p2 =	seq.s32 @!p0 s5, $0x0  }
0x1f: {  	s9 =	smul.u32 $0xF7A, s1;
	s8 =	simm.s32 @!p0 $0x1BF5;
	p2 =	por !p2, p0  }
0x20: {  	[sflag:s8] =	ssyncset.s32 @!p0 $0xFFFFF086;
	s6 =	sadd.s32 @!p0 s3, s7;
	s7 =	simm.s32 @!p0 $0x108  }
0x21: {  	s3 =	sadd.s32 s3, s9;
	s6 =	sadd.s32 @!p0 $0x88, s6;
	s7 =	simm.s32 @p2 $0x1082  }
0x22: {  	[simem:s7], [sflag:s8] =	dma.local @!p0 [hbm:s6], $0xF7A  }
0x23: {  	s9 =	sor.u32 $0xD0000000, s2;
	s6 =	simm.s32 $0x108;
	_ =	swait.ge @!p0 [sflag:s8], $0x0  }
0x24: {  	s3 =	sadd.s32 $0x88, s3;
	s6 =	simm.s32 @!p1 $0x1082;
	[sflag:s4] =	ssyncset.s32 $0xFFFFF086  }
0x25: {  	[simem:s6], [sflag:s4] =	dma.local [hbm:s3], $0xF7A  }
0x26: {  	[smem:$0x3F9D] =	sst s1;
	(tag) =	ssettag s2;
	_ =	strace s9  }
0x27: {  	s1 =	sld [smem:$0x3FAD]  }
0x28: {  	s2 =	sld [smem:$0x3FAE]  }
0x29: {  	s4 =	sld [smem:$0x3FB0]  }
0x2a: {  	p0 =	seq.s32 s5, $0x0;
	s5 =	sld [smem:$0x3FB1]  }
0x2b: {  	s6 =	sld [smem:$0x3FB2]  }
0x2c: {  	s7 =	sld [smem:$0x3FB3]  }
0x2d: {  	s3 =	simm.s32 $0x108;
	s8 =	sld [smem:$0x3FB4]  }
0x2e: {  	s3 =	simm.s32 @!p0 $0x1082;
	s9 =	sld [smem:$0x3FB5]  }
0x2f: {  	lr =	sadd.s32 s0, s3;
	s0 =	sld [smem:$0x3FAC]  }
0x30: {  	s3 =	sld [smem:$0x3FAF]  }
0x31: {  	[smem:$0x3FB8] =	sst s10  }
0x32: {  	s10 =	sld [smem:$0x3FB6];
	_ =	sdelay $0x3  }
0x33: {  	p0 =	seq.s32 s10, $0x1;
	s10 =	sld [smem:$0x3FB8];
	_ =	sdelay $0x3  }
0x34: {  	[smem:$0x3FB8] =	sst s10  }
0x35: {  	s10 =	sld [smem:$0x3FB7];
	_ =	sdelay $0x3  }
0x36: {  	p1 =	seq.s32 s10, $0x1;
	s10 =	sld [smem:$0x3FB8];
	_ =	sdelay $0x3  }
0x37: {  	[smem:$0x3FB8] =	sst s10  }
0x38: {  	s10 =	sld [smem:$0x3FB9]  }
0x39: {  	_ = 	snop;
	(pc) =	sbr.ind lr, $3  }
0x3a: {  	_ = 	snop  }
0x3b: {  	_ = 	snop  }
0x3c: {  	p2 =	seq.s32 s10, $0x1;
	s10 =	sld [smem:$0x3FB8]  }
0x3d: {  	_ =	shalt  }
0x3e: {  	_ =	shalt  }
0x3f: {  	_ =	shalt  }
0x40: {  	_ =	shalt  }
0x41: {  	_ =	shalt  }
0x42: {  	_ =	shalt  }
0x43: {  	_ =	shalt  }
0x44: {  	_ =	shalt  }
0x45: {  	_ =	shalt  }
0x46: {  	_ =	shalt  }
0x47: {  	_ =	shalt  }
0x48: {  	_ =	shalt  }
0x49: {  	_ =	shalt  }
0x4a: {  	_ =	shalt  }
0x4b: {  	_ =	shalt  }
0x4c: {  	_ =	shalt  }
0x4d: {  	_ =	shalt  }
0x4e: {  	_ =	shalt  }
0x4f: {  	_ =	shalt  }
0x50: {  	_ =	shalt  }
0x51: {  	_ =	shalt  }
0x52: {  	_ =	shalt  }
0x53: {  	_ =	shalt  }
0x54: {  	_ =	shalt  }
0x55: {  	_ =	shalt  }
0x56: {  	_ =	shalt  }
0x57: {  	_ =	shalt  }
0x58: {  	_ =	shalt  }
0x59: {  	_ =	shalt  }
0x5a: {  	_ =	shalt  }
0x5b: {  	_ =	shalt  }
0x5c: {  	_ =	shalt  }
0x5d: {  	_ =	shalt  }
0x5e: {  	_ =	shalt  }
0x5f: {  	_ =	shalt  }
0x60: {  	_ =	shalt  }
0x61: {  	_ =	shalt  }
0x62: {  	_ =	shalt  }
0x63: {  	_ =	shalt  }
0x64: {  	_ =	shalt  }
0x65: {  	_ =	shalt  }
0x66: {  	_ =	shalt  }
0x67: {  	_ =	shalt  }
0x68: {  	_ =	shalt  }
0x69: {  	_ =	shalt  }
0x6a: {  	_ =	shalt  }
0x6b: {  	_ =	shalt  }
0x6c: {  	_ =	shalt  }
0x6d: {  	_ =	shalt  }
0x6e: {  	_ =	shalt  }
0x6f: {  	_ =	shalt  }
0x70: {  	_ =	shalt  }
0x71: {  	_ =	shalt  }
0x72: {  	_ =	shalt  }
0x73: {  	_ =	shalt  }
0x74: {  	_ =	shalt  }
0x75: {  	_ =	shalt  }
0x76: {  	_ =	shalt  }
0x77: {  	_ =	shalt  }
0x78: {  	_ =	shalt  }
0x79: {  	_ =	shalt  }
0x7a: {  	_ =	shalt  }
0x7b: {  	_ =	shalt  }
0x7c: {  	_ =	shalt  }
0x7d: {  	_ =	shalt  }
0x7e: {  	_ =	shalt  }
0x7f: {  	_ =	shalt  }
0x80: {  	_ =	shalt  }
0x81: {  	_ =	shalt  }
0x82: {  	_ =	shalt  }
0x83: {  	_ =	shalt  }
0x84: {  	_ =	shalt  }
0x85: {  	_ =	shalt  }
0x86: {  	_ =	shalt  }
0x87: {  	_ =	shalt  }
.Lfunc_end0:
.L_simem_size_0:
called_computation.1_lowered:
.L_overlay_start_0:
0x88: {  	s2 =	sld [smem:$0x3FD9]  }
0x89: {  	s3 =	sld [smem:$0x3FFE];
	_ =	sdelay $0x1  }
0x8a: {  	s1 =	srdreg.scid  }
0x8b: {  	s0 =	sand.u32 $0x1, s1  }
0x8c: {  	s17 =	sshll.u32 s0, $0xA;
	s2 =	sadd.s32 s3, s2  }
0x8d: {  	s2 =	sadd.s32 s2, s17  }
0x8e: {  	[smem:$0x3FC4] =	sst s2  }
0x8f: {  	_ = 	snop  }
0x90: {  	s2 =	sld [smem:$0x3FD0];
	(tm) =	ssettm $0x1  }
0x91: {  	s18 =	sld [smem:$0x3FFB];
	_ =	sdelay $0x3  }
0x92: {  	_ =	strace s18  }
0x93: {  	s3 =	sld [smem:$0x3FFC];
	_ =	sdelay $0x3  }
0x94: {  	_ =	strace s3  }
0x95: {  	s3 =	sld [smem:$0x3FFD];
	_ =	sdelay $0x3  }
0x96: {  	_ =	strace s3  }
0x97: {  	_ =	strace $0x8FFFFFFF  }
0x98: {  	s19 =	sld [smem:$0x3FDB];
	_ =	sdelay $0x1  }
0x99: {  	s4 =	simm.s32 $_scs_section_size  }
0x9a: {  	s5 =	simm.s32 $_size__tile_overlayer_lowered;
	s6 =	simm.s32 $_tile_overlayer_lowered  }
0x9b: {  	s22 =	simm.s32 $0x1BFF;
	s21 =	sshll.u32 s6, $0x1;
	s3 =	sadd.s32 s4, s19  }
0x9c: {  	s7 =	simm.s32 $0x0;
	s20 =	sshll.u32 s5, $0x1;
	s5 =	sadd.s32 s21, s3  }
0x9d: {  	[timem:s7], [sflag:s22] =	dma.local [hbm:s5], s20  }
0x9e: {  	_ =	swait.ge [sflag:s22], s20  }
0x9f: {  	s4 =	ssub.s32 $0x0, s20;
	[sflag:s22] =	ssyncset.done $0x0  }
0xa0: {  	[sflag:s22] =	ssyncadd.s32 s4;
	_ =	sdelay $0x1  }
0xa1: {  	s23 =	simm.s32 $0x1B8B  }
0xa2: {  	_ =	swait.ge [sflag:s23], $0x1  }
0xa3: {  	[sflag:s23] =	ssyncset.done $0x0  }
0xa4: {  	s25 =	simm.s32 $0x1B8E;
	s24 =	sld [smem:$0x3FFE];
	[sflag:s23] =	ssyncadd.s32 $0xFFFFFFFF  }
0xa5: {  	s26 =	simm.s32 $execute0_lowered;
	[smem:$0x3FD2] =	sst s25  }
0xa6: {  	s5 =	sshll.u32 s26, $0x1;
	_ =	strace $0x80000049;
	[dreg:$0x1] =	wrdreg $0xFFFFFFFF  }
0xa7: {  	s28 =	simm.s32 $_size_execute0_lowered;
	s3 =	sadd.s32 s3, s5;
	[dreg:$0x0] =	wrdreg $0x0  }
0xa8: {  	s5 =	sshll.u32 s28, $0x1;
	[dreg:$0x2] =	wrdreg s3  }
0xa9: {  	[dreg:$0x3] =	wrdreg s5  }
0xaa: {  	[dreg:$0x4] =	wrdreg $0xC0  }
0xab: {  	_ =	task [dreg:s7], $0x5FFFF  }
0xac: {  	[dreg:$0x1] =	wrdreg $0xFFFFFFFF  }
0xad: {  	[dreg:$0x0] =	wrdreg $0x60  }
0xae: {  	[dreg:$0x2] =	wrdreg s24  }
0xaf: {  	[dreg:$0x3] =	wrdreg s2  }
0xb0: {  	[dreg:$0x4] =	wrdreg $0xC0000  }
0xb1: {  	[dreg:$0x5] =	wrdreg $0x9  }
0xb2: {  	_ =	task.clear_ibuf [dreg:s7], $0x6FFFF;
	_ =	strace $0x90000049  }
0xb3: {  	s29 =	simm.s32 $0x9;
	_ =	strace $0x8000004B  }
0xb4: {  	_ =	swait.ge [sflag:s29], $0x1  }
0xb5: {  	[sflag:s29] =	ssyncadd.s32 $0xFFFFFFFF  }
0xb6: {  	_ =	strace $0x9000004B  }
0xb7: {  	_ =	sfence  }
0xb8: {  	s30 =	sld [smem:$0x0];
	_ =	sdelay $0x2  }
0xb9: {  	s31 =	sshll.u32 s1, $0xD;
	s1 =	sshrl.u32 s1, $0x2  }
0xba: {  	s3 =	sand.u32 $0x4000, s31;
	s1 =	sadd.s32 s1, s30  }
0xbb: {  	s0 =	sor.u32 s3, s0;
	s1 =	sshll.u32 s1, $0x11  }
0xbc: {  	s0 =	sor.u32 s1, s0  }
0xbd: {  	s0 =	sadd.s32 $0x8F2B, s0  }
0xbe: {  	[sflag:s0] =	ssyncadd.remote.s32 $0x1  }
0xbf: {  	_ =	sfence.sel $0xFFFF  }
0xc0: {  	[dreg:$0x0] =	wrdreg $0xFFFFFFFF;
	(pc) =	sbr.abs _section_cstart, $3  }
0xc1: {  	[dreg:$0x1] =	wrdreg $0xFFFFFFFF  }
0xc2: {  	_ =	task.clear_ibuf [dreg:s7], $0x2FFFF;
	_ =	strace $0x9FFFFFFF  }
0xc3: {  	(tm) =	ssettm $0x7FFFFFFF  }
tec
execute0_lowered:
.L_overlay_start_1:
0x0: {  	(tag) =	ssettag $0x1  }
0x1: {  	s0 =	rddreg [dreg:$0x0]  }
0x2: {  	s2 =	rddreg [dreg:$0x2];
	s1 =	srdreg.scid;
	s4 =	simm.s32 $0x0  }
0x3: {  	s9 =	stileid.u32;
	s28 =	simm.s32 $0x9800;
	s29 =	simm.s32 $0x1  }
0x4: {  	s30 =	simm.s32 $0x2;
	s31 =	simm.s32 $0x3;
	s11 =	simm.s32 $0xF80  }
0x5: {  	s12 =	simm.s32 $0x0;
	s1 =	sand.u32 $0x1, s1;
	[smem:$0x7FF] =	sst s4  }
0x6: {  	s17 =	smul.u32 $0x14000, s9;
	s7 =	sadd.s32 $0x11400, s0;
	s8 =	sadd.s32 $0x1400, s0  }
0x7: {  	s5 =	sadd.s32 $0x21400, s0;
	s6 =	smul.u32 $0x50000, s9;
	s20 =	sshll.u32 s9, $0xB  }
0x8: {  	s9 =	sshll.u32 s9, $0x6;
	s4 =	simm.s32 $0x7;
	s3 =	smul.u32 $0x140000, s1  }
0x9: {  	_ =	strace $0x8000004A;
	s18 =	ssub.s32 $0x2, s1;
	s1 =	sshll.u32 s1, $0xF  }
0xa: {  	s19 =	sshrl.u32 s18, $0x1;
	s6 =	sshrl.u32 s6, $0x2;
	s1 =	sor.u32 s20, s1  }
0xb: {  	s20 =	simm.s32 $0x50;
	s3 =	sadd.s32 s17, s3;
	s21 =	sadd.s32 s6, s2  }
0xc: {  	s6 =	sor.u32 $0x1C09, s9;
	s22 =	sor.u32 $0x200, s1;
	s10 =	sadd.s32 s7, s1  }
0xd: {  	s23 =	sadd.s32 s8, s1;
	s25 =	sor.u32 $0x400, s1;
	[dreg:$0x4] =	wrdreg s10  }
0xe: {  	s1 =	sor.u32 $0x600, s1;
	s3 =	sshrl.u32 s3, $0x3;
	[dreg:$0x5] =	wrdreg s23  }
0xf: {  	s24 =	sadd.s32 s7, s22;
	s9 =	sadd.s32 s8, s22;
	s26 =	sadd.s32 s7, s25  }
0x10: {  	s7 =	sadd.s32 s7, s1;
	s1 =	sadd.s32 s8, s1;
	[dreg:$0x6] =	wrdreg s24  }
0x11: {  	s17 =	sshrl.u32 s21, $0x3;
	s21 =	simm.s32 $0x2000;
	[dreg:$0x7] =	wrdreg s9  }
0x12: {  	s22 =	simm.s32 $0x1080;
	s23 =	simm.s32 $0x4800;
	[dreg:$0x8] =	wrdreg s26  }
0x13: {  	s10 =	simm.s32 $0xF00;
	s0 =	sadd.s32 s3, s0;
	[dreg:$0xa] =	wrdreg s7  }
0x14: {  	s3 =	ssub.s32 s18, s19;
	s9 =	sadd.s32 s8, s25;
	[dreg:$0xb] =	wrdreg s1  }
0x15: {  	s18 =	simm.s32 $0x9;
	s19 =	simm.s32 $0x1000;
	s24 =	simm.s32 $0x1100  }
0x16: {  	s25 =	simm.s32 $0x7000;
	s26 =	simm.s32 $0x1180;
	s1 =	simm.s32 $0x6  }
0x17: {  	s7 =	simm.s32 $0x8;
	s8 =	simm.s32 $0xE00;
	[dreg:$0x9] =	wrdreg s9  }
0x18: {  	s0 =	sadd.s32 $0x49400, s0;
	s16 =	smax.u32 s3, $0x1;
	s3 =	simm.s32 $0x5  }
0x19: {  	s9 =	simm.s32 $0xE80;
	[dreg:$0xc] =	wrdreg s0;
	s0 =	simm.s32 $0x4  }
.LBB2_1:
0x1a: {  	s13 =	rddreg [dreg:$0x1]  }
0x1b: {  	[spmem:s17], [sflag:s6] =	dma.local [hbm:s13], $0x2800  }
0x1c: {  	_ =	swait.ge [sflag:s18], $0x2800  }
0x1d: {  	[sflag:s18] =	ssyncset.done $0x0  }
0x1e: {  	[sflag:s18] =	ssyncadd.s32 $0xFFFFD800  }
0x1f: {  	[bflag:$0x0] =	sbarrier.arrive $0xFFFF  }
0x20: {  	s13 =	simm.s32 $0x0;
	s14 =	rddreg [dreg:$0x4]  }
0x21: {  	[tilespmem:s13], [sflag:$0x9] =	stream.linear.gather [hbm4b:s14+s13], $0x1000, $0x38;
	v63 =	vld [tilespmem:$0x0]  }
0x22: {  	_ =	swait.ge [sflag:s18], $0x1000  }
0x23: {  	[sflag:s18] =	ssyncset.done $0x0  }
0x24: {  	s15 =	rddreg [dreg:$0x5];
	[sflag:s18] =	ssyncadd.s32 $0xFFFFF000  }
0x25: {  	[tilespmem:s19], [sflag:$0x9] =	stream.linear.gather [hbm4b:s15+s13], $0x1000, $0x38;
	v63 =	vld [tilespmem:$0x0]  }
0x26: {  	_ =	swait.ge [sflag:s18], $0x1000  }
0x27: {  	[sflag:s18] =	ssyncset.done $0x0  }
0x28: {  	[sflag:s18] =	ssyncadd.s32 $0xFFFFF000  }
0x29: {  	[tilespmem:s21], [sflag:$0x1] =	stream.indirect.gather [hbm4b:s5+s20], $0x80, s19, s20, $0xb8;
	v63 =	vld [tilespmem:$0x0]  }
0x2a: {  	_ = 	snop  }
0x2b: {  	[tilespmem:s23], [sflag:$0x2] =	stream.indirect.gather [hbm4b:s5+s20], $0x80, s22, s20, $0xb8;
	v63 =	vld [tilespmem:$0x0]  }
0x2c: {  	_ = 	snop  }
0x2d: {  	[tilespmem:s25], [sflag:$0x3] =	stream.indirect.gather [hbm4b:s5+s20], $0x80, s24, s20, $0xb8;
	v63 =	vld [tilespmem:$0x0]  }
0x2e: {  	_ = 	snop  }
0x2f: {  	[tilespmem:s28], [sflag:$0x4] =	stream.indirect.gather [hbm4b:s5+s20], $0x80, s26, s20, $0xb8;
	v63 =	vld [tilespmem:$0x0]  }
0x30: {  	_ =	swait.ge [sflag:s29], $0x2800  }
0x31: {  	[sflag:s29] =	ssyncset.done $0x0  }
0x32: {  	s15 =	simm.s32 $0x0;
	[sflag:s29] =	ssyncadd.s32 $0xFFFFD800  }
0x33: {  	[spmem:s2] =	stream.indirect.scatter.add.f32 [tilespmem:s21], [sflag:$0x5], $0x80, s15, s20, $0xb8;
	v63 =	vld [tilespmem:$0x0]  }
0x34: {  	_ =	swait.ge [sflag:s30], $0x2800  }
0x35: {  	[sflag:s30] =	ssyncset.done $0x0  }
0x36: {  	s14 =	simm.s32 $0x80;
	[sflag:s30] =	ssyncadd.s32 $0xFFFFD800  }
0x37: {  	[spmem:s2] =	stream.indirect.scatter.add.f32 [tilespmem:s23], [sflag:$0x6], $0x80, s14, s20, $0xb8;
	v63 =	vld [tilespmem:$0x0]  }
0x38: {  	_ =	swait.ge [sflag:s31], $0x2800  }
0x39: {  	[sflag:s31] =	ssyncset.done $0x0  }
0x3a: {  	s15 =	simm.s32 $0x100;
	[sflag:s31] =	ssyncadd.s32 $0xFFFFD800  }
0x3b: {  	[spmem:s2] =	stream.indirect.scatter.add.f32 [tilespmem:s25], [sflag:$0x7], $0x80, s15, s20, $0xb8;
	v63 =	vld [tilespmem:$0x0]  }
0x3c: {  	_ =	swait.ge [sflag:s0], $0x2800  }
0x3d: {  	[sflag:s0] =	ssyncset.done $0x0  }
0x3e: {  	s14 =	simm.s32 $0x180;
	[sflag:s0] =	ssyncadd.s32 $0xFFFFD800  }
0x3f: {  	[spmem:s2] =	stream.indirect.scatter.add.f32 [tilespmem:s28], [sflag:$0x8], $0x80, s14, s20, $0xb8;
	v63 =	vld [tilespmem:$0x0]  }
0x40: {  	_ =	swait.ge [sflag:s3], $0x2800  }
0x41: {  	[sflag:s3] =	ssyncset.done $0x0  }
0x42: {  	s15 =	simm.s32 $0x1200;
	[sflag:s3] =	ssyncadd.s32 $0xFFFFD800  }
0x43: {  	[tilespmem:s21], [sflag:$0x1] =	stream.indirect.gather [hbm4b:s5+s20], $0x80, s15, s20, $0xb8;
	v63 =	vld [tilespmem:$0x0]  }
0x44: {  	_ =	swait.ge [sflag:s1], $0x2800  }
0x45: {  	[sflag:s1] =	ssyncset.done $0x0  }
0x46: {  	s14 =	simm.s32 $0x1280;
	[sflag:s1] =	ssyncadd.s32 $0xFFFFD800  }
0x47: {  	[tilespmem:s23], [sflag:$0x2] =	stream.indirect.gather [hbm4b:s5+s20], $0x80, s14, s20, $0xb8;
	v63 =	vld [tilespmem:$0x0]  }
0x48: {  	_ =	swait.ge [sflag:s4], $0x2800  }
0x49: {  	[sflag:s4] =	ssyncset.done $0x0  }
0x4a: {  	s15 =	simm.s32 $0x1300;
	[sflag:s4] =	ssyncadd.s32 $0xFFFFD800  }
0x4b: {  	[tilespmem:s25], [sflag:$0x3] =	stream.indirect.gather [hbm4b:s5+s20], $0x80, s15, s20, $0xb8;
	v63 =	vld [tilespmem:$0x0]  }
0x4c: {  	_ =	swait.ge [sflag:s7], $0x2800  }
0x4d: {  	[sflag:s7] =	ssyncset.done $0x0  }
0x4e: {  	s13 =	simm.s32 $0x800;
	s14 =	simm.s32 $0x1380;
	[sflag:s7] =	ssyncadd.s32 $0xFFFFD800  }
.LBB2_2:
0x4f: {  	[tilespmem:s28], [sflag:$0x4] =	stream.indirect.gather [hbm4b:s5+s20], $0x80, s14, s20, $0xb8;
	v63 =	vld [tilespmem:$0x0]  }
0x50: {  	s14 =	smov.u32 s13  }
0x51: {  	p0 =	sne.s32 s13, $0x3000;
	s13 =	sadd.s32 $0x800, s13;
	_ =	swait.ge [sflag:s29], $0x2800  }
0x52: {  	[sflag:s29] =	ssyncset.done $0x0  }
0x53: {  	s14 =	sshra.s32 s14, $0x2;
	[sflag:s29] =	ssyncadd.s32 $0xFFFFD800  }
0x54: {  	[spmem:s2] =	stream.indirect.scatter.add.f32 [tilespmem:s21], [sflag:$0x5], $0x80, s14, s20, $0xb8;
	v63 =	vld [tilespmem:$0x0]  }
0x55: {  	_ =	swait.ge [sflag:s30], $0x2800  }
0x56: {  	[sflag:s30] =	ssyncset.done $0x0  }
0x57: {  	s15 =	sadd.s32 $0x80, s14;
	[sflag:s30] =	ssyncadd.s32 $0xFFFFD800  }
0x58: {  	[spmem:s2] =	stream.indirect.scatter.add.f32 [tilespmem:s23], [sflag:$0x6], $0x80, s15, s20, $0xb8;
	v63 =	vld [tilespmem:$0x0]  }
0x59: {  	_ =	swait.ge [sflag:s31], $0x2800  }
0x5a: {  	[sflag:s31] =	ssyncset.done $0x0  }
0x5b: {  	s15 =	sadd.s32 $0x100, s14;
	[sflag:s31] =	ssyncadd.s32 $0xFFFFD800  }
0x5c: {  	[spmem:s2] =	stream.indirect.scatter.add.f32 [tilespmem:s25], [sflag:$0x7], $0x80, s15, s20, $0xb8;
	v63 =	vld [tilespmem:$0x0]  }
0x5d: {  	_ =	swait.ge [sflag:s0], $0x2800  }
0x5e: {  	[sflag:s0] =	ssyncset.done $0x0  }
0x5f: {  	s15 =	sadd.s32 $0x180, s14;
	[sflag:s0] =	ssyncadd.s32 $0xFFFFD800  }
0x60: {  	[spmem:s2] =	stream.indirect.scatter.add.f32 [tilespmem:s28], [sflag:$0x8], $0x80, s15, s20, $0xb8;
	v63 =	vld [tilespmem:$0x0]  }
0x61: {  	_ =	swait.ge [sflag:s3], $0x2800  }
0x62: {  	[sflag:s3] =	ssyncset.done $0x0  }
0x63: {  	s15 =	sadd.s32 $0x1200, s14;
	[sflag:s3] =	ssyncadd.s32 $0xFFFFD800  }
0x64: {  	[tilespmem:s21], [sflag:$0x1] =	stream.indirect.gather [hbm4b:s5+s20], $0x80, s15, s20, $0xb8;
	v63 =	vld [tilespmem:$0x0]  }
0x65: {  	_ =	swait.ge [sflag:s1], $0x2800  }
0x66: {  	[sflag:s1] =	ssyncset.done $0x0  }
0x67: {  	s15 =	sadd.s32 $0x1280, s14;
	[sflag:s1] =	ssyncadd.s32 $0xFFFFD800  }
0x68: {  	[tilespmem:s23], [sflag:$0x2] =	stream.indirect.gather [hbm4b:s5+s20], $0x80, s15, s20, $0xb8;
	v63 =	vld [tilespmem:$0x0]  }
0x69: {  	_ =	swait.ge [sflag:s4], $0x2800  }
0x6a: {  	[sflag:s4] =	ssyncset.done $0x0  }
.Ltmp0:
0x6b: {  	s15 =	sadd.s32 $0x1300, s14;
	[sflag:s4] =	ssyncadd.s32 $0xFFFFD800;
	(pc) =	sbr.rel @p0 .LBB2_2-.Ltmp0, $4  }
0x6c: {  	[tilespmem:s25], [sflag:$0x3] =	stream.indirect.gather [hbm4b:s5+s20], $0x80, s15, s20, $0xb8;
	v63 =	vld [tilespmem:$0x0]  }
0x6d: {  	_ =	swait.ge [sflag:s7], $0x2800  }
0x6e: {  	[sflag:s7] =	ssyncset.done $0x0  }
0x6f: {  	s14 =	sadd.s32 $0x1380, s14;
	[sflag:s7] =	ssyncadd.s32 $0xFFFFD800  }
0x70: {  	[tilespmem:s28], [sflag:$0x4] =	stream.indirect.gather [hbm4b:s5+s20], $0x80, s14, s20, $0xb8;
	v63 =	vld [tilespmem:$0x0]  }
0x71: {  	_ =	swait.ge [sflag:s29], $0x2800  }
0x72: {  	[sflag:s29] =	ssyncset.done $0x0  }
0x73: {  	[sflag:s29] =	ssyncadd.s32 $0xFFFFD800  }
0x74: {  	[spmem:s2] =	stream.indirect.scatter.add.f32 [tilespmem:s21], [sflag:$0x5], $0x80, s8, s20, $0xb8;
	v63 =	vld [tilespmem:$0x0]  }
0x75: {  	_ =	swait.ge [sflag:s30], $0x2800  }
0x76: {  	[sflag:s30] =	ssyncset.done $0x0  }
0x77: {  	[sflag:s30] =	ssyncadd.s32 $0xFFFFD800  }
0x78: {  	[spmem:s2] =	stream.indirect.scatter.add.f32 [tilespmem:s23], [sflag:$0x6], $0x80, s9, s20, $0xb8;
	v63 =	vld [tilespmem:$0x0]  }
0x79: {  	_ =	swait.ge [sflag:s31], $0x2800  }
0x7a: {  	[sflag:s31] =	ssyncset.done $0x0  }
0x7b: {  	[sflag:s31] =	ssyncadd.s32 $0xFFFFD800  }
0x7c: {  	[spmem:s2] =	stream.indirect.scatter.add.f32 [tilespmem:s25], [sflag:$0x7], $0x80, s10, s20, $0xb8;
	v63 =	vld [tilespmem:$0x0]  }
0x7d: {  	_ =	swait.ge [sflag:s0], $0x2800  }
0x7e: {  	[sflag:s0] =	ssyncset.done $0x0  }
0x7f: {  	[sflag:s0] =	ssyncadd.s32 $0xFFFFD800  }
0x80: {  	[spmem:s2] =	stream.indirect.scatter.add.f32 [tilespmem:s28], [sflag:$0x8], $0x80, s11, s20, $0xb8;
	v63 =	vld [tilespmem:$0x0]  }
0x81: {  	_ =	swait.ge [sflag:s3], $0x2800  }
0x82: {  	[sflag:s3] =	ssyncset.done $0x0  }
0x83: {  	[sflag:s3] =	ssyncadd.s32 $0xFFFFD800  }
0x84: {  	_ =	swait.ge [sflag:s1], $0x2800  }
0x85: {  	[sflag:s1] =	ssyncset.done $0x0  }
0x86: {  	[sflag:s1] =	ssyncadd.s32 $0xFFFFD800  }
0x87: {  	_ =	swait.ge [sflag:s4], $0x2800  }
0x88: {  	[sflag:s4] =	ssyncset.done $0x0  }
0x89: {  	[sflag:s4] =	ssyncadd.s32 $0xFFFFD800  }
0x8a: {  	_ =	swait.ge [sflag:s7], $0x2800  }
0x8b: {  	[sflag:s7] =	ssyncset.done $0x0  }
0x8c: {  	s13 =	simm.s32 $0x0;
	s15 =	rddreg [dreg:$0x6];
	[sflag:s7] =	ssyncadd.s32 $0xFFFFD800  }
0x8d: {  	[tilespmem:s13], [sflag:$0x9] =	stream.linear.gather [hbm4b:s15+s13], $0x1000, $0x38;
	v63 =	vld [tilespmem:$0x0]  }
0x8e: {  	_ =	swait.ge [sflag:s18], $0x1000  }
0x8f: {  	[sflag:s18] =	ssyncset.done $0x0  }
0x90: {  	s15 =	rddreg [dreg:$0x7];
	[sflag:s18] =	ssyncadd.s32 $0xFFFFF000  }
0x91: {  	[tilespmem:s19], [sflag:$0x9] =	stream.linear.gather [hbm4b:s15+s13], $0x1000, $0x38;
	v63 =	vld [tilespmem:$0x0]  }
0x92: {  	_ =	swait.ge [sflag:s18], $0x1000  }
0x93: {  	[sflag:s18] =	ssyncset.done $0x0  }
0x94: {  	[sflag:s18] =	ssyncadd.s32 $0xFFFFF000  }
0x95: {  	[tilespmem:s21], [sflag:$0x1] =	stream.indirect.gather [hbm4b:s5+s20], $0x80, s19, s20, $0xb8;
	v63 =	vld [tilespmem:$0x0]  }
0x96: {  	_ = 	snop  }
0x97: {  	[tilespmem:s23], [sflag:$0x2] =	stream.indirect.gather [hbm4b:s5+s20], $0x80, s22, s20, $0xb8;
	v63 =	vld [tilespmem:$0x0]  }
0x98: {  	_ = 	snop  }
0x99: {  	[tilespmem:s25], [sflag:$0x3] =	stream.indirect.gather [hbm4b:s5+s20], $0x80, s24, s20, $0xb8;
	v63 =	vld [tilespmem:$0x0]  }
0x9a: {  	_ = 	snop  }
0x9b: {  	[tilespmem:s28], [sflag:$0x4] =	stream.indirect.gather [hbm4b:s5+s20], $0x80, s26, s20, $0xb8;
	v63 =	vld [tilespmem:$0x0]  }
0x9c: {  	_ =	swait.ge [sflag:s29], $0x2800  }
0x9d: {  	[sflag:s29] =	ssyncset.done $0x0  }
0x9e: {  	s15 =	simm.s32 $0x0;
	[sflag:s29] =	ssyncadd.s32 $0xFFFFD800  }
0x9f: {  	[spmem:s2] =	stream.indirect.scatter.add.f32 [tilespmem:s21], [sflag:$0x5], $0x80, s15, s20, $0xb8;
	v63 =	vld [tilespmem:$0x0]  }
0xa0: {  	_ =	swait.ge [sflag:s30], $0x2800  }
0xa1: {  	[sflag:s30] =	ssyncset.done $0x0  }
0xa2: {  	s14 =	simm.s32 $0x80;
	[sflag:s30] =	ssyncadd.s32 $0xFFFFD800  }
0xa3: {  	[spmem:s2] =	stream.indirect.scatter.add.f32 [tilespmem:s23], [sflag:$0x6], $0x80, s14, s20, $0xb8;
	v63 =	vld [tilespmem:$0x0]  }
0xa4: {  	_ =	swait.ge [sflag:s31], $0x2800  }
0xa5: {  	[sflag:s31] =	ssyncset.done $0x0  }
0xa6: {  	s15 =	simm.s32 $0x100;
	[sflag:s31] =	ssyncadd.s32 $0xFFFFD800  }
0xa7: {  	[spmem:s2] =	stream.indirect.scatter.add.f32 [tilespmem:s25], [sflag:$0x7], $0x80, s15, s20, $0xb8;
	v63 =	vld [tilespmem:$0x0]  }
0xa8: {  	_ =	swait.ge [sflag:s0], $0x2800  }
0xa9: {  	[sflag:s0] =	ssyncset.done $0x0  }
0xaa: {  	s14 =	simm.s32 $0x180;
	[sflag:s0] =	ssyncadd.s32 $0xFFFFD800  }
0xab: {  	[spmem:s2] =	stream.indirect.scatter.add.f32 [tilespmem:s28], [sflag:$0x8], $0x80, s14, s20, $0xb8;
	v63 =	vld [tilespmem:$0x0]  }
0xac: {  	_ =	swait.ge [sflag:s3], $0x2800  }
0xad: {  	[sflag:s3] =	ssyncset.done $0x0  }
0xae: {  	s15 =	simm.s32 $0x1200;
	[sflag:s3] =	ssyncadd.s32 $0xFFFFD800  }
0xaf: {  	[tilespmem:s21], [sflag:$0x1] =	stream.indirect.gather [hbm4b:s5+s20], $0x80, s15, s20, $0xb8;
	v63 =	vld [tilespmem:$0x0]  }
0xb0: {  	_ =	swait.ge [sflag:s1], $0x2800  }
0xb1: {  	[sflag:s1] =	ssyncset.done $0x0  }
0xb2: {  	s14 =	simm.s32 $0x1280;
	[sflag:s1] =	ssyncadd.s32 $0xFFFFD800  }
0xb3: {  	[tilespmem:s23], [sflag:$0x2] =	stream.indirect.gather [hbm4b:s5+s20], $0x80, s14, s20, $0xb8;
	v63 =	vld [tilespmem:$0x0]  }
0xb4: {  	_ =	swait.ge [sflag:s4], $0x2800  }
0xb5: {  	[sflag:s4] =	ssyncset.done $0x0  }
0xb6: {  	s15 =	simm.s32 $0x1300;
	[sflag:s4] =	ssyncadd.s32 $0xFFFFD800  }
0xb7: {  	[tilespmem:s25], [sflag:$0x3] =	stream.indirect.gather [hbm4b:s5+s20], $0x80, s15, s20, $0xb8;
	v63 =	vld [tilespmem:$0x0]  }
0xb8: {  	_ =	swait.ge [sflag:s7], $0x2800  }
0xb9: {  	[sflag:s7] =	ssyncset.done $0x0  }
0xba: {  	s13 =	simm.s32 $0x800;
	s14 =	simm.s32 $0x1380;
	[sflag:s7] =	ssyncadd.s32 $0xFFFFD800  }
.LBB2_4:
0xbb: {  	[tilespmem:s28], [sflag:$0x4] =	stream.indirect.gather [hbm4b:s5+s20], $0x80, s14, s20, $0xb8;
	v63 =	vld [tilespmem:$0x0]  }
0xbc: {  	s14 =	smov.u32 s13  }
0xbd: {  	p0 =	sne.s32 s13, $0x3000;
	s13 =	sadd.s32 $0x800, s13;
	_ =	swait.ge [sflag:s29], $0x2800  }
0xbe: {  	[sflag:s29] =	ssyncset.done $0x0  }
0xbf: {  	s14 =	sshra.s32 s14, $0x2;
	[sflag:s29] =	ssyncadd.s32 $0xFFFFD800  }
0xc0: {  	[spmem:s2] =	stream.indirect.scatter.add.f32 [tilespmem:s21], [sflag:$0x5], $0x80, s14, s20, $0xb8;
	v63 =	vld [tilespmem:$0x0]  }
0xc1: {  	_ =	swait.ge [sflag:s30], $0x2800  }
0xc2: {  	[sflag:s30] =	ssyncset.done $0x0  }
0xc3: {  	s15 =	sadd.s32 $0x80, s14;
	[sflag:s30] =	ssyncadd.s32 $0xFFFFD800  }
0xc4: {  	[spmem:s2] =	stream.indirect.scatter.add.f32 [tilespmem:s23], [sflag:$0x6], $0x80, s15, s20, $0xb8;
	v63 =	vld [tilespmem:$0x0]  }
0xc5: {  	_ =	swait.ge [sflag:s31], $0x2800  }
0xc6: {  	[sflag:s31] =	ssyncset.done $0x0  }
0xc7: {  	s15 =	sadd.s32 $0x100, s14;
	[sflag:s31] =	ssyncadd.s32 $0xFFFFD800  }
0xc8: {  	[spmem:s2] =	stream.indirect.scatter.add.f32 [tilespmem:s25], [sflag:$0x7], $0x80, s15, s20, $0xb8;
	v63 =	vld [tilespmem:$0x0]  }
0xc9: {  	_ =	swait.ge [sflag:s0], $0x2800  }
0xca: {  	[sflag:s0] =	ssyncset.done $0x0  }
0xcb: {  	s15 =	sadd.s32 $0x180, s14;
	[sflag:s0] =	ssyncadd.s32 $0xFFFFD800  }
0xcc: {  	[spmem:s2] =	stream.indirect.scatter.add.f32 [tilespmem:s28], [sflag:$0x8], $0x80, s15, s20, $0xb8;
	v63 =	vld [tilespmem:$0x0]  }
0xcd: {  	_ =	swait.ge [sflag:s3], $0x2800  }
0xce: {  	[sflag:s3] =	ssyncset.done $0x0  }
0xcf: {  	s15 =	sadd.s32 $0x1200, s14;
	[sflag:s3] =	ssyncadd.s32 $0xFFFFD800  }
0xd0: {  	[tilespmem:s21], [sflag:$0x1] =	stream.indirect.gather [hbm4b:s5+s20], $0x80, s15, s20, $0xb8;
	v63 =	vld [tilespmem:$0x0]  }
0xd1: {  	_ =	swait.ge [sflag:s1], $0x2800  }
0xd2: {  	[sflag:s1] =	ssyncset.done $0x0  }
0xd3: {  	s15 =	sadd.s32 $0x1280, s14;
	[sflag:s1] =	ssyncadd.s32 $0xFFFFD800  }
0xd4: {  	[tilespmem:s23], [sflag:$0x2] =	stream.indirect.gather [hbm4b:s5+s20], $0x80, s15, s20, $0xb8;
	v63 =	vld [tilespmem:$0x0]  }
0xd5: {  	_ =	swait.ge [sflag:s4], $0x2800  }
0xd6: {  	[sflag:s4] =	ssyncset.done $0x0  }
.Ltmp1:
0xd7: {  	s15 =	sadd.s32 $0x1300, s14;
	[sflag:s4] =	ssyncadd.s32 $0xFFFFD800;
	(pc) =	sbr.rel @p0 .LBB2_4-.Ltmp1, $4  }
0xd8: {  	[tilespmem:s25], [sflag:$0x3] =	stream.indirect.gather [hbm4b:s5+s20], $0x80, s15, s20, $0xb8;
	v63 =	vld [tilespmem:$0x0]  }
0xd9: {  	_ =	swait.ge [sflag:s7], $0x2800  }
0xda: {  	[sflag:s7] =	ssyncset.done $0x0  }
0xdb: {  	s14 =	sadd.s32 $0x1380, s14;
	[sflag:s7] =	ssyncadd.s32 $0xFFFFD800  }
0xdc: {  	[tilespmem:s28], [sflag:$0x4] =	stream.indirect.gather [hbm4b:s5+s20], $0x80, s14, s20, $0xb8;
	v63 =	vld [tilespmem:$0x0]  }
0xdd: {  	_ =	swait.ge [sflag:s29], $0x2800  }
0xde: {  	[sflag:s29] =	ssyncset.done $0x0  }
0xdf: {  	[sflag:s29] =	ssyncadd.s32 $0xFFFFD800  }
0xe0: {  	[spmem:s2] =	stream.indirect.scatter.add.f32 [tilespmem:s21], [sflag:$0x5], $0x80, s8, s20, $0xb8;
	v63 =	vld [tilespmem:$0x0]  }
0xe1: {  	_ =	swait.ge [sflag:s30], $0x2800  }
0xe2: {  	[sflag:s30] =	ssyncset.done $0x0  }
0xe3: {  	[sflag:s30] =	ssyncadd.s32 $0xFFFFD800  }
0xe4: {  	[spmem:s2] =	stream.indirect.scatter.add.f32 [tilespmem:s23], [sflag:$0x6], $0x80, s9, s20, $0xb8;
	v63 =	vld [tilespmem:$0x0]  }
0xe5: {  	_ =	swait.ge [sflag:s31], $0x2800  }
0xe6: {  	[sflag:s31] =	ssyncset.done $0x0  }
0xe7: {  	[sflag:s31] =	ssyncadd.s32 $0xFFFFD800  }
0xe8: {  	[spmem:s2] =	stream.indirect.scatter.add.f32 [tilespmem:s25], [sflag:$0x7], $0x80, s10, s20, $0xb8;
	v63 =	vld [tilespmem:$0x0]  }
0xe9: {  	_ =	swait.ge [sflag:s0], $0x2800  }
0xea: {  	[sflag:s0] =	ssyncset.done $0x0  }
0xeb: {  	[sflag:s0] =	ssyncadd.s32 $0xFFFFD800  }
0xec: {  	[spmem:s2] =	stream.indirect.scatter.add.f32 [tilespmem:s28], [sflag:$0x8], $0x80, s11, s20, $0xb8;
	v63 =	vld [tilespmem:$0x0]  }
0xed: {  	_ =	swait.ge [sflag:s3], $0x2800  }
0xee: {  	[sflag:s3] =	ssyncset.done $0x0  }
0xef: {  	[sflag:s3] =	ssyncadd.s32 $0xFFFFD800  }
0xf0: {  	_ =	swait.ge [sflag:s1], $0x2800  }
0xf1: {  	[sflag:s1] =	ssyncset.done $0x0  }
0xf2: {  	[sflag:s1] =	ssyncadd.s32 $0xFFFFD800  }
0xf3: {  	_ =	swait.ge [sflag:s4], $0x2800  }
0xf4: {  	[sflag:s4] =	ssyncset.done $0x0  }
0xf5: {  	[sflag:s4] =	ssyncadd.s32 $0xFFFFD800  }
0xf6: {  	_ =	swait.ge [sflag:s7], $0x2800  }
0xf7: {  	[sflag:s7] =	ssyncset.done $0x0  }
0xf8: {  	s13 =	simm.s32 $0x0;
	s15 =	rddreg [dreg:$0x8];
	[sflag:s7] =	ssyncadd.s32 $0xFFFFD800  }
0xf9: {  	[tilespmem:s13], [sflag:$0x9] =	stream.linear.gather [hbm4b:s15+s13], $0x1000, $0x38;
	v63 =	vld [tilespmem:$0x0]  }
0xfa: {  	_ =	swait.ge [sflag:s18], $0x1000  }
0xfb: {  	[sflag:s18] =	ssyncset.done $0x0  }
0xfc: {  	s15 =	rddreg [dreg:$0x9];
	[sflag:s18] =	ssyncadd.s32 $0xFFFFF000  }
0xfd: {  	[tilespmem:s19], [sflag:$0x9] =	stream.linear.gather [hbm4b:s15+s13], $0x1000, $0x38;
	v63 =	vld [tilespmem:$0x0]  }
0xfe: {  	_ =	swait.ge [sflag:s18], $0x1000  }
0xff: {  	[sflag:s18] =	ssyncset.done $0x0  }
0x100: {  	[sflag:s18] =	ssyncadd.s32 $0xFFFFF000  }
0x101: {  	[tilespmem:s21], [sflag:$0x1] =	stream.indirect.gather [hbm4b:s5+s20], $0x80, s19, s20, $0xb8;
	v63 =	vld [tilespmem:$0x0]  }
0x102: {  	_ = 	snop  }
0x103: {  	[tilespmem:s23], [sflag:$0x2] =	stream.indirect.gather [hbm4b:s5+s20], $0x80, s22, s20, $0xb8;
	v63 =	vld [tilespmem:$0x0]  }
0x104: {  	_ = 	snop  }
0x105: {  	[tilespmem:s25], [sflag:$0x3] =	stream.indirect.gather [hbm4b:s5+s20], $0x80, s24, s20, $0xb8;
	v63 =	vld [tilespmem:$0x0]  }
0x106: {  	_ = 	snop  }
0x107: {  	[tilespmem:s28], [sflag:$0x4] =	stream.indirect.gather [hbm4b:s5+s20], $0x80, s26, s20, $0xb8;
	v63 =	vld [tilespmem:$0x0]  }
0x108: {  	_ =	swait.ge [sflag:s29], $0x2800  }
0x109: {  	[sflag:s29] =	ssyncset.done $0x0  }
0x10a: {  	s15 =	simm.s32 $0x0;
	[sflag:s29] =	ssyncadd.s32 $0xFFFFD800  }
0x10b: {  	[spmem:s2] =	stream.indirect.scatter.add.f32 [tilespmem:s21], [sflag:$0x5], $0x80, s15, s20, $0xb8;
	v63 =	vld [tilespmem:$0x0]  }
0x10c: {  	_ =	swait.ge [sflag:s30], $0x2800  }
0x10d: {  	[sflag:s30] =	ssyncset.done $0x0  }
0x10e: {  	s14 =	simm.s32 $0x80;
	[sflag:s30] =	ssyncadd.s32 $0xFFFFD800  }
0x10f: {  	[spmem:s2] =	stream.indirect.scatter.add.f32 [tilespmem:s23], [sflag:$0x6], $0x80, s14, s20, $0xb8;
	v63 =	vld [tilespmem:$0x0]  }
0x110: {  	_ =	swait.ge [sflag:s31], $0x2800  }
0x111: {  	[sflag:s31] =	ssyncset.done $0x0  }
0x112: {  	s15 =	simm.s32 $0x100;
	[sflag:s31] =	ssyncadd.s32 $0xFFFFD800  }
0x113: {  	[spmem:s2] =	stream.indirect.scatter.add.f32 [tilespmem:s25], [sflag:$0x7], $0x80, s15, s20, $0xb8;
	v63 =	vld [tilespmem:$0x0]  }
0x114: {  	_ =	swait.ge [sflag:s0], $0x2800  }
0x115: {  	[sflag:s0] =	ssyncset.done $0x0  }
0x116: {  	s14 =	simm.s32 $0x180;
	[sflag:s0] =	ssyncadd.s32 $0xFFFFD800  }
0x117: {  	[spmem:s2] =	stream.indirect.scatter.add.f32 [tilespmem:s28], [sflag:$0x8], $0x80, s14, s20, $0xb8;
	v63 =	vld [tilespmem:$0x0]  }
0x118: {  	_ =	swait.ge [sflag:s3], $0x2800  }
0x119: {  	[sflag:s3] =	ssyncset.done $0x0  }
0x11a: {  	s15 =	simm.s32 $0x1200;
	[sflag:s3] =	ssyncadd.s32 $0xFFFFD800  }
0x11b: {  	[tilespmem:s21], [sflag:$0x1] =	stream.indirect.gather [hbm4b:s5+s20], $0x80, s15, s20, $0xb8;
	v63 =	vld [tilespmem:$0x0]  }
0x11c: {  	_ =	swait.ge [sflag:s1], $0x2800  }
0x11d: {  	[sflag:s1] =	ssyncset.done $0x0  }
0x11e: {  	s14 =	simm.s32 $0x1280;
	[sflag:s1] =	ssyncadd.s32 $0xFFFFD800  }
0x11f: {  	[tilespmem:s23], [sflag:$0x2] =	stream.indirect.gather [hbm4b:s5+s20], $0x80, s14, s20, $0xb8;
	v63 =	vld [tilespmem:$0x0]  }
0x120: {  	_ =	swait.ge [sflag:s4], $0x2800  }
0x121: {  	[sflag:s4] =	ssyncset.done $0x0  }
0x122: {  	s15 =	simm.s32 $0x1300;
	[sflag:s4] =	ssyncadd.s32 $0xFFFFD800  }
0x123: {  	[tilespmem:s25], [sflag:$0x3] =	stream.indirect.gather [hbm4b:s5+s20], $0x80, s15, s20, $0xb8;
	v63 =	vld [tilespmem:$0x0]  }
0x124: {  	_ =	swait.ge [sflag:s7], $0x2800  }
0x125: {  	[sflag:s7] =	ssyncset.done $0x0  }
0x126: {  	s13 =	simm.s32 $0x800;
	s14 =	simm.s32 $0x1380;
	[sflag:s7] =	ssyncadd.s32 $0xFFFFD800  }
.LBB2_6:
0x127: {  	[tilespmem:s28], [sflag:$0x4] =	stream.indirect.gather [hbm4b:s5+s20], $0x80, s14, s20, $0xb8;
	v63 =	vld [tilespmem:$0x0]  }
0x128: {  	s14 =	smov.u32 s13  }
0x129: {  	p0 =	sne.s32 s13, $0x3000;
	s13 =	sadd.s32 $0x800, s13;
	_ =	swait.ge [sflag:s29], $0x2800  }
0x12a: {  	[sflag:s29] =	ssyncset.done $0x0  }
0x12b: {  	s14 =	sshra.s32 s14, $0x2;
	[sflag:s29] =	ssyncadd.s32 $0xFFFFD800  }
0x12c: {  	[spmem:s2] =	stream.indirect.scatter.add.f32 [tilespmem:s21], [sflag:$0x5], $0x80, s14, s20, $0xb8;
	v63 =	vld [tilespmem:$0x0]  }
0x12d: {  	_ =	swait.ge [sflag:s30], $0x2800  }
0x12e: {  	[sflag:s30] =	ssyncset.done $0x0  }
0x12f: {  	s15 =	sadd.s32 $0x80, s14;
	[sflag:s30] =	ssyncadd.s32 $0xFFFFD800  }
0x130: {  	[spmem:s2] =	stream.indirect.scatter.add.f32 [tilespmem:s23], [sflag:$0x6], $0x80, s15, s20, $0xb8;
	v63 =	vld [tilespmem:$0x0]  }
0x131: {  	_ =	swait.ge [sflag:s31], $0x2800  }
0x132: {  	[sflag:s31] =	ssyncset.done $0x0  }
0x133: {  	s15 =	sadd.s32 $0x100, s14;
	[sflag:s31] =	ssyncadd.s32 $0xFFFFD800  }
0x134: {  	[spmem:s2] =	stream.indirect.scatter.add.f32 [tilespmem:s25], [sflag:$0x7], $0x80, s15, s20, $0xb8;
	v63 =	vld [tilespmem:$0x0]  }
0x135: {  	_ =	swait.ge [sflag:s0], $0x2800  }
0x136: {  	[sflag:s0] =	ssyncset.done $0x0  }
0x137: {  	s15 =	sadd.s32 $0x180, s14;
	[sflag:s0] =	ssyncadd.s32 $0xFFFFD800  }
0x138: {  	[spmem:s2] =	stream.indirect.scatter.add.f32 [tilespmem:s28], [sflag:$0x8], $0x80, s15, s20, $0xb8;
	v63 =	vld [tilespmem:$0x0]  }
0x139: {  	_ =	swait.ge [sflag:s3], $0x2800  }
0x13a: {  	[sflag:s3] =	ssyncset.done $0x0  }
0x13b: {  	s15 =	sadd.s32 $0x1200, s14;
	[sflag:s3] =	ssyncadd.s32 $0xFFFFD800  }
0x13c: {  	[tilespmem:s21], [sflag:$0x1] =	stream.indirect.gather [hbm4b:s5+s20], $0x80, s15, s20, $0xb8;
	v63 =	vld [tilespmem:$0x0]  }
0x13d: {  	_ =	swait.ge [sflag:s1], $0x2800  }
0x13e: {  	[sflag:s1] =	ssyncset.done $0x0  }
0x13f: {  	s15 =	sadd.s32 $0x1280, s14;
	[sflag:s1] =	ssyncadd.s32 $0xFFFFD800  }
0x140: {  	[tilespmem:s23], [sflag:$0x2] =	stream.indirect.gather [hbm4b:s5+s20], $0x80, s15, s20, $0xb8;
	v63 =	vld [tilespmem:$0x0]  }
0x141: {  	_ =	swait.ge [sflag:s4], $0x2800  }
0x142: {  	[sflag:s4] =	ssyncset.done $0x0  }
.Ltmp2:
0x143: {  	s15 =	sadd.s32 $0x1300, s14;
	[sflag:s4] =	ssyncadd.s32 $0xFFFFD800;
	(pc) =	sbr.rel @p0 .LBB2_6-.Ltmp2, $4  }
0x144: {  	[tilespmem:s25], [sflag:$0x3] =	stream.indirect.gather [hbm4b:s5+s20], $0x80, s15, s20, $0xb8;
	v63 =	vld [tilespmem:$0x0]  }
0x145: {  	_ =	swait.ge [sflag:s7], $0x2800  }
0x146: {  	[sflag:s7] =	ssyncset.done $0x0  }
0x147: {  	s14 =	sadd.s32 $0x1380, s14;
	[sflag:s7] =	ssyncadd.s32 $0xFFFFD800  }
0x148: {  	[tilespmem:s28], [sflag:$0x4] =	stream.indirect.gather [hbm4b:s5+s20], $0x80, s14, s20, $0xb8;
	v63 =	vld [tilespmem:$0x0]  }
0x149: {  	_ =	swait.ge [sflag:s29], $0x2800  }
0x14a: {  	[sflag:s29] =	ssyncset.done $0x0  }
0x14b: {  	[sflag:s29] =	ssyncadd.s32 $0xFFFFD800  }
0x14c: {  	[spmem:s2] =	stream.indirect.scatter.add.f32 [tilespmem:s21], [sflag:$0x5], $0x80, s8, s20, $0xb8;
	v63 =	vld [tilespmem:$0x0]  }
0x14d: {  	_ =	swait.ge [sflag:s30], $0x2800  }
0x14e: {  	[sflag:s30] =	ssyncset.done $0x0  }
0x14f: {  	[sflag:s30] =	ssyncadd.s32 $0xFFFFD800  }
0x150: {  	[spmem:s2] =	stream.indirect.scatter.add.f32 [tilespmem:s23], [sflag:$0x6], $0x80, s9, s20, $0xb8;
	v63 =	vld [tilespmem:$0x0]  }
0x151: {  	_ =	swait.ge [sflag:s31], $0x2800  }
0x152: {  	[sflag:s31] =	ssyncset.done $0x0  }
0x153: {  	[sflag:s31] =	ssyncadd.s32 $0xFFFFD800  }
0x154: {  	[spmem:s2] =	stream.indirect.scatter.add.f32 [tilespmem:s25], [sflag:$0x7], $0x80, s10, s20, $0xb8;
	v63 =	vld [tilespmem:$0x0]  }
0x155: {  	_ =	swait.ge [sflag:s0], $0x2800  }
0x156: {  	[sflag:s0] =	ssyncset.done $0x0  }
0x157: {  	[sflag:s0] =	ssyncadd.s32 $0xFFFFD800  }
0x158: {  	[spmem:s2] =	stream.indirect.scatter.add.f32 [tilespmem:s28], [sflag:$0x8], $0x80, s11, s20, $0xb8;
	v63 =	vld [tilespmem:$0x0]  }
0x159: {  	_ =	swait.ge [sflag:s3], $0x2800  }
0x15a: {  	[sflag:s3] =	ssyncset.done $0x0  }
0x15b: {  	[sflag:s3] =	ssyncadd.s32 $0xFFFFD800  }
0x15c: {  	_ =	swait.ge [sflag:s1], $0x2800  }
0x15d: {  	[sflag:s1] =	ssyncset.done $0x0  }
0x15e: {  	[sflag:s1] =	ssyncadd.s32 $0xFFFFD800  }
0x15f: {  	_ =	swait.ge [sflag:s4], $0x2800  }
0x160: {  	[sflag:s4] =	ssyncset.done $0x0  }
0x161: {  	[sflag:s4] =	ssyncadd.s32 $0xFFFFD800  }
0x162: {  	_ =	swait.ge [sflag:s7], $0x2800  }
0x163: {  	[sflag:s7] =	ssyncset.done $0x0  }
0x164: {  	s13 =	simm.s32 $0x0;
	s15 =	rddreg [dreg:$0xa];
	[sflag:s7] =	ssyncadd.s32 $0xFFFFD800  }
0x165: {  	[tilespmem:s13], [sflag:$0x9] =	stream.linear.gather [hbm4b:s15+s13], $0x1000, $0x38;
	v63 =	vld [tilespmem:$0x0]  }
0x166: {  	_ =	swait.ge [sflag:s18], $0x1000  }
0x167: {  	[sflag:s18] =	ssyncset.done $0x0  }
0x168: {  	s15 =	rddreg [dreg:$0xb];
	[sflag:s18] =	ssyncadd.s32 $0xFFFFF000  }
0x169: {  	[tilespmem:s19], [sflag:$0x9] =	stream.linear.gather [hbm4b:s15+s13], $0x1000, $0x38;
	v63 =	vld [tilespmem:$0x0]  }
0x16a: {  	_ =	swait.ge [sflag:s18], $0x1000  }
0x16b: {  	[sflag:s18] =	ssyncset.done $0x0  }
0x16c: {  	[sflag:s18] =	ssyncadd.s32 $0xFFFFF000  }
0x16d: {  	[tilespmem:s21], [sflag:$0x1] =	stream.indirect.gather [hbm4b:s5+s20], $0x80, s19, s20, $0xb8;
	v63 =	vld [tilespmem:$0x0]  }
0x16e: {  	_ = 	snop  }
0x16f: {  	[tilespmem:s23], [sflag:$0x2] =	stream.indirect.gather [hbm4b:s5+s20], $0x80, s22, s20, $0xb8;
	v63 =	vld [tilespmem:$0x0]  }
0x170: {  	_ = 	snop  }
0x171: {  	[tilespmem:s25], [sflag:$0x3] =	stream.indirect.gather [hbm4b:s5+s20], $0x80, s24, s20, $0xb8;
	v63 =	vld [tilespmem:$0x0]  }
0x172: {  	_ = 	snop  }
0x173: {  	[tilespmem:s28], [sflag:$0x4] =	stream.indirect.gather [hbm4b:s5+s20], $0x80, s26, s20, $0xb8;
	v63 =	vld [tilespmem:$0x0]  }
0x174: {  	_ =	swait.ge [sflag:s29], $0x2800  }
0x175: {  	[sflag:s29] =	ssyncset.done $0x0  }
0x176: {  	s15 =	simm.s32 $0x0;
	[sflag:s29] =	ssyncadd.s32 $0xFFFFD800  }
0x177: {  	[spmem:s2] =	stream.indirect.scatter.add.f32 [tilespmem:s21], [sflag:$0x5], $0x80, s15, s20, $0xb8;
	v63 =	vld [tilespmem:$0x0]  }
0x178: {  	_ =	swait.ge [sflag:s30], $0x2800  }
0x179: {  	[sflag:s30] =	ssyncset.done $0x0  }
0x17a: {  	s14 =	simm.s32 $0x80;
	[sflag:s30] =	ssyncadd.s32 $0xFFFFD800  }
0x17b: {  	[spmem:s2] =	stream.indirect.scatter.add.f32 [tilespmem:s23], [sflag:$0x6], $0x80, s14, s20, $0xb8;
	v63 =	vld [tilespmem:$0x0]  }
0x17c: {  	_ =	swait.ge [sflag:s31], $0x2800  }
0x17d: {  	[sflag:s31] =	ssyncset.done $0x0  }
0x17e: {  	s15 =	simm.s32 $0x100;
	[sflag:s31] =	ssyncadd.s32 $0xFFFFD800  }
0x17f: {  	[spmem:s2] =	stream.indirect.scatter.add.f32 [tilespmem:s25], [sflag:$0x7], $0x80, s15, s20, $0xb8;
	v63 =	vld [tilespmem:$0x0]  }
0x180: {  	_ =	swait.ge [sflag:s0], $0x2800  }
0x181: {  	[sflag:s0] =	ssyncset.done $0x0  }
0x182: {  	s14 =	simm.s32 $0x180;
	[sflag:s0] =	ssyncadd.s32 $0xFFFFD800  }
0x183: {  	[spmem:s2] =	stream.indirect.scatter.add.f32 [tilespmem:s28], [sflag:$0x8], $0x80, s14, s20, $0xb8;
	v63 =	vld [tilespmem:$0x0]  }
0x184: {  	_ =	swait.ge [sflag:s3], $0x2800  }
0x185: {  	[sflag:s3] =	ssyncset.done $0x0  }
0x186: {  	s15 =	simm.s32 $0x1200;
	[sflag:s3] =	ssyncadd.s32 $0xFFFFD800  }
0x187: {  	[tilespmem:s21], [sflag:$0x1] =	stream.indirect.gather [hbm4b:s5+s20], $0x80, s15, s20, $0xb8;
	v63 =	vld [tilespmem:$0x0]  }
0x188: {  	_ =	swait.ge [sflag:s1], $0x2800  }
0x189: {  	[sflag:s1] =	ssyncset.done $0x0  }
0x18a: {  	s14 =	simm.s32 $0x1280;
	[sflag:s1] =	ssyncadd.s32 $0xFFFFD800  }
0x18b: {  	[tilespmem:s23], [sflag:$0x2] =	stream.indirect.gather [hbm4b:s5+s20], $0x80, s14, s20, $0xb8;
	v63 =	vld [tilespmem:$0x0]  }
0x18c: {  	_ =	swait.ge [sflag:s4], $0x2800  }
0x18d: {  	[sflag:s4] =	ssyncset.done $0x0  }
0x18e: {  	s15 =	simm.s32 $0x1300;
	[sflag:s4] =	ssyncadd.s32 $0xFFFFD800  }
0x18f: {  	[tilespmem:s25], [sflag:$0x3] =	stream.indirect.gather [hbm4b:s5+s20], $0x80, s15, s20, $0xb8;
	v63 =	vld [tilespmem:$0x0]  }
0x190: {  	_ =	swait.ge [sflag:s7], $0x2800  }
0x191: {  	[sflag:s7] =	ssyncset.done $0x0  }
0x192: {  	s13 =	simm.s32 $0x800;
	s14 =	simm.s32 $0x1380;
	[sflag:s7] =	ssyncadd.s32 $0xFFFFD800  }
.LBB2_8:
0x193: {  	[tilespmem:s28], [sflag:$0x4] =	stream.indirect.gather [hbm4b:s5+s20], $0x80, s14, s20, $0xb8;
	v63 =	vld [tilespmem:$0x0]  }
0x194: {  	s14 =	smov.u32 s13  }
0x195: {  	p0 =	sne.s32 s13, $0x3000;
	s13 =	sadd.s32 $0x800, s13;
	_ =	swait.ge [sflag:s29], $0x2800  }
0x196: {  	[sflag:s29] =	ssyncset.done $0x0  }
0x197: {  	s14 =	sshra.s32 s14, $0x2;
	[sflag:s29] =	ssyncadd.s32 $0xFFFFD800  }
0x198: {  	[spmem:s2] =	stream.indirect.scatter.add.f32 [tilespmem:s21], [sflag:$0x5], $0x80, s14, s20, $0xb8;
	v63 =	vld [tilespmem:$0x0]  }
0x199: {  	_ =	swait.ge [sflag:s30], $0x2800  }
0x19a: {  	[sflag:s30] =	ssyncset.done $0x0  }
0x19b: {  	s15 =	sadd.s32 $0x80, s14;
	[sflag:s30] =	ssyncadd.s32 $0xFFFFD800  }
0x19c: {  	[spmem:s2] =	stream.indirect.scatter.add.f32 [tilespmem:s23], [sflag:$0x6], $0x80, s15, s20, $0xb8;
	v63 =	vld [tilespmem:$0x0]  }
0x19d: {  	_ =	swait.ge [sflag:s31], $0x2800  }
0x19e: {  	[sflag:s31] =	ssyncset.done $0x0  }
0x19f: {  	s15 =	sadd.s32 $0x100, s14;
	[sflag:s31] =	ssyncadd.s32 $0xFFFFD800  }
0x1a0: {  	[spmem:s2] =	stream.indirect.scatter.add.f32 [tilespmem:s25], [sflag:$0x7], $0x80, s15, s20, $0xb8;
	v63 =	vld [tilespmem:$0x0]  }
0x1a1: {  	_ =	swait.ge [sflag:s0], $0x2800  }
0x1a2: {  	[sflag:s0] =	ssyncset.done $0x0  }
0x1a3: {  	s15 =	sadd.s32 $0x180, s14;
	[sflag:s0] =	ssyncadd.s32 $0xFFFFD800  }
0x1a4: {  	[spmem:s2] =	stream.indirect.scatter.add.f32 [tilespmem:s28], [sflag:$0x8], $0x80, s15, s20, $0xb8;
	v63 =	vld [tilespmem:$0x0]  }
0x1a5: {  	_ =	swait.ge [sflag:s3], $0x2800  }
0x1a6: {  	[sflag:s3] =	ssyncset.done $0x0  }
0x1a7: {  	s15 =	sadd.s32 $0x1200, s14;
	[sflag:s3] =	ssyncadd.s32 $0xFFFFD800  }
0x1a8: {  	[tilespmem:s21], [sflag:$0x1] =	stream.indirect.gather [hbm4b:s5+s20], $0x80, s15, s20, $0xb8;
	v63 =	vld [tilespmem:$0x0]  }
0x1a9: {  	_ =	swait.ge [sflag:s1], $0x2800  }
0x1aa: {  	[sflag:s1] =	ssyncset.done $0x0  }
0x1ab: {  	s15 =	sadd.s32 $0x1280, s14;
	[sflag:s1] =	ssyncadd.s32 $0xFFFFD800  }
0x1ac: {  	[tilespmem:s23], [sflag:$0x2] =	stream.indirect.gather [hbm4b:s5+s20], $0x80, s15, s20, $0xb8;
	v63 =	vld [tilespmem:$0x0]  }
0x1ad: {  	_ =	swait.ge [sflag:s4], $0x2800  }
0x1ae: {  	[sflag:s4] =	ssyncset.done $0x0  }
.Ltmp3:
0x1af: {  	s15 =	sadd.s32 $0x1300, s14;
	[sflag:s4] =	ssyncadd.s32 $0xFFFFD800;
	(pc) =	sbr.rel @p0 .LBB2_8-.Ltmp3, $4  }
0x1b0: {  	[tilespmem:s25], [sflag:$0x3] =	stream.indirect.gather [hbm4b:s5+s20], $0x80, s15, s20, $0xb8;
	v63 =	vld [tilespmem:$0x0]  }
0x1b1: {  	_ =	swait.ge [sflag:s7], $0x2800  }
0x1b2: {  	[sflag:s7] =	ssyncset.done $0x0  }
0x1b3: {  	s14 =	sadd.s32 $0x1380, s14;
	[sflag:s7] =	ssyncadd.s32 $0xFFFFD800  }
0x1b4: {  	[tilespmem:s28], [sflag:$0x4] =	stream.indirect.gather [hbm4b:s5+s20], $0x80, s14, s20, $0xb8;
	v63 =	vld [tilespmem:$0x0]  }
0x1b5: {  	_ =	swait.ge [sflag:s29], $0x2800  }
0x1b6: {  	[sflag:s29] =	ssyncset.done $0x0  }
0x1b7: {  	[sflag:s29] =	ssyncadd.s32 $0xFFFFD800  }
0x1b8: {  	[spmem:s2] =	stream.indirect.scatter.add.f32 [tilespmem:s21], [sflag:$0x5], $0x80, s8, s20, $0xb8;
	v63 =	vld [tilespmem:$0x0]  }
0x1b9: {  	_ =	swait.ge [sflag:s30], $0x2800  }
0x1ba: {  	[sflag:s30] =	ssyncset.done $0x0  }
0x1bb: {  	[sflag:s30] =	ssyncadd.s32 $0xFFFFD800  }
0x1bc: {  	[spmem:s2] =	stream.indirect.scatter.add.f32 [tilespmem:s23], [sflag:$0x6], $0x80, s9, s20, $0xb8;
	v63 =	vld [tilespmem:$0x0]  }
0x1bd: {  	_ =	swait.ge [sflag:s31], $0x2800  }
0x1be: {  	[sflag:s31] =	ssyncset.done $0x0  }
0x1bf: {  	[sflag:s31] =	ssyncadd.s32 $0xFFFFD800  }
0x1c0: {  	[spmem:s2] =	stream.indirect.scatter.add.f32 [tilespmem:s25], [sflag:$0x7], $0x80, s10, s20, $0xb8;
	v63 =	vld [tilespmem:$0x0]  }
0x1c1: {  	_ =	swait.ge [sflag:s0], $0x2800  }
0x1c2: {  	[sflag:s0] =	ssyncset.done $0x0  }
0x1c3: {  	[sflag:s0] =	ssyncadd.s32 $0xFFFFD800  }
0x1c4: {  	[spmem:s2] =	stream.indirect.scatter.add.f32 [tilespmem:s28], [sflag:$0x8], $0x80, s11, s20, $0xb8;
	v63 =	vld [tilespmem:$0x0]  }
0x1c5: {  	_ =	swait.ge [sflag:s3], $0x2800  }
0x1c6: {  	[sflag:s3] =	ssyncset.done $0x0  }
0x1c7: {  	[sflag:s3] =	ssyncadd.s32 $0xFFFFD800  }
0x1c8: {  	_ =	swait.ge [sflag:s1], $0x2800  }
0x1c9: {  	[sflag:s1] =	ssyncset.done $0x0  }
0x1ca: {  	[sflag:s1] =	ssyncadd.s32 $0xFFFFD800  }
0x1cb: {  	_ =	swait.ge [sflag:s4], $0x2800  }
0x1cc: {  	[sflag:s4] =	ssyncset.done $0x0  }
0x1cd: {  	[sflag:s4] =	ssyncadd.s32 $0xFFFFD800  }
0x1ce: {  	_ =	swait.ge [sflag:s7], $0x2800  }
0x1cf: {  	[sflag:s7] =	ssyncset.done $0x0  }
0x1d0: {  	s12 =	sadd.s32 $0x1, s12;
	[sflag:s7] =	ssyncadd.s32 $0xFFFFD800  }
0x1d1: {  	p0 =	sne.s32 s12, s16;
	[bflag:$0x0] =	sbarrier.arrive $0xFFFF  }
.Ltmp4:
0x1d2: {  	s13 =	rddreg [dreg:$0xc];
	(pc) =	sbr.rel @p0 .LBB2_1-.Ltmp4, $4  }
0x1d3: {  	[hbm:s13], [sflag:s6] =	dma.local [spmem:s17], $0x2800  }
0x1d4: {  	_ =	swait.ge [sflag:s18], $0x2800  }
0x1d5: {  	[sflag:s18] =	ssyncset.done $0x0  }
0x1d6: {  	[sflag:s18] =	ssyncadd.s32 $0xFFFFD800  }
0x1d7: {  	_ =	sfence.sel $0x180000  }
0x1d8: {  	[bflag:$0x0] =	sbarrier.arrive $0xFFFF  }
0x1d9: {  	_ =	strace $0x9000004A  }
0x1da: {  	s0 =	stileid.u32;
	[bflag:$0x2] =	sbarrier.arrive $0xFFFF  }
0x1db: {  	p0 =	sne.s32 s0, $0x0;
	s0 =	rddreg [dreg:$0x3]  }
0x1dc: {  	s0 =	sadd.s32 @!p0 $0x100000, s0  }
0x1dd: {  	[sflag:s0] =	ssyncadd.tile.s32 @!p0 $0x1;
	_ =	shalt  }
.Lfunc_end2:
_tile_overlayer_lowered:
.L_overlay_start_2:
0x1de: {  	(tag) =	ssettag $0x2  }
0x1df: {  	s0 =	rddreg [dreg:$0x0];
	s2 =	stileid.u32  }
0x1e0: {  	s1 =	rddreg [dreg:$0x1];
	p0 =	sne.s32 s2, $0x0  }
0x1e1: {  	s3 =	rddreg [dreg:$0x2];
	[bflag:$0x3] =	sbarrier.arrive $0xFFFF;
	s2 =	simm.s32 @!p0 $0x1C09  }
0x1e2: {  	[timem:s3], [sflag:s2] =	dma.local @!p0 [hbm:s0], s1  }
0x1e3: {  	s0 =	simm.s32 @!p0 $0x9  }
0x1e4: {  	_ =	swait.ge @!p0 [sflag:s0], s1  }
0x1e5: {  	s1 =	ssub.s32 @!p0 $0x0, s1;
	[sflag:s0] =	ssyncset.done @!p0 $0x0  }
0x1e6: {  	[sflag:s0] =	ssyncadd.s32 @!p0 s1  }
0x1e7: {  	[bflag:$0x3] =	sbarrier.arrive $0xFFFF  }
0x1e8: {  	_ =	shalt  }

</sc_bundles>
